<compile_context>
chip_gen: v7x
topology: tpu7x:2x2x1
jax: 0.10.2.dev20260603
libtpu: 0.0.44.dev20260713+nightly
codegen_flags: <defaults>
</compile_context>

<pallas_src>
import dataclasses
import functools

import jax
import jax.numpy as jnp
from jax import lax
from jax.experimental import pallas as pl
from jax.experimental.pallas import tpu as pltpu
from jax.experimental.pallas import tpu_sc as plsc

NC = 2
NS = 16
NW = NC * NS
CH = 128
BR = 1024


def _sc_mesh():
    return plsc.VectorSubcoreMesh(
        core_axis_name="c", subcore_axis_name="s", num_cores=NC, num_subcores=NS
    )


def _deg_partials(dst_p, zeros1d, npad, ept, nch):

    @functools.partial(
        pl.kernel,
        out_type=jax.ShapeDtypeStruct((NW, npad), jnp.float32),
        mesh=_sc_mesh(),
        scratch_types=[
            pltpu.VMEM((CH,), jnp.int32),
            pltpu.VMEM((npad,), jnp.float32),
        ],
        compiler_params=dataclasses.replace(
            pltpu.CompilerParams(), needs_layout_passes=False
        ),
    )
    def deg_kernel(dst_hbm, zeros_hbm, out_hbm, didx, hist):
        c = lax.axis_index("c")
        s = lax.axis_index("s")
        w = c * NS + s
        pltpu.sync_copy(zeros_hbm, hist)
        base = w * ept

        @pl.loop(0, nch)
        def _(j):
            pltpu.sync_copy(dst_hbm.at[pl.ds(base + j * CH, CH)], didx)

            @pl.loop(0, CH // 16)
            def __(k):
                idxv = didx[pl.ds(k * 16, 16)]
                plsc.addupdate_scatter(hist, [idxv], jnp.full((16,), 1.0, jnp.float32))

        pltpu.sync_copy(hist, out_hbm.at[w])

    return deg_kernel(dst_p, zeros1d)


def _scatter_partials(z, src_p, dst_p, zeros_row, npad, ept, nch):

    @functools.partial(
        pl.kernel,
        out_type=jax.ShapeDtypeStruct((NC, npad, 128), jnp.float32),
        mesh=_sc_mesh(),
        scratch_types=[
            pltpu.VMEM((CH,), jnp.int32),
            pltpu.VMEM((CH,), jnp.int32),
            pltpu.VMEM((CH,), jnp.int32),
            pltpu.VMEM((CH,), jnp.int32),
            pltpu.VMEM((CH, 128), jnp.float32),
            pltpu.VMEM((CH, 128), jnp.float32),
            pltpu.VMEM_SHARED((npad, 128), jnp.float32),
            pltpu.SemaphoreType.DMA,
            pltpu.SemaphoreType.DMA,
        ],
    )
    def scat_kernel(z_hbm, src_hbm, dst_hbm, zeros_hbm, out_hbm,
                    sidx0, didx0, sidx1, didx1, rows0, rows1, acc,
                    sem_g0, sem_g1):
        c = lax.axis_index("c")
        s = lax.axis_index("s")
        rpt = npad // NS
        base = (c * NS + s) * ept
        pltpu.sync_copy(zeros_hbm.at[pl.ds(s * rpt, rpt)], acc.at[pl.ds(s * rpt, rpt)])
        plsc.subcore_barrier()

        def load_idx(j, sidx, didx):
            eb = base + j * CH
            pltpu.sync_copy(src_hbm.at[pl.ds(eb, CH)], sidx)
            pltpu.sync_copy(dst_hbm.at[pl.ds(eb, CH)], didx)

        load_idx(0, sidx0, didx0)
        pltpu.async_copy(z_hbm.at[sidx0], rows0, sem_g0)
        load_idx(1, sidx1, didx1)
        pltpu.async_copy(z_hbm.at[sidx1], rows1, sem_g1)

        @pl.loop(0, (nch - 3) // 2)
        def _(p):
            j0 = 2 * p
            pltpu.make_async_copy(z_hbm.at[sidx0], rows0, sem_g0).wait()
            pltpu.sync_copy(rows0, acc.at[didx0], add=True)
            load_idx(j0 + 2, sidx0, didx0)
            pltpu.async_copy(z_hbm.at[sidx0], rows0, sem_g0)
            pltpu.make_async_copy(z_hbm.at[sidx1], rows1, sem_g1).wait()
            pltpu.sync_copy(rows1, acc.at[didx1], add=True)
            load_idx(j0 + 3, sidx1, didx1)
            pltpu.async_copy(z_hbm.at[sidx1], rows1, sem_g1)

        pltpu.make_async_copy(z_hbm.at[sidx0], rows0, sem_g0).wait()
        pltpu.sync_copy(rows0, acc.at[didx0], add=True)
        load_idx(nch - 1, sidx0, didx0)
        pltpu.async_copy(z_hbm.at[sidx0], rows0, sem_g0)
        pltpu.make_async_copy(z_hbm.at[sidx1], rows1, sem_g1).wait()
        pltpu.sync_copy(rows1, acc.at[didx1], add=True)
        pltpu.make_async_copy(z_hbm.at[sidx0], rows0, sem_g0).wait()
        pltpu.sync_copy(rows0, acc.at[didx0], add=True)

        plsc.subcore_barrier()
        pltpu.sync_copy(acc.at[pl.ds(s * rpt, rpt)], out_hbm.at[c, pl.ds(s * rpt, rpt)])
        pltpu.sync_copy(acc.at[pl.ds(s * rpt, rpt)], out_hbm.at[c, pl.ds(s * rpt, rpt)])

    return scat_kernel(z, src_p, dst_p, zeros_row)


def _row_spec():
    return pl.BlockSpec((BR, 128), lambda i: (i, 0))


def _w_spec():
    return pl.BlockSpec((128, 128), lambda i: (0, 0))


def _b_spec():
    return pl.BlockSpec((1, 128), lambda i: (0, 0))


def _s_spec():
    return pl.BlockSpec((2, BR, 128), lambda i: (0, i, 0))


def _dinv_and_z0(degp, xw0):
    npad = xw0.shape[0]

    def body(dp_ref, xw_ref, dv_ref, z_ref):
        dp = dp_ref[...]
        ones = jnp.ones((NW, 128), jnp.float32)
        deg = 1.0 + lax.dot_general(
            dp, ones, (((0,), (0,)), ((), ())), preferred_element_type=jnp.float32
        )
        dv = lax.rsqrt(deg)
        dv_ref[...] = dv
        z_ref[...] = dv * xw_ref[...]

    return pl.pallas_call(
        body,
        grid=(npad // BR,),
        in_specs=[pl.BlockSpec((NW, BR), lambda i: (0, i)), _row_spec()],
        out_specs=[_row_spec(), _row_spec()],
        out_shape=[
            jax.ShapeDtypeStruct((npad, 128), jnp.float32),
            jax.ShapeDtypeStruct((npad, 128), jnp.float32),
        ],
    )(degp, xw0)


def _matmul(act, w):
    npad = act.shape[0]

    def body(a_ref, w_ref, z_ref):
        z_ref[...] = jnp.dot(a_ref[...], w_ref[...], preferred_element_type=jnp.float32)

    return pl.pallas_call(
        body,
        grid=(npad // BR,),
        in_specs=[_row_spec(), _w_spec()],
        out_specs=_row_spec(),
        out_shape=jax.ShapeDtypeStruct((npad, 128), jnp.float32),
    )(act, w)


def _linear(act, w, b):
    npad = act.shape[0]

    def body(a_ref, w_ref, b_ref, o_ref):
        o_ref[...] = (
            jnp.dot(a_ref[...], w_ref[...], preferred_element_type=jnp.float32)
            + b_ref[...]
        )

    return pl.pallas_call(
        body,
        grid=(npad // BR,),
        in_specs=[_row_spec(), _w_spec(), _b_spec()],
        out_specs=_row_spec(),
        out_shape=jax.ShapeDtypeStruct((npad, 128), jnp.float32),
    )(act, w, b)


def _stage_b(s, z0, dinv, b, w):
    npad = z0.shape[0]

    def body(s_ref, z0_ref, dv_ref, b_ref, w_ref, h_ref, z1_ref):
        dv = dv_ref[...]
        g = dv * (s_ref[0] + s_ref[1] + z0_ref[...]) + b_ref[...]
        h = jnp.maximum(g, 0.0)
        h_ref[...] = h
        z1_ref[...] = dv * jnp.dot(h, w_ref[...], preferred_element_type=jnp.float32)

    return pl.pallas_call(
        body,
        grid=(npad // BR,),
        in_specs=[_s_spec(), _row_spec(), _row_spec(), _b_spec(), _w_spec()],
        out_specs=[_row_spec(), _row_spec()],
        out_shape=[
            jax.ShapeDtypeStruct((npad, 128), jnp.float32),
            jax.ShapeDtypeStruct((npad, 128), jnp.float32),
        ],
    )(s, z0, dinv, b, w)


def _stage_c(s, z1, dinv, b, skip, w):
    npad = z1.shape[0]

    def body(s_ref, z1_ref, dv_ref, b_ref, k_ref, w_ref, z2_ref):
        dv = dv_ref[...]
        g = dv * (s_ref[0] + s_ref[1] + z1_ref[...]) + b_ref[...]
        h = jnp.maximum(g, 0.0) + k_ref[...]
        z2_ref[...] = dv * jnp.dot(h, w_ref[...], preferred_element_type=jnp.float32)

    return pl.pallas_call(
        body,
        grid=(npad // BR,),
        in_specs=[_s_spec(), _row_spec(), _row_spec(), _b_spec(), _row_spec(), _w_spec()],
        out_specs=_row_spec(),
        out_shape=jax.ShapeDtypeStruct((npad, 128), jnp.float32),
    )(s, z1, dinv, b, skip, w)


def _stage_d(s, z2, dinv, b):
    npad = z2.shape[0]

    def body(s_ref, z2_ref, dv_ref, b_ref, o_ref):
        o_ref[...] = dv_ref[...] * (s_ref[0] + s_ref[1] + z2_ref[...]) + b_ref[...]

    return pl.pallas_call(
        body,
        grid=(npad // BR,),
        in_specs=[_s_spec(), _row_spec(), _row_spec(), _b_spec()],
        out_specs=_row_spec(),
        out_shape=jax.ShapeDtypeStruct((npad, 128), jnp.float32),
    )(s, z2, dinv, b)


def kernel(x, edge_index, W0, b0, W1, b1, W2, b2, Ws, bs):
    n, d_in = x.shape
    e = edge_index.shape[1]
    assert d_in == 128

    npad = -(-(n + 1) // BR) * BR
    ept = -(-e // (NW * CH)) * CH
    epad = ept * NW
    nch = ept // CH

    src = edge_index[0]
    dst = edge_index[1]
    pad_e = epad - e
    src_p = jnp.concatenate([src, jnp.zeros((pad_e,), jnp.int32)])
    pad_dst = n + jnp.arange(pad_e, dtype=jnp.int32) % (npad - n)
    dst_p = jnp.concatenate([dst, pad_dst])
    x_p = jnp.zeros((npad, d_in), jnp.float32).at[:n].set(x)
    zeros1d = jnp.zeros((npad,), jnp.float32)
    zeros_row = jnp.zeros((npad, 128), jnp.float32)
    b0r = b0.reshape(1, 128)
    b1r = b1.reshape(1, 128)
    b2r = b2.reshape(1, 128)
    bsr = bs.reshape(1, 128)

    degp = _deg_partials(dst_p, zeros1d, npad, ept, nch)
    xw0 = _matmul(x_p, W0)
    dinv, z0 = _dinv_and_z0(degp, xw0)
    s0 = _scatter_partials(z0, src_p, dst_p, zeros_row, npad, ept, nch)
    h0, z1 = _stage_b(s0, z0, dinv, b0r, W1)
    skip = _linear(h0, Ws, bsr)
    s1 = _scatter_partials(z1, src_p, dst_p, zeros_row, npad, ept, nch)
    z2 = _stage_c(s1, z1, dinv, b1r, skip, W2)
    s2 = _scatter_partials(z2, src_p, dst_p, zeros_row, npad, ept, nch)
    out = _stage_d(s2, z2, dinv, b2r)
    return out[:n]

# --- scband reference (transcript-rebuilt; emitter-appended) ---
"""Pipeline reference for scband-improved-gcn-6665789243727 (READ-ONLY COPY).

The authoritative reference and input builder live on the scoring server;
editing this copy changes nothing except your own understanding.
"""

import jax, jax.numpy as jnp
import numpy as np

N = 10000
D_IN = 128
D_HID = 128
D_OUT = 128
E = 320000


def _glorot(key, shape):
    fan_in, fan_out = shape[0], shape[1]
    scale = jnp.sqrt(2.0 / (fan_in + fan_out))
    return (jax.random.normal(key, shape, dtype=jnp.float32) * scale).astype(jnp.float32)


def setup_inputs(seed: int = 0):
    key = jax.random.key(seed)
    ks = jax.random.split(key, 12)
    x = jax.random.normal(ks[0], (N, D_IN), dtype=jnp.float32)
    edge_index = jax.random.randint(ks[1], (2, E), 0, N, dtype=jnp.int32)
    W0 = _glorot(ks[2], (D_IN, D_HID))
    b0 = jnp.zeros((D_HID,), dtype=jnp.float32)
    W1 = _glorot(ks[3], (D_HID, D_HID))
    b1 = jnp.zeros((D_HID,), dtype=jnp.float32)
    W2 = _glorot(ks[4], (D_HID, D_OUT))
    b2 = jnp.zeros((D_OUT,), dtype=jnp.float32)
    Ws = _glorot(ks[5], (D_HID, D_HID))
    bs = jnp.zeros((D_HID,), dtype=jnp.float32)
    return {"x": x, "edge_index": edge_index, "W0": W0, "b0": b0, "W1": W1, "b1": b1, "W2": W2, "b2": b2, "Ws": Ws, "bs": bs}


def gcn_conv(x, edge_index, W, b):
    # PyG-style GCNConv: add self-loops, symmetric deg normalization, scatter-add aggregation
    n = x.shape[0]
    loop = jnp.arange(n, dtype=edge_index.dtype)
    src = jnp.concatenate([edge_index[0], loop])
    dst = jnp.concatenate([edge_index[1], loop])
    deg = jnp.zeros((n,), dtype=x.dtype).at[dst].add(1.0)
    dinv = jnp.where(deg > 0, jax.lax.rsqrt(deg), 0.0)
    norm = dinv[src] * dinv[dst]
    xw = x @ W
    msg = xw[src] * norm[:, None]
    out = jnp.zeros((n, xw.shape[1]), dtype=xw.dtype).at[dst].add(msg)
    return out + b


def reference(x, edge_index, W0, b0, W1, b1, W2, b2, Ws, bs):
    # layer 0
    h = jax.nn.relu(gcn_conv(x, edge_index, W0, b0))
    # dropout is identity in eval mode
    # layer 1 with skip connection
    identity = h
    h = jax.nn.relu(gcn_conv(h, edge_index, W1, b1))
    h = h + (identity @ Ws + bs)
    # final layer
    out = gcn_conv(h, edge_index, W2, b2)
    return out

if __name__ == "__main__":
    import jax
    _d = setup_inputs()
    print(jax.jit(kernel)(*tuple(_d.values())))

</pallas_src>

<mosaic_0001>
#map = affine_map<(d0, d1) -> (0, 0)>
#map1 = affine_map<(d0, d1) -> (0)>
#map2 = affine_map<(d0, d1) -> (0, 0, 0)>
module attributes {stable_mosaic.version = 14 : i64} {
  func.func @scat_kernel(%arg0: i32, %arg1: i32, %arg2: memref<10240x128xf32, #tpu.memory_space<hbm>>, %arg3: memref<323584xi32, #tpu.memory_space<hbm>>, %arg4: memref<323584xi32, #tpu.memory_space<hbm>>, %arg5: memref<10240x128xf32, #tpu.memory_space<hbm>>, %arg6: memref<2x10240x128xf32, #tpu.memory_space<hbm>>, %arg7: memref<128xi32, #tpu.memory_space<vmem>>, %arg8: memref<128xi32, #tpu.memory_space<vmem>>, %arg9: memref<128xi32, #tpu.memory_space<vmem>>, %arg10: memref<128xi32, #tpu.memory_space<vmem>>, %arg11: memref<128x128xf32, #tpu.memory_space<vmem>>, %arg12: memref<128x128xf32, #tpu.memory_space<vmem>>, %arg13: memref<10240x128xf32, #tpu.memory_space<vmem_shared>>, %arg14: memref<!tpu.dma_semaphore, #tpu.memory_space<semaphore_mem>>, %arg15: memref<!tpu.dma_semaphore, #tpu.memory_space<semaphore_mem>>) attributes {dimension_semantics = [#tpu.dimension_semantics<core_parallel>, #tpu.dimension_semantics<subcore_parallel>], iteration_bounds = array<i64: 2, 16>, scalar_prefetch = 0 : i64, scratch_operands = 9 : i64, tpu.core_type = #tpu.core_type<sc_vector_subcore>, window_params = [{transform_indices = #map}, {transform_indices = #map1}, {transform_indices = #map1}, {transform_indices = #map}, {transform_indices = #map2}]} {
    %mul3A = arith.constant 16 : i32
    %mul3A_0 = arith.muli %arg0, %mul3A : i32
    %add3A = arith.addi %mul3A_0, %arg1 : i32
    %mul3A_1 = arith.constant 10112 : i32
    %mul3A_2 = arith.muli %add3A, %mul3A_1 : i32
    %mul3A_3 = arith.constant 640 : i32
    %mul3A_4 = arith.muli %arg1, %mul3A_3 : i32
    %mul3A_5 = arith.constant 640 : i32
    %mul3A_6 = arith.muli %arg1, %mul3A_5 : i32
    "tpu.region"() ({
      %run_scoped3A = tpu.sem_alloc : memref<!tpu.dma_semaphore, #tpu.memory_space<semaphore_mem>>
      %dma_start3A_42 = arith.constant 0 : i32
      %dma_start3A_43 = tpu.memref_slice %arg13[%mul3A_6, %dma_start3A_42] : memref<10240x128xf32, #tpu.memory_space<vmem_shared>> -> memref<640x128xf32, #tpu.memory_space<vmem_shared>>
      %dma_start3A_44 = arith.constant 0 : i32
      %dma_start3A_45 = tpu.memref_slice %arg5[%mul3A_4, %dma_start3A_44] : memref<10240x128xf32, #tpu.memory_space<hbm>> -> memref<640x128xf32, #tpu.memory_space<hbm>>
      tpu.enqueue_dma source(%dma_start3A_45 : memref<640x128xf32, #tpu.memory_space<hbm>>) target(%dma_start3A_43 : memref<640x128xf32, #tpu.memory_space<vmem_shared>>) target_semaphore(%run_scoped3A : memref<!tpu.dma_semaphore, #tpu.memory_space<semaphore_mem>>)
      %dma_wait3A_46 = arith.constant 0 : i32
      %dma_wait3A_47 = tpu.memref_slice %arg13[%mul3A_6, %dma_wait3A_46] : memref<10240x128xf32, #tpu.memory_space<vmem_shared>> -> memref<640x128xf32, #tpu.memory_space<vmem_shared>>
      %dma_wait3A_48 = arith.constant 0 : i32
      %dma_wait3A_49 = tpu.memref_slice %arg5[%mul3A_4, %dma_wait3A_48] : memref<10240x128xf32, #tpu.memory_space<hbm>> -> memref<640x128xf32, #tpu.memory_space<hbm>>
      tpu.wait_dma2 semaphore(%run_scoped3A : memref<!tpu.dma_semaphore, #tpu.memory_space<semaphore_mem>>) src(%dma_wait3A_49 : memref<640x128xf32, #tpu.memory_space<hbm>>) dst(%dma_wait3A_47 : memref<640x128xf32, #tpu.memory_space<vmem_shared>>)
      tpu.yield
    }) : () -> ()
    %barrier3A = arith.constant 0 : index
    tpu.barrier barrier_id(%barrier3A)
    %add3A_7 = arith.constant 0 : i32
    %add3A_8 = arith.addi %mul3A_2, %add3A_7 : i32
    "tpu.region"() ({
      %run_scoped3A = tpu.sem_alloc : memref<!tpu.dma_semaphore, #tpu.memory_space<semaphore_mem>>
      %dma_start3A_42 = tpu.memref_slice %arg3[%add3A_8] : memref<323584xi32, #tpu.memory_space<hbm>> -> memref<128xi32, #tpu.memory_space<hbm>>
      %dma_start3A_43 = tpu.memref_slice %arg3[%add3A_8] : memref<323584xi32, #tpu.memory_space<hbm>> -> memref<128xi32, #tpu.memory_space<hbm>>
      tpu.enqueue_dma source(%dma_start3A_43 : memref<128xi32, #tpu.memory_space<hbm>>) target(%arg7 : memref<128xi32, #tpu.memory_space<vmem>>) target_semaphore(%run_scoped3A : memref<!tpu.dma_semaphore, #tpu.memory_space<semaphore_mem>>)
      %dma_wait3A_44 = tpu.memref_slice %arg3[%add3A_8] : memref<323584xi32, #tpu.memory_space<hbm>> -> memref<128xi32, #tpu.memory_space<hbm>>
      %dma_wait3A_45 = tpu.memref_slice %arg3[%add3A_8] : memref<323584xi32, #tpu.memory_space<hbm>> -> memref<128xi32, #tpu.memory_space<hbm>>
      tpu.wait_dma2 semaphore(%run_scoped3A : memref<!tpu.dma_semaphore, #tpu.memory_space<semaphore_mem>>) src(%dma_wait3A_45 : memref<128xi32, #tpu.memory_space<hbm>>) dst(%arg7 : memref<128xi32, #tpu.memory_space<vmem>>)
      tpu.yield
    }) : () -> ()
    "tpu.region"() ({
      %run_scoped3A = tpu.sem_alloc : memref<!tpu.dma_semaphore, #tpu.memory_space<semaphore_mem>>
      %dma_start3A_42 = tpu.memref_slice %arg4[%add3A_8] : memref<323584xi32, #tpu.memory_space<hbm>> -> memref<128xi32, #tpu.memory_space<hbm>>
      %dma_start3A_43 = tpu.memref_slice %arg4[%add3A_8] : memref<323584xi32, #tpu.memory_space<hbm>> -> memref<128xi32, #tpu.memory_space<hbm>>
      tpu.enqueue_dma source(%dma_start3A_43 : memref<128xi32, #tpu.memory_space<hbm>>) target(%arg8 : memref<128xi32, #tpu.memory_space<vmem>>) target_semaphore(%run_scoped3A : memref<!tpu.dma_semaphore, #tpu.memory_space<semaphore_mem>>)
      %dma_wait3A_44 = tpu.memref_slice %arg4[%add3A_8] : memref<323584xi32, #tpu.memory_space<hbm>> -> memref<128xi32, #tpu.memory_space<hbm>>
      %dma_wait3A_45 = tpu.memref_slice %arg4[%add3A_8] : memref<323584xi32, #tpu.memory_space<hbm>> -> memref<128xi32, #tpu.memory_space<hbm>>
      tpu.wait_dma2 semaphore(%run_scoped3A : memref<!tpu.dma_semaphore, #tpu.memory_space<semaphore_mem>>) src(%dma_wait3A_45 : memref<128xi32, #tpu.memory_space<hbm>>) dst(%arg8 : memref<128xi32, #tpu.memory_space<vmem>>)
      tpu.yield
    }) : () -> ()
    %dma_start3A = arith.constant 0 : i32
    %dma_start3A_9 = arith.constant 0 : i32
    %dma_start3A_10 = tpu.memref_slice %arg2[%dma_start3A, %dma_start3A_9] : memref<10240x128xf32, #tpu.memory_space<hbm>> -> memref<10240x128xf32, #tpu.memory_space<hbm>>
    tpu.enqueue_indirect_dma source(%dma_start3A_10 : memref<10240x128xf32, #tpu.memory_space<hbm>>) target(%arg11 : memref<128x128xf32, #tpu.memory_space<vmem>>) offsets(%arg7 : memref<128xi32, #tpu.memory_space<vmem>>) semaphore(%arg14 : memref<!tpu.dma_semaphore, #tpu.memory_space<semaphore_mem>>)
    %add3A_11 = arith.constant 128 : i32
    %add3A_12 = arith.addi %mul3A_2, %add3A_11 : i32
    "tpu.region"() ({
      %run_scoped3A = tpu.sem_alloc : memref<!tpu.dma_semaphore, #tpu.memory_space<semaphore_mem>>
      %dma_start3A_42 = tpu.memref_slice %arg3[%add3A_12] : memref<323584xi32, #tpu.memory_space<hbm>> -> memref<128xi32, #tpu.memory_space<hbm>>
      %dma_start3A_43 = tpu.memref_slice %arg3[%add3A_12] : memref<323584xi32, #tpu.memory_space<hbm>> -> memref<128xi32, #tpu.memory_space<hbm>>
      tpu.enqueue_dma source(%dma_start3A_43 : memref<128xi32, #tpu.memory_space<hbm>>) target(%arg9 : memref<128xi32, #tpu.memory_space<vmem>>) target_semaphore(%run_scoped3A : memref<!tpu.dma_semaphore, #tpu.memory_space<semaphore_mem>>)
      %dma_wait3A_44 = tpu.memref_slice %arg3[%add3A_12] : memref<323584xi32, #tpu.memory_space<hbm>> -> memref<128xi32, #tpu.memory_space<hbm>>
      %dma_wait3A_45 = tpu.memref_slice %arg3[%add3A_12] : memref<323584xi32, #tpu.memory_space<hbm>> -> memref<128xi32, #tpu.memory_space<hbm>>
      tpu.wait_dma2 semaphore(%run_scoped3A : memref<!tpu.dma_semaphore, #tpu.memory_space<semaphore_mem>>) src(%dma_wait3A_45 : memref<128xi32, #tpu.memory_space<hbm>>) dst(%arg9 : memref<128xi32, #tpu.memory_space<vmem>>)
      tpu.yield
    }) : () -> ()
    "tpu.region"() ({
      %run_scoped3A = tpu.sem_alloc : memref<!tpu.dma_semaphore, #tpu.memory_space<semaphore_mem>>
      %dma_start3A_42 = tpu.memref_slice %arg4[%add3A_12] : memref<323584xi32, #tpu.memory_space<hbm>> -> memref<128xi32, #tpu.memory_space<hbm>>
      %dma_start3A_43 = tpu.memref_slice %arg4[%add3A_12] : memref<323584xi32, #tpu.memory_space<hbm>> -> memref<128xi32, #tpu.memory_space<hbm>>
      tpu.enqueue_dma source(%dma_start3A_43 : memref<128xi32, #tpu.memory_space<hbm>>) target(%arg10 : memref<128xi32, #tpu.memory_space<vmem>>) target_semaphore(%run_scoped3A : memref<!tpu.dma_semaphore, #tpu.memory_space<semaphore_mem>>)
      %dma_wait3A_44 = tpu.memref_slice %arg4[%add3A_12] : memref<323584xi32, #tpu.memory_space<hbm>> -> memref<128xi32, #tpu.memory_space<hbm>>
      %dma_wait3A_45 = tpu.memref_slice %arg4[%add3A_12] : memref<323584xi32, #tpu.memory_space<hbm>> -> memref<128xi32, #tpu.memory_space<hbm>>
      tpu.wait_dma2 semaphore(%run_scoped3A : memref<!tpu.dma_semaphore, #tpu.memory_space<semaphore_mem>>) src(%dma_wait3A_45 : memref<128xi32, #tpu.memory_space<hbm>>) dst(%arg10 : memref<128xi32, #tpu.memory_space<vmem>>)
      tpu.yield
    }) : () -> ()
    %dma_start3A_13 = arith.constant 0 : i32
    %dma_start3A_14 = arith.constant 0 : i32
    %dma_start3A_15 = tpu.memref_slice %arg2[%dma_start3A_13, %dma_start3A_14] : memref<10240x128xf32, #tpu.memory_space<hbm>> -> memref<10240x128xf32, #tpu.memory_space<hbm>>
    tpu.enqueue_indirect_dma source(%dma_start3A_15 : memref<10240x128xf32, #tpu.memory_space<hbm>>) target(%arg12 : memref<128x128xf32, #tpu.memory_space<vmem>>) offsets(%arg9 : memref<128xi32, #tpu.memory_space<vmem>>) semaphore(%arg15 : memref<!tpu.dma_semaphore, #tpu.memory_space<semaphore_mem>>)
    %scan3A = arith.constant 0 : i32
    %scan3A_16 = arith.constant 38 : i32
    %scan3A_17 = arith.addi %scan3A, %scan3A_16 : i32
    %scan3A_18 = arith.constant 1 : i32
    scf.for %scan3A_42 = %scan3A to %scan3A_17 step %scan3A_18  : i32 {
      %mul3A_43 = arith.constant 1 : i32
      %mul3A_44 = arith.muli %scan3A_42, %mul3A_43 : i32
      %add3A_45 = arith.constant 0 : i32
      %add3A_46 = arith.addi %add3A_45, %mul3A_44 : i32
      %mul3A_47 = arith.constant 2 : i32
      %mul3A_48 = arith.muli %mul3A_47, %add3A_46 : i32
      %dma_wait3A_49 = arith.constant 0 : i32
      %dma_wait3A_50 = arith.constant 0 : i32
      %dma_wait3A_51 = tpu.memref_slice %arg2[%dma_wait3A_49, %dma_wait3A_50] : memref<10240x128xf32, #tpu.memory_space<hbm>> -> memref<10240x128xf32, #tpu.memory_space<hbm>>
      tpu.wait_indirect_dma semaphore(%arg14 : memref<!tpu.dma_semaphore, #tpu.memory_space<semaphore_mem>>) src(%dma_wait3A_51 : memref<10240x128xf32, #tpu.memory_space<hbm>>) dst(%arg11 : memref<128x128xf32, #tpu.memory_space<vmem>>)
      "tpu.region"() ({
        %run_scoped3A = tpu.sem_alloc : memref<!tpu.dma_semaphore, #tpu.memory_space<semaphore_mem>>
        %dma_start3A_71 = arith.constant 0 : i32
        %dma_start3A_72 = arith.constant 0 : i32
        %dma_start3A_73 = tpu.memref_slice %arg13[%dma_start3A_71, %dma_start3A_72] : memref<10240x128xf32, #tpu.memory_space<vmem_shared>> -> memref<10240x128xf32, #tpu.memory_space<vmem_shared>>
        tpu.enqueue_indirect_dma source(%arg11 : memref<128x128xf32, #tpu.memory_space<vmem>>) target(%dma_start3A_73 : memref<10240x128xf32, #tpu.memory_space<vmem_shared>>) offsets(%arg8 : memref<128xi32, #tpu.memory_space<vmem>>) semaphore(%run_scoped3A : memref<!tpu.dma_semaphore, #tpu.memory_space<semaphore_mem>>) {add = true}
        %dma_wait3A_74 = arith.constant 0 : i32
        %dma_wait3A_75 = arith.constant 0 : i32
        %dma_wait3A_76 = tpu.memref_slice %arg13[%dma_wait3A_74, %dma_wait3A_75] : memref<10240x128xf32, #tpu.memory_space<vmem_shared>> -> memref<10240x128xf32, #tpu.memory_space<vmem_shared>>
        tpu.wait_indirect_dma semaphore(%run_scoped3A : memref<!tpu.dma_semaphore, #tpu.memory_space<semaphore_mem>>) src(%arg11 : memref<128x128xf32, #tpu.memory_space<vmem>>) dst(%dma_wait3A_76 : memref<10240x128xf32, #tpu.memory_space<vmem_shared>>)
        tpu.yield
      }) : () -> ()
      %add3A_52 = arith.constant 2 : i32
      %add3A_53 = arith.addi %mul3A_48, %add3A_52 : i32
      %mul3A_54 = arith.constant 128 : i32
      %mul3A_55 = arith.muli %add3A_53, %mul3A_54 : i32
      %add3A_56 = arith.addi %mul3A_2, %mul3A_55 : i32
      "tpu.region"() ({
        %run_scoped3A = tpu.sem_alloc : memref<!tpu.dma_semaphore, #tpu.memory_space<semaphore_mem>>
        %dma_start3A_71 = tpu.memref_slice %arg3[%add3A_56] : memref<323584xi32, #tpu.memory_space<hbm>> -> memref<128xi32, #tpu.memory_space<hbm>>
        %dma_start3A_72 = tpu.memref_slice %arg3[%add3A_56] : memref<323584xi32, #tpu.memory_space<hbm>> -> memref<128xi32, #tpu.memory_space<hbm>>
        tpu.enqueue_dma source(%dma_start3A_72 : memref<128xi32, #tpu.memory_space<hbm>>) target(%arg7 : memref<128xi32, #tpu.memory_space<vmem>>) target_semaphore(%run_scoped3A : memref<!tpu.dma_semaphore, #tpu.memory_space<semaphore_mem>>)
        %dma_wait3A_73 = tpu.memref_slice %arg3[%add3A_56] : memref<323584xi32, #tpu.memory_space<hbm>> -> memref<128xi32, #tpu.memory_space<hbm>>
        %dma_wait3A_74 = tpu.memref_slice %arg3[%add3A_56] : memref<323584xi32, #tpu.memory_space<hbm>> -> memref<128xi32, #tpu.memory_space<hbm>>
        tpu.wait_dma2 semaphore(%run_scoped3A : memref<!tpu.dma_semaphore, #tpu.memory_space<semaphore_mem>>) src(%dma_wait3A_74 : memref<128xi32, #tpu.memory_space<hbm>>) dst(%arg7 : memref<128xi32, #tpu.memory_space<vmem>>)
        tpu.yield
      }) : () -> ()
      "tpu.region"() ({
        %run_scoped3A = tpu.sem_alloc : memref<!tpu.dma_semaphore, #tpu.memory_space<semaphore_mem>>
        %dma_start3A_71 = tpu.memref_slice %arg4[%add3A_56] : memref<323584xi32, #tpu.memory_space<hbm>> -> memref<128xi32, #tpu.memory_space<hbm>>
        %dma_start3A_72 = tpu.memref_slice %arg4[%add3A_56] : memref<323584xi32, #tpu.memory_space<hbm>> -> memref<128xi32, #tpu.memory_space<hbm>>
        tpu.enqueue_dma source(%dma_start3A_72 : memref<128xi32, #tpu.memory_space<hbm>>) target(%arg8 : memref<128xi32, #tpu.memory_space<vmem>>) target_semaphore(%run_scoped3A : memref<!tpu.dma_semaphore, #tpu.memory_space<semaphore_mem>>)
        %dma_wait3A_73 = tpu.memref_slice %arg4[%add3A_56] : memref<323584xi32, #tpu.memory_space<hbm>> -> memref<128xi32, #tpu.memory_space<hbm>>
        %dma_wait3A_74 = tpu.memref_slice %arg4[%add3A_56] : memref<323584xi32, #tpu.memory_space<hbm>> -> memref<128xi32, #tpu.memory_space<hbm>>
        tpu.wait_dma2 semaphore(%run_scoped3A : memref<!tpu.dma_semaphore, #tpu.memory_space<semaphore_mem>>) src(%dma_wait3A_74 : memref<128xi32, #tpu.memory_space<hbm>>) dst(%arg8 : memref<128xi32, #tpu.memory_space<vmem>>)
        tpu.yield
      }) : () -> ()
      %dma_start3A_57 = arith.constant 0 : i32
      %dma_start3A_58 = arith.constant 0 : i32
      %dma_start3A_59 = tpu.memref_slice %arg2[%dma_start3A_57, %dma_start3A_58] : memref<10240x128xf32, #tpu.memory_space<hbm>> -> memref<10240x128xf32, #tpu.memory_space<hbm>>
      tpu.enqueue_indirect_dma source(%dma_start3A_59 : memref<10240x128xf32, #tpu.memory_space<hbm>>) target(%arg11 : memref<128x128xf32, #tpu.memory_space<vmem>>) offsets(%arg7 : memref<128xi32, #tpu.memory_space<vmem>>) semaphore(%arg14 : memref<!tpu.dma_semaphore, #tpu.memory_space<semaphore_mem>>)
      %dma_wait3A_60 = arith.constant 0 : i32
      %dma_wait3A_61 = arith.constant 0 : i32
      %dma_wait3A_62 = tpu.memref_slice %arg2[%dma_wait3A_60, %dma_wait3A_61] : memref<10240x128xf32, #tpu.memory_space<hbm>> -> memref<10240x128xf32, #tpu.memory_space<hbm>>
      tpu.wait_indirect_dma semaphore(%arg15 : memref<!tpu.dma_semaphore, #tpu.memory_space<semaphore_mem>>) src(%dma_wait3A_62 : memref<10240x128xf32, #tpu.memory_space<hbm>>) dst(%arg12 : memref<128x128xf32, #tpu.memory_space<vmem>>)
      "tpu.region"() ({
        %run_scoped3A = tpu.sem_alloc : memref<!tpu.dma_semaphore, #tpu.memory_space<semaphore_mem>>
        %dma_start3A_71 = arith.constant 0 : i32
        %dma_start3A_72 = arith.constant 0 : i32
        %dma_start3A_73 = tpu.memref_slice %arg13[%dma_start3A_71, %dma_start3A_72] : memref<10240x128xf32, #tpu.memory_space<vmem_shared>> -> memref<10240x128xf32, #tpu.memory_space<vmem_shared>>
        tpu.enqueue_indirect_dma source(%arg12 : memref<128x128xf32, #tpu.memory_space<vmem>>) target(%dma_start3A_73 : memref<10240x128xf32, #tpu.memory_space<vmem_shared>>) offsets(%arg10 : memref<128xi32, #tpu.memory_space<vmem>>) semaphore(%run_scoped3A : memref<!tpu.dma_semaphore, #tpu.memory_space<semaphore_mem>>) {add = true}
        %dma_wait3A_74 = arith.constant 0 : i32
        %dma_wait3A_75 = arith.constant 0 : i32
        %dma_wait3A_76 = tpu.memref_slice %arg13[%dma_wait3A_74, %dma_wait3A_75] : memref<10240x128xf32, #tpu.memory_space<vmem_shared>> -> memref<10240x128xf32, #tpu.memory_space<vmem_shared>>
        tpu.wait_indirect_dma semaphore(%run_scoped3A : memref<!tpu.dma_semaphore, #tpu.memory_space<semaphore_mem>>) src(%arg12 : memref<128x128xf32, #tpu.memory_space<vmem>>) dst(%dma_wait3A_76 : memref<10240x128xf32, #tpu.memory_space<vmem_shared>>)
        tpu.yield
      }) : () -> ()
      %add3A_63 = arith.constant 3 : i32
      %add3A_64 = arith.addi %mul3A_48, %add3A_63 : i32
      %mul3A_65 = arith.constant 128 : i32
      %mul3A_66 = arith.muli %add3A_64, %mul3A_65 : i32
      %add3A_67 = arith.addi %mul3A_2, %mul3A_66 : i32
      "tpu.region"() ({
        %run_scoped3A = tpu.sem_alloc : memref<!tpu.dma_semaphore, #tpu.memory_space<semaphore_mem>>
        %dma_start3A_71 = tpu.memref_slice %arg3[%add3A_67] : memref<323584xi32, #tpu.memory_space<hbm>> -> memref<128xi32, #tpu.memory_space<hbm>>
        %dma_start3A_72 = tpu.memref_slice %arg3[%add3A_67] : memref<323584xi32, #tpu.memory_space<hbm>> -> memref<128xi32, #tpu.memory_space<hbm>>
        tpu.enqueue_dma source(%dma_start3A_72 : memref<128xi32, #tpu.memory_space<hbm>>) target(%arg9 : memref<128xi32, #tpu.memory_space<vmem>>) target_semaphore(%run_scoped3A : memref<!tpu.dma_semaphore, #tpu.memory_space<semaphore_mem>>)
        %dma_wait3A_73 = tpu.memref_slice %arg3[%add3A_67] : memref<323584xi32, #tpu.memory_space<hbm>> -> memref<128xi32, #tpu.memory_space<hbm>>
        %dma_wait3A_74 = tpu.memref_slice %arg3[%add3A_67] : memref<323584xi32, #tpu.memory_space<hbm>> -> memref<128xi32, #tpu.memory_space<hbm>>
        tpu.wait_dma2 semaphore(%run_scoped3A : memref<!tpu.dma_semaphore, #tpu.memory_space<semaphore_mem>>) src(%dma_wait3A_74 : memref<128xi32, #tpu.memory_space<hbm>>) dst(%arg9 : memref<128xi32, #tpu.memory_space<vmem>>)
        tpu.yield
      }) : () -> ()
      "tpu.region"() ({
        %run_scoped3A = tpu.sem_alloc : memref<!tpu.dma_semaphore, #tpu.memory_space<semaphore_mem>>
        %dma_start3A_71 = tpu.memref_slice %arg4[%add3A_67] : memref<323584xi32, #tpu.memory_space<hbm>> -> memref<128xi32, #tpu.memory_space<hbm>>
        %dma_start3A_72 = tpu.memref_slice %arg4[%add3A_67] : memref<323584xi32, #tpu.memory_space<hbm>> -> memref<128xi32, #tpu.memory_space<hbm>>
        tpu.enqueue_dma source(%dma_start3A_72 : memref<128xi32, #tpu.memory_space<hbm>>) target(%arg10 : memref<128xi32, #tpu.memory_space<vmem>>) target_semaphore(%run_scoped3A : memref<!tpu.dma_semaphore, #tpu.memory_space<semaphore_mem>>)
        %dma_wait3A_73 = tpu.memref_slice %arg4[%add3A_67] : memref<323584xi32, #tpu.memory_space<hbm>> -> memref<128xi32, #tpu.memory_space<hbm>>
        %dma_wait3A_74 = tpu.memref_slice %arg4[%add3A_67] : memref<323584xi32, #tpu.memory_space<hbm>> -> memref<128xi32, #tpu.memory_space<hbm>>
        tpu.wait_dma2 semaphore(%run_scoped3A : memref<!tpu.dma_semaphore, #tpu.memory_space<semaphore_mem>>) src(%dma_wait3A_74 : memref<128xi32, #tpu.memory_space<hbm>>) dst(%arg10 : memref<128xi32, #tpu.memory_space<vmem>>)
        tpu.yield
      }) : () -> ()
      %dma_start3A_68 = arith.constant 0 : i32
      %dma_start3A_69 = arith.constant 0 : i32
      %dma_start3A_70 = tpu.memref_slice %arg2[%dma_start3A_68, %dma_start3A_69] : memref<10240x128xf32, #tpu.memory_space<hbm>> -> memref<10240x128xf32, #tpu.memory_space<hbm>>
      tpu.enqueue_indirect_dma source(%dma_start3A_70 : memref<10240x128xf32, #tpu.memory_space<hbm>>) target(%arg12 : memref<128x128xf32, #tpu.memory_space<vmem>>) offsets(%arg9 : memref<128xi32, #tpu.memory_space<vmem>>) semaphore(%arg15 : memref<!tpu.dma_semaphore, #tpu.memory_space<semaphore_mem>>)
    }
    %scan3A_19 = arith.constant 38 : i32
    %dma_wait3A = arith.constant 0 : i32
    %dma_wait3A_20 = arith.constant 0 : i32
    %dma_wait3A_21 = tpu.memref_slice %arg2[%dma_wait3A, %dma_wait3A_20] : memref<10240x128xf32, #tpu.memory_space<hbm>> -> memref<10240x128xf32, #tpu.memory_space<hbm>>
    tpu.wait_indirect_dma semaphore(%arg14 : memref<!tpu.dma_semaphore, #tpu.memory_space<semaphore_mem>>) src(%dma_wait3A_21 : memref<10240x128xf32, #tpu.memory_space<hbm>>) dst(%arg11 : memref<128x128xf32, #tpu.memory_space<vmem>>)
    "tpu.region"() ({
      %run_scoped3A = tpu.sem_alloc : memref<!tpu.dma_semaphore, #tpu.memory_space<semaphore_mem>>
      %dma_start3A_42 = arith.constant 0 : i32
      %dma_start3A_43 = arith.constant 0 : i32
      %dma_start3A_44 = tpu.memref_slice %arg13[%dma_start3A_42, %dma_start3A_43] : memref<10240x128xf32, #tpu.memory_space<vmem_shared>> -> memref<10240x128xf32, #tpu.memory_space<vmem_shared>>
      tpu.enqueue_indirect_dma source(%arg11 : memref<128x128xf32, #tpu.memory_space<vmem>>) target(%dma_start3A_44 : memref<10240x128xf32, #tpu.memory_space<vmem_shared>>) offsets(%arg8 : memref<128xi32, #tpu.memory_space<vmem>>) semaphore(%run_scoped3A : memref<!tpu.dma_semaphore, #tpu.memory_space<semaphore_mem>>) {add = true}
      %dma_wait3A_45 = arith.constant 0 : i32
      %dma_wait3A_46 = arith.constant 0 : i32
      %dma_wait3A_47 = tpu.memref_slice %arg13[%dma_wait3A_45, %dma_wait3A_46] : memref<10240x128xf32, #tpu.memory_space<vmem_shared>> -> memref<10240x128xf32, #tpu.memory_space<vmem_shared>>
      tpu.wait_indirect_dma semaphore(%run_scoped3A : memref<!tpu.dma_semaphore, #tpu.memory_space<semaphore_mem>>) src(%arg11 : memref<128x128xf32, #tpu.memory_space<vmem>>) dst(%dma_wait3A_47 : memref<10240x128xf32, #tpu.memory_space<vmem_shared>>)
      tpu.yield
    }) : () -> ()
    %add3A_22 = arith.constant 9984 : i32
    %add3A_23 = arith.addi %mul3A_2, %add3A_22 : i32
    "tpu.region"() ({
      %run_scoped3A = tpu.sem_alloc : memref<!tpu.dma_semaphore, #tpu.memory_space<semaphore_mem>>
      %dma_start3A_42 = tpu.memref_slice %arg3[%add3A_23] : memref<323584xi32, #tpu.memory_space<hbm>> -> memref<128xi32, #tpu.memory_space<hbm>>
      %dma_start3A_43 = tpu.memref_slice %arg3[%add3A_23] : memref<323584xi32, #tpu.memory_space<hbm>> -> memref<128xi32, #tpu.memory_space<hbm>>
      tpu.enqueue_dma source(%dma_start3A_43 : memref<128xi32, #tpu.memory_space<hbm>>) target(%arg7 : memref<128xi32, #tpu.memory_space<vmem>>) target_semaphore(%run_scoped3A : memref<!tpu.dma_semaphore, #tpu.memory_space<semaphore_mem>>)
      %dma_wait3A_44 = tpu.memref_slice %arg3[%add3A_23] : memref<323584xi32, #tpu.memory_space<hbm>> -> memref<128xi32, #tpu.memory_space<hbm>>
      %dma_wait3A_45 = tpu.memref_slice %arg3[%add3A_23] : memref<323584xi32, #tpu.memory_space<hbm>> -> memref<128xi32, #tpu.memory_space<hbm>>
      tpu.wait_dma2 semaphore(%run_scoped3A : memref<!tpu.dma_semaphore, #tpu.memory_space<semaphore_mem>>) src(%dma_wait3A_45 : memref<128xi32, #tpu.memory_space<hbm>>) dst(%arg7 : memref<128xi32, #tpu.memory_space<vmem>>)
      tpu.yield
    }) : () -> ()
    "tpu.region"() ({
      %run_scoped3A = tpu.sem_alloc : memref<!tpu.dma_semaphore, #tpu.memory_space<semaphore_mem>>
      %dma_start3A_42 = tpu.memref_slice %arg4[%add3A_23] : memref<323584xi32, #tpu.memory_space<hbm>> -> memref<128xi32, #tpu.memory_space<hbm>>
      %dma_start3A_43 = tpu.memref_slice %arg4[%add3A_23] : memref<323584xi32, #tpu.memory_space<hbm>> -> memref<128xi32, #tpu.memory_space<hbm>>
      tpu.enqueue_dma source(%dma_start3A_43 : memref<128xi32, #tpu.memory_space<hbm>>) target(%arg8 : memref<128xi32, #tpu.memory_space<vmem>>) target_semaphore(%run_scoped3A : memref<!tpu.dma_semaphore, #tpu.memory_space<semaphore_mem>>)
      %dma_wait3A_44 = tpu.memref_slice %arg4[%add3A_23] : memref<323584xi32, #tpu.memory_space<hbm>> -> memref<128xi32, #tpu.memory_space<hbm>>
      %dma_wait3A_45 = tpu.memref_slice %arg4[%add3A_23] : memref<323584xi32, #tpu.memory_space<hbm>> -> memref<128xi32, #tpu.memory_space<hbm>>
      tpu.wait_dma2 semaphore(%run_scoped3A : memref<!tpu.dma_semaphore, #tpu.memory_space<semaphore_mem>>) src(%dma_wait3A_45 : memref<128xi32, #tpu.memory_space<hbm>>) dst(%arg8 : memref<128xi32, #tpu.memory_space<vmem>>)
      tpu.yield
    }) : () -> ()
    %dma_start3A_24 = arith.constant 0 : i32
    %dma_start3A_25 = arith.constant 0 : i32
    %dma_start3A_26 = tpu.memref_slice %arg2[%dma_start3A_24, %dma_start3A_25] : memref<10240x128xf32, #tpu.memory_space<hbm>> -> memref<10240x128xf32, #tpu.memory_space<hbm>>
    tpu.enqueue_indirect_dma source(%dma_start3A_26 : memref<10240x128xf32, #tpu.memory_space<hbm>>) target(%arg11 : memref<128x128xf32, #tpu.memory_space<vmem>>) offsets(%arg7 : memref<128xi32, #tpu.memory_space<vmem>>) semaphore(%arg14 : memref<!tpu.dma_semaphore, #tpu.memory_space<semaphore_mem>>)
    %dma_wait3A_27 = arith.constant 0 : i32
    %dma_wait3A_28 = arith.constant 0 : i32
    %dma_wait3A_29 = tpu.memref_slice %arg2[%dma_wait3A_27, %dma_wait3A_28] : memref<10240x128xf32, #tpu.memory_space<hbm>> -> memref<10240x128xf32, #tpu.memory_space<hbm>>
    tpu.wait_indirect_dma semaphore(%arg15 : memref<!tpu.dma_semaphore, #tpu.memory_space<semaphore_mem>>) src(%dma_wait3A_29 : memref<10240x128xf32, #tpu.memory_space<hbm>>) dst(%arg12 : memref<128x128xf32, #tpu.memory_space<vmem>>)
    "tpu.region"() ({
      %run_scoped3A = tpu.sem_alloc : memref<!tpu.dma_semaphore, #tpu.memory_space<semaphore_mem>>
      %dma_start3A_42 = arith.constant 0 : i32
      %dma_start3A_43 = arith.constant 0 : i32
      %dma_start3A_44 = tpu.memref_slice %arg13[%dma_start3A_42, %dma_start3A_43] : memref<10240x128xf32, #tpu.memory_space<vmem_shared>> -> memref<10240x128xf32, #tpu.memory_space<vmem_shared>>
      tpu.enqueue_indirect_dma source(%arg12 : memref<128x128xf32, #tpu.memory_space<vmem>>) target(%dma_start3A_44 : memref<10240x128xf32, #tpu.memory_space<vmem_shared>>) offsets(%arg10 : memref<128xi32, #tpu.memory_space<vmem>>) semaphore(%run_scoped3A : memref<!tpu.dma_semaphore, #tpu.memory_space<semaphore_mem>>) {add = true}
      %dma_wait3A_45 = arith.constant 0 : i32
      %dma_wait3A_46 = arith.constant 0 : i32
      %dma_wait3A_47 = tpu.memref_slice %arg13[%dma_wait3A_45, %dma_wait3A_46] : memref<10240x128xf32, #tpu.memory_space<vmem_shared>> -> memref<10240x128xf32, #tpu.memory_space<vmem_shared>>
      tpu.wait_indirect_dma semaphore(%run_scoped3A : memref<!tpu.dma_semaphore, #tpu.memory_space<semaphore_mem>>) src(%arg12 : memref<128x128xf32, #tpu.memory_space<vmem>>) dst(%dma_wait3A_47 : memref<10240x128xf32, #tpu.memory_space<vmem_shared>>)
      tpu.yield
    }) : () -> ()
    %dma_wait3A_30 = arith.constant 0 : i32
    %dma_wait3A_31 = arith.constant 0 : i32
    %dma_wait3A_32 = tpu.memref_slice %arg2[%dma_wait3A_30, %dma_wait3A_31] : memref<10240x128xf32, #tpu.memory_space<hbm>> -> memref<10240x128xf32, #tpu.memory_space<hbm>>
    tpu.wait_indirect_dma semaphore(%arg14 : memref<!tpu.dma_semaphore, #tpu.memory_space<semaphore_mem>>) src(%dma_wait3A_32 : memref<10240x128xf32, #tpu.memory_space<hbm>>) dst(%arg11 : memref<128x128xf32, #tpu.memory_space<vmem>>)
    "tpu.region"() ({
      %run_scoped3A = tpu.sem_alloc : memref<!tpu.dma_semaphore, #tpu.memory_space<semaphore_mem>>
      %dma_start3A_42 = arith.constant 0 : i32
      %dma_start3A_43 = arith.constant 0 : i32
      %dma_start3A_44 = tpu.memref_slice %arg13[%dma_start3A_42, %dma_start3A_43] : memref<10240x128xf32, #tpu.memory_space<vmem_shared>> -> memref<10240x128xf32, #tpu.memory_space<vmem_shared>>
      tpu.enqueue_indirect_dma source(%arg11 : memref<128x128xf32, #tpu.memory_space<vmem>>) target(%dma_start3A_44 : memref<10240x128xf32, #tpu.memory_space<vmem_shared>>) offsets(%arg8 : memref<128xi32, #tpu.memory_space<vmem>>) semaphore(%run_scoped3A : memref<!tpu.dma_semaphore, #tpu.memory_space<semaphore_mem>>) {add = true}
      %dma_wait3A_45 = arith.constant 0 : i32
      %dma_wait3A_46 = arith.constant 0 : i32
      %dma_wait3A_47 = tpu.memref_slice %arg13[%dma_wait3A_45, %dma_wait3A_46] : memref<10240x128xf32, #tpu.memory_space<vmem_shared>> -> memref<10240x128xf32, #tpu.memory_space<vmem_shared>>
      tpu.wait_indirect_dma semaphore(%run_scoped3A : memref<!tpu.dma_semaphore, #tpu.memory_space<semaphore_mem>>) src(%arg11 : memref<128x128xf32, #tpu.memory_space<vmem>>) dst(%dma_wait3A_47 : memref<10240x128xf32, #tpu.memory_space<vmem_shared>>)
      tpu.yield
    }) : () -> ()
    %barrier3A_33 = arith.constant 0 : index
    tpu.barrier barrier_id(%barrier3A_33)
    %mul3A_34 = arith.constant 640 : i32
    %mul3A_35 = arith.muli %arg1, %mul3A_34 : i32
    %mul3A_36 = arith.constant 640 : i32
    %mul3A_37 = arith.muli %arg1, %mul3A_36 : i32
    "tpu.region"() ({
      %run_scoped3A = tpu.sem_alloc : memref<!tpu.dma_semaphore, #tpu.memory_space<semaphore_mem>>
      %dma_start3A_42 = arith.constant 0 : i32
      %dma_start3A_43 = tpu.memref_slice %arg6[%arg0, %mul3A_37, %dma_start3A_42] : memref<2x10240x128xf32, #tpu.memory_space<hbm>> -> memref<1x640x128xf32, #tpu.memory_space<hbm>>
      %dma_start3A_44 = tpu.memref_squeeze %dma_start3A_43 : memref<1x640x128xf32, #tpu.memory_space<hbm>> -> memref<640x128xf32, #tpu.memory_space<hbm>>
      %dma_start3A_45 = arith.constant 0 : i32
      %dma_start3A_46 = tpu.memref_slice %arg13[%mul3A_35, %dma_start3A_45] : memref<10240x128xf32, #tpu.memory_space<vmem_shared>> -> memref<640x128xf32, #tpu.memory_space<vmem_shared>>
      tpu.enqueue_dma source(%dma_start3A_46 : memref<640x128xf32, #tpu.memory_space<vmem_shared>>) target(%dma_start3A_44 : memref<640x128xf32, #tpu.memory_space<hbm>>) target_semaphore(%run_scoped3A : memref<!tpu.dma_semaphore, #tpu.memory_space<semaphore_mem>>)
      %dma_wait3A_47 = arith.constant 0 : i32
      %dma_wait3A_48 = tpu.memref_slice %arg6[%arg0, %mul3A_37, %dma_wait3A_47] : memref<2x10240x128xf32, #tpu.memory_space<hbm>> -> memref<1x640x128xf32, #tpu.memory_space<hbm>>
      %dma_wait3A_49 = tpu.memref_squeeze %dma_wait3A_48 : memref<1x640x128xf32, #tpu.memory_space<hbm>> -> memref<640x128xf32, #tpu.memory_space<hbm>>
      %dma_wait3A_50 = arith.constant 0 : i32
      %dma_wait3A_51 = tpu.memref_slice %arg13[%mul3A_35, %dma_wait3A_50] : memref<10240x128xf32, #tpu.memory_space<vmem_shared>> -> memref<640x128xf32, #tpu.memory_space<vmem_shared>>
      tpu.wait_dma2 semaphore(%run_scoped3A : memref<!tpu.dma_semaphore, #tpu.memory_space<semaphore_mem>>) src(%dma_wait3A_51 : memref<640x128xf32, #tpu.memory_space<vmem_shared>>) dst(%dma_wait3A_49 : memref<640x128xf32, #tpu.memory_space<hbm>>)
      tpu.yield
    }) : () -> ()
    %mul3A_38 = arith.constant 640 : i32
    %mul3A_39 = arith.muli %arg1, %mul3A_38 : i32
    %mul3A_40 = arith.constant 640 : i32
    %mul3A_41 = arith.muli %arg1, %mul3A_40 : i32
    "tpu.region"() ({
      %run_scoped3A = tpu.sem_alloc : memref<!tpu.dma_semaphore, #tpu.memory_space<semaphore_mem>>
      %dma_start3A_42 = arith.constant 0 : i32
      %dma_start3A_43 = tpu.memref_slice %arg6[%arg0, %mul3A_41, %dma_start3A_42] : memref<2x10240x128xf32, #tpu.memory_space<hbm>> -> memref<1x640x128xf32, #tpu.memory_space<hbm>>
      %dma_start3A_44 = tpu.memref_squeeze %dma_start3A_43 : memref<1x640x128xf32, #tpu.memory_space<hbm>> -> memref<640x128xf32, #tpu.memory_space<hbm>>
      %dma_start3A_45 = arith.constant 0 : i32
      %dma_start3A_46 = tpu.memref_slice %arg13[%mul3A_39, %dma_start3A_45] : memref<10240x128xf32, #tpu.memory_space<vmem_shared>> -> memref<640x128xf32, #tpu.memory_space<vmem_shared>>
      tpu.enqueue_dma source(%dma_start3A_46 : memref<640x128xf32, #tpu.memory_space<vmem_shared>>) target(%dma_start3A_44 : memref<640x128xf32, #tpu.memory_space<hbm>>) target_semaphore(%run_scoped3A : memref<!tpu.dma_semaphore, #tpu.memory_space<semaphore_mem>>)
      %dma_wait3A_47 = arith.constant 0 : i32
      %dma_wait3A_48 = tpu.memref_slice %arg6[%arg0, %mul3A_41, %dma_wait3A_47] : memref<2x10240x128xf32, #tpu.memory_space<hbm>> -> memref<1x640x128xf32, #tpu.memory_space<hbm>>
      %dma_wait3A_49 = tpu.memref_squeeze %dma_wait3A_48 : memref<1x640x128xf32, #tpu.memory_space<hbm>> -> memref<640x128xf32, #tpu.memory_space<hbm>>
      %dma_wait3A_50 = arith.constant 0 : i32
      %dma_wait3A_51 = tpu.memref_slice %arg13[%mul3A_39, %dma_wait3A_50] : memref<10240x128xf32, #tpu.memory_space<vmem_shared>> -> memref<640x128xf32, #tpu.memory_space<vmem_shared>>
      tpu.wait_dma2 semaphore(%run_scoped3A : memref<!tpu.dma_semaphore, #tpu.memory_space<semaphore_mem>>) src(%dma_wait3A_51 : memref<640x128xf32, #tpu.memory_space<vmem_shared>>) dst(%dma_wait3A_49 : memref<640x128xf32, #tpu.memory_space<hbm>>)
      tpu.yield
    }) : () -> ()
    return
  }
}

#map = affine_map<(d0, d1) -> (0)>
#map1 = affine_map<(d0, d1) -> (0, 0)>
module attributes {stable_mosaic.version = 14 : i64} {
  func.func @deg_kernel(%arg0: i32, %arg1: i32, %arg2: memref<323584xi32, #tpu.memory_space<hbm>>, %arg3: memref<10240xf32, #tpu.memory_space<hbm>>, %arg4: memref<32x10240xf32, #tpu.memory_space<hbm>>, %arg5: memref<128xi32, #tpu.memory_space<vmem>>, %arg6: memref<10240xf32, #tpu.memory_space<vmem>>) attributes {dimension_semantics = [#tpu.dimension_semantics<core_parallel>, #tpu.dimension_semantics<subcore_parallel>], iteration_bounds = array<i64: 2, 16>, scalar_prefetch = 0 : i64, scratch_operands = 2 : i64, tpu.core_type = #tpu.core_type<sc_vector_subcore>, window_params = [{transform_indices = #map}, {transform_indices = #map}, {transform_indices = #map1}]} {
    %mul3A = arith.constant 16 : i32
    %mul3A_0 = arith.muli %arg0, %mul3A : i32
    %add3A = arith.addi %mul3A_0, %arg1 : i32
    "tpu.region"() ({
      %run_scoped3A = tpu.sem_alloc : memref<!tpu.dma_semaphore, #tpu.memory_space<semaphore_mem>>
      tpu.enqueue_dma source(%arg3 : memref<10240xf32, #tpu.memory_space<hbm>>) target(%arg6 : memref<10240xf32, #tpu.memory_space<vmem>>) target_semaphore(%run_scoped3A : memref<!tpu.dma_semaphore, #tpu.memory_space<semaphore_mem>>)
      tpu.wait_dma2 semaphore(%run_scoped3A : memref<!tpu.dma_semaphore, #tpu.memory_space<semaphore_mem>>) src(%arg3 : memref<10240xf32, #tpu.memory_space<hbm>>) dst(%arg6 : memref<10240xf32, #tpu.memory_space<vmem>>)
      tpu.yield
    }) : () -> ()
    %mul3A_1 = arith.constant 10112 : i32
    %mul3A_2 = arith.muli %add3A, %mul3A_1 : i32
    %scan3A = arith.constant 0 : i32
    %scan3A_3 = arith.constant 79 : i32
    %scan3A_4 = arith.addi %scan3A, %scan3A_3 : i32
    %scan3A_5 = arith.constant 1 : i32
    scf.for %scan3A_7 = %scan3A to %scan3A_4 step %scan3A_5  : i32 {
      %mul3A_8 = arith.constant 1 : i32
      %mul3A_9 = arith.muli %scan3A_7, %mul3A_8 : i32
      %add3A_10 = arith.constant 0 : i32
      %add3A_11 = arith.addi %add3A_10, %mul3A_9 : i32
      %mul3A_12 = arith.constant 128 : i32
      %mul3A_13 = arith.muli %add3A_11, %mul3A_12 : i32
      %add3A_14 = arith.addi %mul3A_2, %mul3A_13 : i32
      "tpu.region"() ({
        %run_scoped3A = tpu.sem_alloc : memref<!tpu.dma_semaphore, #tpu.memory_space<semaphore_mem>>
        %dma_start3A = tpu.memref_slice %arg2[%add3A_14] : memref<323584xi32, #tpu.memory_space<hbm>> -> memref<128xi32, #tpu.memory_space<hbm>>
        %dma_start3A_20 = tpu.memref_slice %arg2[%add3A_14] : memref<323584xi32, #tpu.memory_space<hbm>> -> memref<128xi32, #tpu.memory_space<hbm>>
        tpu.enqueue_dma source(%dma_start3A_20 : memref<128xi32, #tpu.memory_space<hbm>>) target(%arg5 : memref<128xi32, #tpu.memory_space<vmem>>) target_semaphore(%run_scoped3A : memref<!tpu.dma_semaphore, #tpu.memory_space<semaphore_mem>>)
        %dma_wait3A = tpu.memref_slice %arg2[%add3A_14] : memref<323584xi32, #tpu.memory_space<hbm>> -> memref<128xi32, #tpu.memory_space<hbm>>
        %dma_wait3A_21 = tpu.memref_slice %arg2[%add3A_14] : memref<323584xi32, #tpu.memory_space<hbm>> -> memref<128xi32, #tpu.memory_space<hbm>>
        tpu.wait_dma2 semaphore(%run_scoped3A : memref<!tpu.dma_semaphore, #tpu.memory_space<semaphore_mem>>) src(%dma_wait3A_21 : memref<128xi32, #tpu.memory_space<hbm>>) dst(%arg5 : memref<128xi32, #tpu.memory_space<vmem>>)
        tpu.yield
      }) : () -> ()
      %scan3A_15 = arith.constant 0 : i32
      %scan3A_16 = arith.constant 8 : i32
      %scan3A_17 = arith.addi %scan3A_15, %scan3A_16 : i32
      %scan3A_18 = arith.constant 1 : i32
      scf.for %scan3A_20 = %scan3A_15 to %scan3A_17 step %scan3A_18  : i32 {
        %mul3A_21 = arith.constant 1 : i32
        %mul3A_22 = arith.muli %scan3A_20, %mul3A_21 : i32
        %add3A_23 = arith.constant 0 : i32
        %add3A_24 = arith.addi %add3A_23, %mul3A_22 : i32
        %mul3A_25 = arith.constant 16 : i32
        %mul3A_26 = arith.muli %add3A_24, %mul3A_25 : i32
        %get3A = arith.index_cast %mul3A_26 : i32 to index
        %get3A_27 = tpu.vector_load %arg5[%get3A] {strides = array<i32>} : memref<128xi32, #tpu.memory_space<vmem>>, vector<16xi32>,
        %broadcast_in_dim3A = arith.constant 1.000000e+00 : f32
        %broadcast_in_dim3A_28 = vector.broadcast %broadcast_in_dim3A : f32 to vector<16xf32>
        tpu.vector_store_idx %arg6[%get3A_27], %broadcast_in_dim3A_28 {add = true} : memref<10240xf32, #tpu.memory_space<vmem>>[vector<16xi32>], vector<16xf32>,
      }
      %scan3A_19 = arith.constant 8 : i32
    }
    %scan3A_6 = arith.constant 79 : i32
    "tpu.region"() ({
      %run_scoped3A = tpu.sem_alloc : memref<!tpu.dma_semaphore, #tpu.memory_space<semaphore_mem>>
      %dma_start3A = arith.constant 0 : i32
      %dma_start3A_7 = tpu.memref_slice %arg4[%add3A, %dma_start3A] : memref<32x10240xf32, #tpu.memory_space<hbm>> -> memref<1x10240xf32, #tpu.memory_space<hbm>>
      %dma_start3A_8 = tpu.memref_squeeze %dma_start3A_7 : memref<1x10240xf32, #tpu.memory_space<hbm>> -> memref<10240xf32, #tpu.memory_space<hbm>>
      %dma_start3A_9 = arith.constant 0 : i32
      %dma_start3A_10 = tpu.memref_slice %arg4[%add3A, %dma_start3A_9] : memref<32x10240xf32, #tpu.memory_space<hbm>> -> memref<1x10240xf32, #tpu.memory_space<hbm>>
      %dma_start3A_11 = tpu.memref_squeeze %dma_start3A_10 : memref<1x10240xf32, #tpu.memory_space<hbm>> -> memref<10240xf32, #tpu.memory_space<hbm>>
      tpu.enqueue_dma source(%arg6 : memref<10240xf32, #tpu.memory_space<vmem>>) target(%dma_start3A_11 : memref<10240xf32, #tpu.memory_space<hbm>>) target_semaphore(%run_scoped3A : memref<!tpu.dma_semaphore, #tpu.memory_space<semaphore_mem>>)
      %dma_wait3A = arith.constant 0 : i32
      %dma_wait3A_12 = tpu.memref_slice %arg4[%add3A, %dma_wait3A] : memref<32x10240xf32, #tpu.memory_space<hbm>> -> memref<1x10240xf32, #tpu.memory_space<hbm>>
      %dma_wait3A_13 = tpu.memref_squeeze %dma_wait3A_12 : memref<1x10240xf32, #tpu.memory_space<hbm>> -> memref<10240xf32, #tpu.memory_space<hbm>>
      %dma_wait3A_14 = arith.constant 0 : i32
      %dma_wait3A_15 = tpu.memref_slice %arg4[%add3A, %dma_wait3A_14] : memref<32x10240xf32, #tpu.memory_space<hbm>> -> memref<1x10240xf32, #tpu.memory_space<hbm>>
      %dma_wait3A_16 = tpu.memref_squeeze %dma_wait3A_15 : memref<1x10240xf32, #tpu.memory_space<hbm>> -> memref<10240xf32, #tpu.memory_space<hbm>>
      tpu.wait_dma2 semaphore(%run_scoped3A : memref<!tpu.dma_semaphore, #tpu.memory_space<semaphore_mem>>) src(%arg6 : memref<10240xf32, #tpu.memory_space<vmem>>) dst(%dma_wait3A_16 : memref<10240xf32, #tpu.memory_space<hbm>>)
      tpu.yield
    }) : () -> ()
    return
  }
}

#map = affine_map<(d0, d1) -> (0, 0)>
#map1 = affine_map<(d0, d1) -> (0)>
#map2 = affine_map<(d0, d1) -> (0, 0, 0)>
module attributes {stable_mosaic.version = 14 : i64} {
  func.func @scat_kernel(%arg0: i32, %arg1: i32, %arg2: memref<10240x128xf32, #tpu.memory_space<hbm>>, %arg3: memref<323584xi32, #tpu.memory_space<hbm>>, %arg4: memref<323584xi32, #tpu.memory_space<hbm>>, %arg5: memref<10240x128xf32, #tpu.memory_space<hbm>>, %arg6: memref<2x10240x128xf32, #tpu.memory_space<hbm>>, %arg7: memref<128xi32, #tpu.memory_space<vmem>>, %arg8: memref<128xi32, #tpu.memory_space<vmem>>, %arg9: memref<128xi32, #tpu.memory_space<vmem>>, %arg10: memref<128xi32, #tpu.memory_space<vmem>>, %arg11: memref<128x128xf32, #tpu.memory_space<vmem>>, %arg12: memref<128x128xf32, #tpu.memory_space<vmem>>, %arg13: memref<10240x128xf32, #tpu.memory_space<vmem_shared>>, %arg14: memref<!tpu.dma_semaphore, #tpu.memory_space<semaphore_mem>>, %arg15: memref<!tpu.dma_semaphore, #tpu.memory_space<semaphore_mem>>) attributes {dimension_semantics = [#tpu.dimension_semantics<core_parallel>, #tpu.dimension_semantics<subcore_parallel>], iteration_bounds = array<i64: 2, 16>, scalar_prefetch = 0 : i64, scratch_operands = 9 : i64, tpu.core_type = #tpu.core_type<sc_vector_subcore>, window_params = [{transform_indices = #map}, {transform_indices = #map1}, {transform_indices = #map1}, {transform_indices = #map}, {transform_indices = #map2}]} {
    %mul3A = arith.constant 16 : i32
    %mul3A_0 = arith.muli %arg0, %mul3A : i32
    %add3A = arith.addi %mul3A_0, %arg1 : i32
    %mul3A_1 = arith.constant 10112 : i32
    %mul3A_2 = arith.muli %add3A, %mul3A_1 : i32
    %mul3A_3 = arith.constant 640 : i32
    %mul3A_4 = arith.muli %arg1, %mul3A_3 : i32
    %mul3A_5 = arith.constant 640 : i32
    %mul3A_6 = arith.muli %arg1, %mul3A_5 : i32
    "tpu.region"() ({
      %run_scoped3A = tpu.sem_alloc : memref<!tpu.dma_semaphore, #tpu.memory_space<semaphore_mem>>
      %dma_start3A_42 = arith.constant 0 : i32
      %dma_start3A_43 = tpu.memref_slice %arg13[%mul3A_6, %dma_start3A_42] : memref<10240x128xf32, #tpu.memory_space<vmem_shared>> -> memref<640x128xf32, #tpu.memory_space<vmem_shared>>
      %dma_start3A_44 = arith.constant 0 : i32
      %dma_start3A_45 = tpu.memref_slice %arg5[%mul3A_4, %dma_start3A_44] : memref<10240x128xf32, #tpu.memory_space<hbm>> -> memref<640x128xf32, #tpu.memory_space<hbm>>
      tpu.enqueue_dma source(%dma_start3A_45 : memref<640x128xf32, #tpu.memory_space<hbm>>) target(%dma_start3A_43 : memref<640x128xf32, #tpu.memory_space<vmem_shared>>) target_semaphore(%run_scoped3A : memref<!tpu.dma_semaphore, #tpu.memory_space<semaphore_mem>>)
      %dma_wait3A_46 = arith.constant 0 : i32
      %dma_wait3A_47 = tpu.memref_slice %arg13[%mul3A_6, %dma_wait3A_46] : memref<10240x128xf32, #tpu.memory_space<vmem_shared>> -> memref<640x128xf32, #tpu.memory_space<vmem_shared>>
      %dma_wait3A_48 = arith.constant 0 : i32
      %dma_wait3A_49 = tpu.memref_slice %arg5[%mul3A_4, %dma_wait3A_48] : memref<10240x128xf32, #tpu.memory_space<hbm>> -> memref<640x128xf32, #tpu.memory_space<hbm>>
      tpu.wait_dma2 semaphore(%run_scoped3A : memref<!tpu.dma_semaphore, #tpu.memory_space<semaphore_mem>>) src(%dma_wait3A_49 : memref<640x128xf32, #tpu.memory_space<hbm>>) dst(%dma_wait3A_47 : memref<640x128xf32, #tpu.memory_space<vmem_shared>>)
      tpu.yield
    }) : () -> ()
    %barrier3A = arith.constant 0 : index
    tpu.barrier barrier_id(%barrier3A)
    %add3A_7 = arith.constant 0 : i32
    %add3A_8 = arith.addi %mul3A_2, %add3A_7 : i32
    "tpu.region"() ({
      %run_scoped3A = tpu.sem_alloc : memref<!tpu.dma_semaphore, #tpu.memory_space<semaphore_mem>>
      %dma_start3A_42 = tpu.memref_slice %arg3[%add3A_8] : memref<323584xi32, #tpu.memory_space<hbm>> -> memref<128xi32, #tpu.memory_space<hbm>>
      %dma_start3A_43 = tpu.memref_slice %arg3[%add3A_8] : memref<323584xi32, #tpu.memory_space<hbm>> -> memref<128xi32, #tpu.memory_space<hbm>>
      tpu.enqueue_dma source(%dma_start3A_43 : memref<128xi32, #tpu.memory_space<hbm>>) target(%arg7 : memref<128xi32, #tpu.memory_space<vmem>>) target_semaphore(%run_scoped3A : memref<!tpu.dma_semaphore, #tpu.memory_space<semaphore_mem>>)
      %dma_wait3A_44 = tpu.memref_slice %arg3[%add3A_8] : memref<323584xi32, #tpu.memory_space<hbm>> -> memref<128xi32, #tpu.memory_space<hbm>>
      %dma_wait3A_45 = tpu.memref_slice %arg3[%add3A_8] : memref<323584xi32, #tpu.memory_space<hbm>> -> memref<128xi32, #tpu.memory_space<hbm>>
      tpu.wait_dma2 semaphore(%run_scoped3A : memref<!tpu.dma_semaphore, #tpu.memory_space<semaphore_mem>>) src(%dma_wait3A_45 : memref<128xi32, #tpu.memory_space<hbm>>) dst(%arg7 : memref<128xi32, #tpu.memory_space<vmem>>)
      tpu.yield
    }) : () -> ()
    "tpu.region"() ({
      %run_scoped3A = tpu.sem_alloc : memref<!tpu.dma_semaphore, #tpu.memory_space<semaphore_mem>>
      %dma_start3A_42 = tpu.memref_slice %arg4[%add3A_8] : memref<323584xi32, #tpu.memory_space<hbm>> -> memref<128xi32, #tpu.memory_space<hbm>>
      %dma_start3A_43 = tpu.memref_slice %arg4[%add3A_8] : memref<323584xi32, #tpu.memory_space<hbm>> -> memref<128xi32, #tpu.memory_space<hbm>>
      tpu.enqueue_dma source(%dma_start3A_43 : memref<128xi32, #tpu.memory_space<hbm>>) target(%arg8 : memref<128xi32, #tpu.memory_space<vmem>>) target_semaphore(%run_scoped3A : memref<!tpu.dma_semaphore, #tpu.memory_space<semaphore_mem>>)
      %dma_wait3A_44 = tpu.memref_slice %arg4[%add3A_8] : memref<323584xi32, #tpu.memory_space<hbm>> -> memref<128xi32, #tpu.memory_space<hbm>>
      %dma_wait3A_45 = tpu.memref_slice %arg4[%add3A_8] : memref<323584xi32, #tpu.memory_space<hbm>> -> memref<128xi32, #tpu.memory_space<hbm>>
      tpu.wait_dma2 semaphore(%run_scoped3A : memref<!tpu.dma_semaphore, #tpu.memory_space<semaphore_mem>>) src(%dma_wait3A_45 : memref<128xi32, #tpu.memory_space<hbm>>) dst(%arg8 : memref<128xi32, #tpu.memory_space<vmem>>)
      tpu.yield
    }) : () -> ()
    %dma_start3A = arith.constant 0 : i32
    %dma_start3A_9 = arith.constant 0 : i32
    %dma_start3A_10 = tpu.memref_slice %arg2[%dma_start3A, %dma_start3A_9] : memref<10240x128xf32, #tpu.memory_space<hbm>> -> memref<10240x128xf32, #tpu.memory_space<hbm>>
    tpu.enqueue_indirect_dma source(%dma_start3A_10 : memref<10240x128xf32, #tpu.memory_space<hbm>>) target(%arg11 : memref<128x128xf32, #tpu.memory_space<vmem>>) offsets(%arg7 : memref<128xi32, #tpu.memory_space<vmem>>) semaphore(%arg14 : memref<!tpu.dma_semaphore, #tpu.memory_space<semaphore_mem>>)
    %add3A_11 = arith.constant 128 : i32
    %add3A_12 = arith.addi %mul3A_2, %add3A_11 : i32
    "tpu.region"() ({
      %run_scoped3A = tpu.sem_alloc : memref<!tpu.dma_semaphore, #tpu.memory_space<semaphore_mem>>
      %dma_start3A_42 = tpu.memref_slice %arg3[%add3A_12] : memref<323584xi32, #tpu.memory_space<hbm>> -> memref<128xi32, #tpu.memory_space<hbm>>
      %dma_start3A_43 = tpu.memref_slice %arg3[%add3A_12] : memref<323584xi32, #tpu.memory_space<hbm>> -> memref<128xi32, #tpu.memory_space<hbm>>
      tpu.enqueue_dma source(%dma_start3A_43 : memref<128xi32, #tpu.memory_space<hbm>>) target(%arg9 : memref<128xi32, #tpu.memory_space<vmem>>) target_semaphore(%run_scoped3A : memref<!tpu.dma_semaphore, #tpu.memory_space<semaphore_mem>>)
      %dma_wait3A_44 = tpu.memref_slice %arg3[%add3A_12] : memref<323584xi32, #tpu.memory_space<hbm>> -> memref<128xi32, #tpu.memory_space<hbm>>
      %dma_wait3A_45 = tpu.memref_slice %arg3[%add3A_12] : memref<323584xi32, #tpu.memory_space<hbm>> -> memref<128xi32, #tpu.memory_space<hbm>>
      tpu.wait_dma2 semaphore(%run_scoped3A : memref<!tpu.dma_semaphore, #tpu.memory_space<semaphore_mem>>) src(%dma_wait3A_45 : memref<128xi32, #tpu.memory_space<hbm>>) dst(%arg9 : memref<128xi32, #tpu.memory_space<vmem>>)
      tpu.yield
    }) : () -> ()
    "tpu.region"() ({
      %run_scoped3A = tpu.sem_alloc : memref<!tpu.dma_semaphore, #tpu.memory_space<semaphore_mem>>
      %dma_start3A_42 = tpu.memref_slice %arg4[%add3A_12] : memref<323584xi32, #tpu.memory_space<hbm>> -> memref<128xi32, #tpu.memory_space<hbm>>
      %dma_start3A_43 = tpu.memref_slice %arg4[%add3A_12] : memref<323584xi32, #tpu.memory_space<hbm>> -> memref<128xi32, #tpu.memory_space<hbm>>
      tpu.enqueue_dma source(%dma_start3A_43 : memref<128xi32, #tpu.memory_space<hbm>>) target(%arg10 : memref<128xi32, #tpu.memory_space<vmem>>) target_semaphore(%run_scoped3A : memref<!tpu.dma_semaphore, #tpu.memory_space<semaphore_mem>>)
      %dma_wait3A_44 = tpu.memref_slice %arg4[%add3A_12] : memref<323584xi32, #tpu.memory_space<hbm>> -> memref<128xi32, #tpu.memory_space<hbm>>
      %dma_wait3A_45 = tpu.memref_slice %arg4[%add3A_12] : memref<323584xi32, #tpu.memory_space<hbm>> -> memref<128xi32, #tpu.memory_space<hbm>>
      tpu.wait_dma2 semaphore(%run_scoped3A : memref<!tpu.dma_semaphore, #tpu.memory_space<semaphore_mem>>) src(%dma_wait3A_45 : memref<128xi32, #tpu.memory_space<hbm>>) dst(%arg10 : memref<128xi32, #tpu.memory_space<vmem>>)
      tpu.yield
    }) : () -> ()
    %dma_start3A_13 = arith.constant 0 : i32
    %dma_start3A_14 = arith.constant 0 : i32
    %dma_start3A_15 = tpu.memref_slice %arg2[%dma_start3A_13, %dma_start3A_14] : memref<10240x128xf32, #tpu.memory_space<hbm>> -> memref<10240x128xf32, #tpu.memory_space<hbm>>
    tpu.enqueue_indirect_dma source(%dma_start3A_15 : memref<10240x128xf32, #tpu.memory_space<hbm>>) target(%arg12 : memref<128x128xf32, #tpu.memory_space<vmem>>) offsets(%arg9 : memref<128xi32, #tpu.memory_space<vmem>>) semaphore(%arg15 : memref<!tpu.dma_semaphore, #tpu.memory_space<semaphore_mem>>)
    %scan3A = arith.constant 0 : i32
    %scan3A_16 = arith.constant 38 : i32
    %scan3A_17 = arith.addi %scan3A, %scan3A_16 : i32
    %scan3A_18 = arith.constant 1 : i32
    scf.for %scan3A_42 = %scan3A to %scan3A_17 step %scan3A_18  : i32 {
      %mul3A_43 = arith.constant 1 : i32
      %mul3A_44 = arith.muli %scan3A_42, %mul3A_43 : i32
      %add3A_45 = arith.constant 0 : i32
      %add3A_46 = arith.addi %add3A_45, %mul3A_44 : i32
      %mul3A_47 = arith.constant 2 : i32
      %mul3A_48 = arith.muli %mul3A_47, %add3A_46 : i32
      %dma_wait3A_49 = arith.constant 0 : i32
      %dma_wait3A_50 = arith.constant 0 : i32
      %dma_wait3A_51 = tpu.memref_slice %arg2[%dma_wait3A_49, %dma_wait3A_50] : memref<10240x128xf32, #tpu.memory_space<hbm>> -> memref<10240x128xf32, #tpu.memory_space<hbm>>
      tpu.wait_indirect_dma semaphore(%arg14 : memref<!tpu.dma_semaphore, #tpu.memory_space<semaphore_mem>>) src(%dma_wait3A_51 : memref<10240x128xf32, #tpu.memory_space<hbm>>) dst(%arg11 : memref<128x128xf32, #tpu.memory_space<vmem>>)
      "tpu.region"() ({
        %run_scoped3A = tpu.sem_alloc : memref<!tpu.dma_semaphore, #tpu.memory_space<semaphore_mem>>
        %dma_start3A_71 = arith.constant 0 : i32
        %dma_start3A_72 = arith.constant 0 : i32
        %dma_start3A_73 = tpu.memref_slice %arg13[%dma_start3A_71, %dma_start3A_72] : memref<10240x128xf32, #tpu.memory_space<vmem_shared>> -> memref<10240x128xf32, #tpu.memory_space<vmem_shared>>
        tpu.enqueue_indirect_dma source(%arg11 : memref<128x128xf32, #tpu.memory_space<vmem>>) target(%dma_start3A_73 : memref<10240x128xf32, #tpu.memory_space<vmem_shared>>) offsets(%arg8 : memref<128xi32, #tpu.memory_space<vmem>>) semaphore(%run_scoped3A : memref<!tpu.dma_semaphore, #tpu.memory_space<semaphore_mem>>) {add = true}
        %dma_wait3A_74 = arith.constant 0 : i32
        %dma_wait3A_75 = arith.constant 0 : i32
        %dma_wait3A_76 = tpu.memref_slice %arg13[%dma_wait3A_74, %dma_wait3A_75] : memref<10240x128xf32, #tpu.memory_space<vmem_shared>> -> memref<10240x128xf32, #tpu.memory_space<vmem_shared>>
        tpu.wait_indirect_dma semaphore(%run_scoped3A : memref<!tpu.dma_semaphore, #tpu.memory_space<semaphore_mem>>) src(%arg11 : memref<128x128xf32, #tpu.memory_space<vmem>>) dst(%dma_wait3A_76 : memref<10240x128xf32, #tpu.memory_space<vmem_shared>>)
        tpu.yield
      }) : () -> ()
      %add3A_52 = arith.constant 2 : i32
      %add3A_53 = arith.addi %mul3A_48, %add3A_52 : i32
      %mul3A_54 = arith.constant 128 : i32
      %mul3A_55 = arith.muli %add3A_53, %mul3A_54 : i32
      %add3A_56 = arith.addi %mul3A_2, %mul3A_55 : i32
      "tpu.region"() ({
        %run_scoped3A = tpu.sem_alloc : memref<!tpu.dma_semaphore, #tpu.memory_space<semaphore_mem>>
        %dma_start3A_71 = tpu.memref_slice %arg3[%add3A_56] : memref<323584xi32, #tpu.memory_space<hbm>> -> memref<128xi32, #tpu.memory_space<hbm>>
        %dma_start3A_72 = tpu.memref_slice %arg3[%add3A_56] : memref<323584xi32, #tpu.memory_space<hbm>> -> memref<128xi32, #tpu.memory_space<hbm>>
        tpu.enqueue_dma source(%dma_start3A_72 : memref<128xi32, #tpu.memory_space<hbm>>) target(%arg7 : memref<128xi32, #tpu.memory_space<vmem>>) target_semaphore(%run_scoped3A : memref<!tpu.dma_semaphore, #tpu.memory_space<semaphore_mem>>)
        %dma_wait3A_73 = tpu.memref_slice %arg3[%add3A_56] : memref<323584xi32, #tpu.memory_space<hbm>> -> memref<128xi32, #tpu.memory_space<hbm>>
        %dma_wait3A_74 = tpu.memref_slice %arg3[%add3A_56] : memref<323584xi32, #tpu.memory_space<hbm>> -> memref<128xi32, #tpu.memory_space<hbm>>
        tpu.wait_dma2 semaphore(%run_scoped3A : memref<!tpu.dma_semaphore, #tpu.memory_space<semaphore_mem>>) src(%dma_wait3A_74 : memref<128xi32, #tpu.memory_space<hbm>>) dst(%arg7 : memref<128xi32, #tpu.memory_space<vmem>>)
        tpu.yield
      }) : () -> ()
      "tpu.region"() ({
        %run_scoped3A = tpu.sem_alloc : memref<!tpu.dma_semaphore, #tpu.memory_space<semaphore_mem>>
        %dma_start3A_71 = tpu.memref_slice %arg4[%add3A_56] : memref<323584xi32, #tpu.memory_space<hbm>> -> memref<128xi32, #tpu.memory_space<hbm>>
        %dma_start3A_72 = tpu.memref_slice %arg4[%add3A_56] : memref<323584xi32, #tpu.memory_space<hbm>> -> memref<128xi32, #tpu.memory_space<hbm>>
        tpu.enqueue_dma source(%dma_start3A_72 : memref<128xi32, #tpu.memory_space<hbm>>) target(%arg8 : memref<128xi32, #tpu.memory_space<vmem>>) target_semaphore(%run_scoped3A : memref<!tpu.dma_semaphore, #tpu.memory_space<semaphore_mem>>)
        %dma_wait3A_73 = tpu.memref_slice %arg4[%add3A_56] : memref<323584xi32, #tpu.memory_space<hbm>> -> memref<128xi32, #tpu.memory_space<hbm>>
        %dma_wait3A_74 = tpu.memref_slice %arg4[%add3A_56] : memref<323584xi32, #tpu.memory_space<hbm>> -> memref<128xi32, #tpu.memory_space<hbm>>
        tpu.wait_dma2 semaphore(%run_scoped3A : memref<!tpu.dma_semaphore, #tpu.memory_space<semaphore_mem>>) src(%dma_wait3A_74 : memref<128xi32, #tpu.memory_space<hbm>>) dst(%arg8 : memref<128xi32, #tpu.memory_space<vmem>>)
        tpu.yield
      }) : () -> ()
      %dma_start3A_57 = arith.constant 0 : i32
      %dma_start3A_58 = arith.constant 0 : i32
      %dma_start3A_59 = tpu.memref_slice %arg2[%dma_start3A_57, %dma_start3A_58] : memref<10240x128xf32, #tpu.memory_space<hbm>> -> memref<10240x128xf32, #tpu.memory_space<hbm>>
      tpu.enqueue_indirect_dma source(%dma_start3A_59 : memref<10240x128xf32, #tpu.memory_space<hbm>>) target(%arg11 : memref<128x128xf32, #tpu.memory_space<vmem>>) offsets(%arg7 : memref<128xi32, #tpu.memory_space<vmem>>) semaphore(%arg14 : memref<!tpu.dma_semaphore, #tpu.memory_space<semaphore_mem>>)
      %dma_wait3A_60 = arith.constant 0 : i32
      %dma_wait3A_61 = arith.constant 0 : i32
      %dma_wait3A_62 = tpu.memref_slice %arg2[%dma_wait3A_60, %dma_wait3A_61] : memref<10240x128xf32, #tpu.memory_space<hbm>> -> memref<10240x128xf32, #tpu.memory_space<hbm>>
      tpu.wait_indirect_dma semaphore(%arg15 : memref<!tpu.dma_semaphore, #tpu.memory_space<semaphore_mem>>) src(%dma_wait3A_62 : memref<10240x128xf32, #tpu.memory_space<hbm>>) dst(%arg12 : memref<128x128xf32, #tpu.memory_space<vmem>>)
      "tpu.region"() ({
        %run_scoped3A = tpu.sem_alloc : memref<!tpu.dma_semaphore, #tpu.memory_space<semaphore_mem>>
        %dma_start3A_71 = arith.constant 0 : i32
        %dma_start3A_72 = arith.constant 0 : i32
        %dma_start3A_73 = tpu.memref_slice %arg13[%dma_start3A_71, %dma_start3A_72] : memref<10240x128xf32, #tpu.memory_space<vmem_shared>> -> memref<10240x128xf32, #tpu.memory_space<vmem_shared>>
        tpu.enqueue_indirect_dma source(%arg12 : memref<128x128xf32, #tpu.memory_space<vmem>>) target(%dma_start3A_73 : memref<10240x128xf32, #tpu.memory_space<vmem_shared>>) offsets(%arg10 : memref<128xi32, #tpu.memory_space<vmem>>) semaphore(%run_scoped3A : memref<!tpu.dma_semaphore, #tpu.memory_space<semaphore_mem>>) {add = true}
        %dma_wait3A_74 = arith.constant 0 : i32
        %dma_wait3A_75 = arith.constant 0 : i32
        %dma_wait3A_76 = tpu.memref_slice %arg13[%dma_wait3A_74, %dma_wait3A_75] : memref<10240x128xf32, #tpu.memory_space<vmem_shared>> -> memref<10240x128xf32, #tpu.memory_space<vmem_shared>>
        tpu.wait_indirect_dma semaphore(%run_scoped3A : memref<!tpu.dma_semaphore, #tpu.memory_space<semaphore_mem>>) src(%arg12 : memref<128x128xf32, #tpu.memory_space<vmem>>) dst(%dma_wait3A_76 : memref<10240x128xf32, #tpu.memory_space<vmem_shared>>)
        tpu.yield
      }) : () -> ()
      %add3A_63 = arith.constant 3 : i32
      %add3A_64 = arith.addi %mul3A_48, %add3A_63 : i32
      %mul3A_65 = arith.constant 128 : i32
      %mul3A_66 = arith.muli %add3A_64, %mul3A_65 : i32
      %add3A_67 = arith.addi %mul3A_2, %mul3A_66 : i32
      "tpu.region"() ({
        %run_scoped3A = tpu.sem_alloc : memref<!tpu.dma_semaphore, #tpu.memory_space<semaphore_mem>>
        %dma_start3A_71 = tpu.memref_slice %arg3[%add3A_67] : memref<323584xi32, #tpu.memory_space<hbm>> -> memref<128xi32, #tpu.memory_space<hbm>>
        %dma_start3A_72 = tpu.memref_slice %arg3[%add3A_67] : memref<323584xi32, #tpu.memory_space<hbm>> -> memref<128xi32, #tpu.memory_space<hbm>>
        tpu.enqueue_dma source(%dma_start3A_72 : memref<128xi32, #tpu.memory_space<hbm>>) target(%arg9 : memref<128xi32, #tpu.memory_space<vmem>>) target_semaphore(%run_scoped3A : memref<!tpu.dma_semaphore, #tpu.memory_space<semaphore_mem>>)
        %dma_wait3A_73 = tpu.memref_slice %arg3[%add3A_67] : memref<323584xi32, #tpu.memory_space<hbm>> -> memref<128xi32, #tpu.memory_space<hbm>>
        %dma_wait3A_74 = tpu.memref_slice %arg3[%add3A_67] : memref<323584xi32, #tpu.memory_space<hbm>> -> memref<128xi32, #tpu.memory_space<hbm>>
        tpu.wait_dma2 semaphore(%run_scoped3A : memref<!tpu.dma_semaphore, #tpu.memory_space<semaphore_mem>>) src(%dma_wait3A_74 : memref<128xi32, #tpu.memory_space<hbm>>) dst(%arg9 : memref<128xi32, #tpu.memory_space<vmem>>)
        tpu.yield
      }) : () -> ()
      "tpu.region"() ({
        %run_scoped3A = tpu.sem_alloc : memref<!tpu.dma_semaphore, #tpu.memory_space<semaphore_mem>>
        %dma_start3A_71 = tpu.memref_slice %arg4[%add3A_67] : memref<323584xi32, #tpu.memory_space<hbm>> -> memref<128xi32, #tpu.memory_space<hbm>>
        %dma_start3A_72 = tpu.memref_slice %arg4[%add3A_67] : memref<323584xi32, #tpu.memory_space<hbm>> -> memref<128xi32, #tpu.memory_space<hbm>>
        tpu.enqueue_dma source(%dma_start3A_72 : memref<128xi32, #tpu.memory_space<hbm>>) target(%arg10 : memref<128xi32, #tpu.memory_space<vmem>>) target_semaphore(%run_scoped3A : memref<!tpu.dma_semaphore, #tpu.memory_space<semaphore_mem>>)
        %dma_wait3A_73 = tpu.memref_slice %arg4[%add3A_67] : memref<323584xi32, #tpu.memory_space<hbm>> -> memref<128xi32, #tpu.memory_space<hbm>>
        %dma_wait3A_74 = tpu.memref_slice %arg4[%add3A_67] : memref<323584xi32, #tpu.memory_space<hbm>> -> memref<128xi32, #tpu.memory_space<hbm>>
        tpu.wait_dma2 semaphore(%run_scoped3A : memref<!tpu.dma_semaphore, #tpu.memory_space<semaphore_mem>>) src(%dma_wait3A_74 : memref<128xi32, #tpu.memory_space<hbm>>) dst(%arg10 : memref<128xi32, #tpu.memory_space<vmem>>)
        tpu.yield
      }) : () -> ()
      %dma_start3A_68 = arith.constant 0 : i32
      %dma_start3A_69 = arith.constant 0 : i32
      %dma_start3A_70 = tpu.memref_slice %arg2[%dma_start3A_68, %dma_start3A_69] : memref<10240x128xf32, #tpu.memory_space<hbm>> -> memref<10240x128xf32, #tpu.memory_space<hbm>>
      tpu.enqueue_indirect_dma source(%dma_start3A_70 : memref<10240x128xf32, #tpu.memory_space<hbm>>) target(%arg12 : memref<128x128xf32, #tpu.memory_space<vmem>>) offsets(%arg9 : memref<128xi32, #tpu.memory_space<vmem>>) semaphore(%arg15 : memref<!tpu.dma_semaphore, #tpu.memory_space<semaphore_mem>>)
    }
    %scan3A_19 = arith.constant 38 : i32
    %dma_wait3A = arith.constant 0 : i32
    %dma_wait3A_20 = arith.constant 0 : i32
    %dma_wait3A_21 = tpu.memref_slice %arg2[%dma_wait3A, %dma_wait3A_20] : memref<10240x128xf32, #tpu.memory_space<hbm>> -> memref<10240x128xf32, #tpu.memory_space<hbm>>
    tpu.wait_indirect_dma semaphore(%arg14 : memref<!tpu.dma_semaphore, #tpu.memory_space<semaphore_mem>>) src(%dma_wait3A_21 : memref<10240x128xf32, #tpu.memory_space<hbm>>) dst(%arg11 : memref<128x128xf32, #tpu.memory_space<vmem>>)
    "tpu.region"() ({
      %run_scoped3A = tpu.sem_alloc : memref<!tpu.dma_semaphore, #tpu.memory_space<semaphore_mem>>
      %dma_start3A_42 = arith.constant 0 : i32
      %dma_start3A_43 = arith.constant 0 : i32
      %dma_start3A_44 = tpu.memref_slice %arg13[%dma_start3A_42, %dma_start3A_43] : memref<10240x128xf32, #tpu.memory_space<vmem_shared>> -> memref<10240x128xf32, #tpu.memory_space<vmem_shared>>
      tpu.enqueue_indirect_dma source(%arg11 : memref<128x128xf32, #tpu.memory_space<vmem>>) target(%dma_start3A_44 : memref<10240x128xf32, #tpu.memory_space<vmem_shared>>) offsets(%arg8 : memref<128xi32, #tpu.memory_space<vmem>>) semaphore(%run_scoped3A : memref<!tpu.dma_semaphore, #tpu.memory_space<semaphore_mem>>) {add = true}
      %dma_wait3A_45 = arith.constant 0 : i32
      %dma_wait3A_46 = arith.constant 0 : i32
      %dma_wait3A_47 = tpu.memref_slice %arg13[%dma_wait3A_45, %dma_wait3A_46] : memref<10240x128xf32, #tpu.memory_space<vmem_shared>> -> memref<10240x128xf32, #tpu.memory_space<vmem_shared>>
      tpu.wait_indirect_dma semaphore(%run_scoped3A : memref<!tpu.dma_semaphore, #tpu.memory_space<semaphore_mem>>) src(%arg11 : memref<128x128xf32, #tpu.memory_space<vmem>>) dst(%dma_wait3A_47 : memref<10240x128xf32, #tpu.memory_space<vmem_shared>>)
      tpu.yield
    }) : () -> ()
    %add3A_22 = arith.constant 9984 : i32
    %add3A_23 = arith.addi %mul3A_2, %add3A_22 : i32
    "tpu.region"() ({
      %run_scoped3A = tpu.sem_alloc : memref<!tpu.dma_semaphore, #tpu.memory_space<semaphore_mem>>
      %dma_start3A_42 = tpu.memref_slice %arg3[%add3A_23] : memref<323584xi32, #tpu.memory_space<hbm>> -> memref<128xi32, #tpu.memory_space<hbm>>
      %dma_start3A_43 = tpu.memref_slice %arg3[%add3A_23] : memref<323584xi32, #tpu.memory_space<hbm>> -> memref<128xi32, #tpu.memory_space<hbm>>
      tpu.enqueue_dma source(%dma_start3A_43 : memref<128xi32, #tpu.memory_space<hbm>>) target(%arg7 : memref<128xi32, #tpu.memory_space<vmem>>) target_semaphore(%run_scoped3A : memref<!tpu.dma_semaphore, #tpu.memory_space<semaphore_mem>>)
      %dma_wait3A_44 = tpu.memref_slice %arg3[%add3A_23] : memref<323584xi32, #tpu.memory_space<hbm>> -> memref<128xi32, #tpu.memory_space<hbm>>
      %dma_wait3A_45 = tpu.memref_slice %arg3[%add3A_23] : memref<323584xi32, #tpu.memory_space<hbm>> -> memref<128xi32, #tpu.memory_space<hbm>>
      tpu.wait_dma2 semaphore(%run_scoped3A : memref<!tpu.dma_semaphore, #tpu.memory_space<semaphore_mem>>) src(%dma_wait3A_45 : memref<128xi32, #tpu.memory_space<hbm>>) dst(%arg7 : memref<128xi32, #tpu.memory_space<vmem>>)
      tpu.yield
    }) : () -> ()
    "tpu.region"() ({
      %run_scoped3A = tpu.sem_alloc : memref<!tpu.dma_semaphore, #tpu.memory_space<semaphore_mem>>
      %dma_start3A_42 = tpu.memref_slice %arg4[%add3A_23] : memref<323584xi32, #tpu.memory_space<hbm>> -> memref<128xi32, #tpu.memory_space<hbm>>
      %dma_start3A_43 = tpu.memref_slice %arg4[%add3A_23] : memref<323584xi32, #tpu.memory_space<hbm>> -> memref<128xi32, #tpu.memory_space<hbm>>
      tpu.enqueue_dma source(%dma_start3A_43 : memref<128xi32, #tpu.memory_space<hbm>>) target(%arg8 : memref<128xi32, #tpu.memory_space<vmem>>) target_semaphore(%run_scoped3A : memref<!tpu.dma_semaphore, #tpu.memory_space<semaphore_mem>>)
      %dma_wait3A_44 = tpu.memref_slice %arg4[%add3A_23] : memref<323584xi32, #tpu.memory_space<hbm>> -> memref<128xi32, #tpu.memory_space<hbm>>
      %dma_wait3A_45 = tpu.memref_slice %arg4[%add3A_23] : memref<323584xi32, #tpu.memory_space<hbm>> -> memref<128xi32, #tpu.memory_space<hbm>>
      tpu.wait_dma2 semaphore(%run_scoped3A : memref<!tpu.dma_semaphore, #tpu.memory_space<semaphore_mem>>) src(%dma_wait3A_45 : memref<128xi32, #tpu.memory_space<hbm>>) dst(%arg8 : memref<128xi32, #tpu.memory_space<vmem>>)
      tpu.yield
    }) : () -> ()
    %dma_start3A_24 = arith.constant 0 : i32
    %dma_start3A_25 = arith.constant 0 : i32
    %dma_start3A_26 = tpu.memref_slice %arg2[%dma_start3A_24, %dma_start3A_25] : memref<10240x128xf32, #tpu.memory_space<hbm>> -> memref<10240x128xf32, #tpu.memory_space<hbm>>
    tpu.enqueue_indirect_dma source(%dma_start3A_26 : memref<10240x128xf32, #tpu.memory_space<hbm>>) target(%arg11 : memref<128x128xf32, #tpu.memory_space<vmem>>) offsets(%arg7 : memref<128xi32, #tpu.memory_space<vmem>>) semaphore(%arg14 : memref<!tpu.dma_semaphore, #tpu.memory_space<semaphore_mem>>)
    %dma_wait3A_27 = arith.constant 0 : i32
    %dma_wait3A_28 = arith.constant 0 : i32
    %dma_wait3A_29 = tpu.memref_slice %arg2[%dma_wait3A_27, %dma_wait3A_28] : memref<10240x128xf32, #tpu.memory_space<hbm>> -> memref<10240x128xf32, #tpu.memory_space<hbm>>
    tpu.wait_indirect_dma semaphore(%arg15 : memref<!tpu.dma_semaphore, #tpu.memory_space<semaphore_mem>>) src(%dma_wait3A_29 : memref<10240x128xf32, #tpu.memory_space<hbm>>) dst(%arg12 : memref<128x128xf32, #tpu.memory_space<vmem>>)
    "tpu.region"() ({
      %run_scoped3A = tpu.sem_alloc : memref<!tpu.dma_semaphore, #tpu.memory_space<semaphore_mem>>
      %dma_start3A_42 = arith.constant 0 : i32
      %dma_start3A_43 = arith.constant 0 : i32
      %dma_start3A_44 = tpu.memref_slice %arg13[%dma_start3A_42, %dma_start3A_43] : memref<10240x128xf32, #tpu.memory_space<vmem_shared>> -> memref<10240x128xf32, #tpu.memory_space<vmem_shared>>
      tpu.enqueue_indirect_dma source(%arg12 : memref<128x128xf32, #tpu.memory_space<vmem>>) target(%dma_start3A_44 : memref<10240x128xf32, #tpu.memory_space<vmem_shared>>) offsets(%arg10 : memref<128xi32, #tpu.memory_space<vmem>>) semaphore(%run_scoped3A : memref<!tpu.dma_semaphore, #tpu.memory_space<semaphore_mem>>) {add = true}
      %dma_wait3A_45 = arith.constant 0 : i32
      %dma_wait3A_46 = arith.constant 0 : i32
      %dma_wait3A_47 = tpu.memref_slice %arg13[%dma_wait3A_45, %dma_wait3A_46] : memref<10240x128xf32, #tpu.memory_space<vmem_shared>> -> memref<10240x128xf32, #tpu.memory_space<vmem_shared>>
      tpu.wait_indirect_dma semaphore(%run_scoped3A : memref<!tpu.dma_semaphore, #tpu.memory_space<semaphore_mem>>) src(%arg12 : memref<128x128xf32, #tpu.memory_space<vmem>>) dst(%dma_wait3A_47 : memref<10240x128xf32, #tpu.memory_space<vmem_shared>>)
      tpu.yield
    }) : () -> ()
    %dma_wait3A_30 = arith.constant 0 : i32
    %dma_wait3A_31 = arith.constant 0 : i32
    %dma_wait3A_32 = tpu.memref_slice %arg2[%dma_wait3A_30, %dma_wait3A_31] : memref<10240x128xf32, #tpu.memory_space<hbm>> -> memref<10240x128xf32, #tpu.memory_space<hbm>>
    tpu.wait_indirect_dma semaphore(%arg14 : memref<!tpu.dma_semaphore, #tpu.memory_space<semaphore_mem>>) src(%dma_wait3A_32 : memref<10240x128xf32, #tpu.memory_space<hbm>>) dst(%arg11 : memref<128x128xf32, #tpu.memory_space<vmem>>)
    "tpu.region"() ({
      %run_scoped3A = tpu.sem_alloc : memref<!tpu.dma_semaphore, #tpu.memory_space<semaphore_mem>>
      %dma_start3A_42 = arith.constant 0 : i32
      %dma_start3A_43 = arith.constant 0 : i32
      %dma_start3A_44 = tpu.memref_slice %arg13[%dma_start3A_42, %dma_start3A_43] : memref<10240x128xf32, #tpu.memory_space<vmem_shared>> -> memref<10240x128xf32, #tpu.memory_space<vmem_shared>>
      tpu.enqueue_indirect_dma source(%arg11 : memref<128x128xf32, #tpu.memory_space<vmem>>) target(%dma_start3A_44 : memref<10240x128xf32, #tpu.memory_space<vmem_shared>>) offsets(%arg8 : memref<128xi32, #tpu.memory_space<vmem>>) semaphore(%run_scoped3A : memref<!tpu.dma_semaphore, #tpu.memory_space<semaphore_mem>>) {add = true}
      %dma_wait3A_45 = arith.constant 0 : i32
      %dma_wait3A_46 = arith.constant 0 : i32
      %dma_wait3A_47 = tpu.memref_slice %arg13[%dma_wait3A_45, %dma_wait3A_46] : memref<10240x128xf32, #tpu.memory_space<vmem_shared>> -> memref<10240x128xf32, #tpu.memory_space<vmem_shared>>
      tpu.wait_indirect_dma semaphore(%run_scoped3A : memref<!tpu.dma_semaphore, #tpu.memory_space<semaphore_mem>>) src(%arg11 : memref<128x128xf32, #tpu.memory_space<vmem>>) dst(%dma_wait3A_47 : memref<10240x128xf32, #tpu.memory_space<vmem_shared>>)
      tpu.yield
    }) : () -> ()
    %barrier3A_33 = arith.constant 0 : index
    tpu.barrier barrier_id(%barrier3A_33)
    %mul3A_34 = arith.constant 640 : i32
    %mul3A_35 = arith.muli %arg1, %mul3A_34 : i32
    %mul3A_36 = arith.constant 640 : i32
    %mul3A_37 = arith.muli %arg1, %mul3A_36 : i32
    "tpu.region"() ({
      %run_scoped3A = tpu.sem_alloc : memref<!tpu.dma_semaphore, #tpu.memory_space<semaphore_mem>>
      %dma_start3A_42 = arith.constant 0 : i32
      %dma_start3A_43 = tpu.memref_slice %arg6[%arg0, %mul3A_37, %dma_start3A_42] : memref<2x10240x128xf32, #tpu.memory_space<hbm>> -> memref<1x640x128xf32, #tpu.memory_space<hbm>>
      %dma_start3A_44 = tpu.memref_squeeze %dma_start3A_43 : memref<1x640x128xf32, #tpu.memory_space<hbm>> -> memref<640x128xf32, #tpu.memory_space<hbm>>
      %dma_start3A_45 = arith.constant 0 : i32
      %dma_start3A_46 = tpu.memref_slice %arg13[%mul3A_35, %dma_start3A_45] : memref<10240x128xf32, #tpu.memory_space<vmem_shared>> -> memref<640x128xf32, #tpu.memory_space<vmem_shared>>
      tpu.enqueue_dma source(%dma_start3A_46 : memref<640x128xf32, #tpu.memory_space<vmem_shared>>) target(%dma_start3A_44 : memref<640x128xf32, #tpu.memory_space<hbm>>) target_semaphore(%run_scoped3A : memref<!tpu.dma_semaphore, #tpu.memory_space<semaphore_mem>>)
      %dma_wait3A_47 = arith.constant 0 : i32
      %dma_wait3A_48 = tpu.memref_slice %arg6[%arg0, %mul3A_37, %dma_wait3A_47] : memref<2x10240x128xf32, #tpu.memory_space<hbm>> -> memref<1x640x128xf32, #tpu.memory_space<hbm>>
      %dma_wait3A_49 = tpu.memref_squeeze %dma_wait3A_48 : memref<1x640x128xf32, #tpu.memory_space<hbm>> -> memref<640x128xf32, #tpu.memory_space<hbm>>
      %dma_wait3A_50 = arith.constant 0 : i32
      %dma_wait3A_51 = tpu.memref_slice %arg13[%mul3A_35, %dma_wait3A_50] : memref<10240x128xf32, #tpu.memory_space<vmem_shared>> -> memref<640x128xf32, #tpu.memory_space<vmem_shared>>
      tpu.wait_dma2 semaphore(%run_scoped3A : memref<!tpu.dma_semaphore, #tpu.memory_space<semaphore_mem>>) src(%dma_wait3A_51 : memref<640x128xf32, #tpu.memory_space<vmem_shared>>) dst(%dma_wait3A_49 : memref<640x128xf32, #tpu.memory_space<hbm>>)
      tpu.yield
    }) : () -> ()
    %mul3A_38 = arith.constant 640 : i32
    %mul3A_39 = arith.muli %arg1, %mul3A_38 : i32
    %mul3A_40 = arith.constant 640 : i32
    %mul3A_41 = arith.muli %arg1, %mul3A_40 : i32
    "tpu.region"() ({
      %run_scoped3A = tpu.sem_alloc : memref<!tpu.dma_semaphore, #tpu.memory_space<semaphore_mem>>
      %dma_start3A_42 = arith.constant 0 : i32
      %dma_start3A_43 = tpu.memref_slice %arg6[%arg0, %mul3A_41, %dma_start3A_42] : memref<2x10240x128xf32, #tpu.memory_space<hbm>> -> memref<1x640x128xf32, #tpu.memory_space<hbm>>
      %dma_start3A_44 = tpu.memref_squeeze %dma_start3A_43 : memref<1x640x128xf32, #tpu.memory_space<hbm>> -> memref<640x128xf32, #tpu.memory_space<hbm>>
      %dma_start3A_45 = arith.constant 0 : i32
      %dma_start3A_46 = tpu.memref_slice %arg13[%mul3A_39, %dma_start3A_45] : memref<10240x128xf32, #tpu.memory_space<vmem_shared>> -> memref<640x128xf32, #tpu.memory_space<vmem_shared>>
      tpu.enqueue_dma source(%dma_start3A_46 : memref<640x128xf32, #tpu.memory_space<vmem_shared>>) target(%dma_start3A_44 : memref<640x128xf32, #tpu.memory_space<hbm>>) target_semaphore(%run_scoped3A : memref<!tpu.dma_semaphore, #tpu.memory_space<semaphore_mem>>)
      %dma_wait3A_47 = arith.constant 0 : i32
      %dma_wait3A_48 = tpu.memref_slice %arg6[%arg0, %mul3A_41, %dma_wait3A_47] : memref<2x10240x128xf32, #tpu.memory_space<hbm>> -> memref<1x640x128xf32, #tpu.memory_space<hbm>>
      %dma_wait3A_49 = tpu.memref_squeeze %dma_wait3A_48 : memref<1x640x128xf32, #tpu.memory_space<hbm>> -> memref<640x128xf32, #tpu.memory_space<hbm>>
      %dma_wait3A_50 = arith.constant 0 : i32
      %dma_wait3A_51 = tpu.memref_slice %arg13[%mul3A_39, %dma_wait3A_50] : memref<10240x128xf32, #tpu.memory_space<vmem_shared>> -> memref<640x128xf32, #tpu.memory_space<vmem_shared>>
      tpu.wait_dma2 semaphore(%run_scoped3A : memref<!tpu.dma_semaphore, #tpu.memory_space<semaphore_mem>>) src(%dma_wait3A_51 : memref<640x128xf32, #tpu.memory_space<vmem_shared>>) dst(%dma_wait3A_49 : memref<640x128xf32, #tpu.memory_space<hbm>>)
      tpu.yield
    }) : () -> ()
    return
  }
}

#map = affine_map<(d0, d1) -> (0, 0)>
#map1 = affine_map<(d0, d1) -> (0)>
#map2 = affine_map<(d0, d1) -> (0, 0, 0)>
module attributes {stable_mosaic.version = 14 : i64} {
  func.func @scat_kernel(%arg0: i32, %arg1: i32, %arg2: memref<10240x128xf32, #tpu.memory_space<hbm>>, %arg3: memref<323584xi32, #tpu.memory_space<hbm>>, %arg4: memref<323584xi32, #tpu.memory_space<hbm>>, %arg5: memref<10240x128xf32, #tpu.memory_space<hbm>>, %arg6: memref<2x10240x128xf32, #tpu.memory_space<hbm>>, %arg7: memref<128xi32, #tpu.memory_space<vmem>>, %arg8: memref<128xi32, #tpu.memory_space<vmem>>, %arg9: memref<128xi32, #tpu.memory_space<vmem>>, %arg10: memref<128xi32, #tpu.memory_space<vmem>>, %arg11: memref<128x128xf32, #tpu.memory_space<vmem>>, %arg12: memref<128x128xf32, #tpu.memory_space<vmem>>, %arg13: memref<10240x128xf32, #tpu.memory_space<vmem_shared>>, %arg14: memref<!tpu.dma_semaphore, #tpu.memory_space<semaphore_mem>>, %arg15: memref<!tpu.dma_semaphore, #tpu.memory_space<semaphore_mem>>) attributes {dimension_semantics = [#tpu.dimension_semantics<core_parallel>, #tpu.dimension_semantics<subcore_parallel>], iteration_bounds = array<i64: 2, 16>, scalar_prefetch = 0 : i64, scratch_operands = 9 : i64, tpu.core_type = #tpu.core_type<sc_vector_subcore>, window_params = [{transform_indices = #map}, {transform_indices = #map1}, {transform_indices = #map1}, {transform_indices = #map}, {transform_indices = #map2}]} {
    %mul3A = arith.constant 16 : i32
    %mul3A_0 = arith.muli %arg0, %mul3A : i32
    %add3A = arith.addi %mul3A_0, %arg1 : i32
    %mul3A_1 = arith.constant 10112 : i32
    %mul3A_2 = arith.muli %add3A, %mul3A_1 : i32
    %mul3A_3 = arith.constant 640 : i32
    %mul3A_4 = arith.muli %arg1, %mul3A_3 : i32
    %mul3A_5 = arith.constant 640 : i32
    %mul3A_6 = arith.muli %arg1, %mul3A_5 : i32
    "tpu.region"() ({
      %run_scoped3A = tpu.sem_alloc : memref<!tpu.dma_semaphore, #tpu.memory_space<semaphore_mem>>
      %dma_start3A_42 = arith.constant 0 : i32
      %dma_start3A_43 = tpu.memref_slice %arg13[%mul3A_6, %dma_start3A_42] : memref<10240x128xf32, #tpu.memory_space<vmem_shared>> -> memref<640x128xf32, #tpu.memory_space<vmem_shared>>
      %dma_start3A_44 = arith.constant 0 : i32
      %dma_start3A_45 = tpu.memref_slice %arg5[%mul3A_4, %dma_start3A_44] : memref<10240x128xf32, #tpu.memory_space<hbm>> -> memref<640x128xf32, #tpu.memory_space<hbm>>
      tpu.enqueue_dma source(%dma_start3A_45 : memref<640x128xf32, #tpu.memory_space<hbm>>) target(%dma_start3A_43 : memref<640x128xf32, #tpu.memory_space<vmem_shared>>) target_semaphore(%run_scoped3A : memref<!tpu.dma_semaphore, #tpu.memory_space<semaphore_mem>>)
      %dma_wait3A_46 = arith.constant 0 : i32
      %dma_wait3A_47 = tpu.memref_slice %arg13[%mul3A_6, %dma_wait3A_46] : memref<10240x128xf32, #tpu.memory_space<vmem_shared>> -> memref<640x128xf32, #tpu.memory_space<vmem_shared>>
      %dma_wait3A_48 = arith.constant 0 : i32
      %dma_wait3A_49 = tpu.memref_slice %arg5[%mul3A_4, %dma_wait3A_48] : memref<10240x128xf32, #tpu.memory_space<hbm>> -> memref<640x128xf32, #tpu.memory_space<hbm>>
      tpu.wait_dma2 semaphore(%run_scoped3A : memref<!tpu.dma_semaphore, #tpu.memory_space<semaphore_mem>>) src(%dma_wait3A_49 : memref<640x128xf32, #tpu.memory_space<hbm>>) dst(%dma_wait3A_47 : memref<640x128xf32, #tpu.memory_space<vmem_shared>>)
      tpu.yield
    }) : () -> ()
    %barrier3A = arith.constant 0 : index
    tpu.barrier barrier_id(%barrier3A)
    %add3A_7 = arith.constant 0 : i32
    %add3A_8 = arith.addi %mul3A_2, %add3A_7 : i32
    "tpu.region"() ({
      %run_scoped3A = tpu.sem_alloc : memref<!tpu.dma_semaphore, #tpu.memory_space<semaphore_mem>>
      %dma_start3A_42 = tpu.memref_slice %arg3[%add3A_8] : memref<323584xi32, #tpu.memory_space<hbm>> -> memref<128xi32, #tpu.memory_space<hbm>>
      %dma_start3A_43 = tpu.memref_slice %arg3[%add3A_8] : memref<323584xi32, #tpu.memory_space<hbm>> -> memref<128xi32, #tpu.memory_space<hbm>>
      tpu.enqueue_dma source(%dma_start3A_43 : memref<128xi32, #tpu.memory_space<hbm>>) target(%arg7 : memref<128xi32, #tpu.memory_space<vmem>>) target_semaphore(%run_scoped3A : memref<!tpu.dma_semaphore, #tpu.memory_space<semaphore_mem>>)
      %dma_wait3A_44 = tpu.memref_slice %arg3[%add3A_8] : memref<323584xi32, #tpu.memory_space<hbm>> -> memref<128xi32, #tpu.memory_space<hbm>>
      %dma_wait3A_45 = tpu.memref_slice %arg3[%add3A_8] : memref<323584xi32, #tpu.memory_space<hbm>> -> memref<128xi32, #tpu.memory_space<hbm>>
      tpu.wait_dma2 semaphore(%run_scoped3A : memref<!tpu.dma_semaphore, #tpu.memory_space<semaphore_mem>>) src(%dma_wait3A_45 : memref<128xi32, #tpu.memory_space<hbm>>) dst(%arg7 : memref<128xi32, #tpu.memory_space<vmem>>)
      tpu.yield
    }) : () -> ()
    "tpu.region"() ({
      %run_scoped3A = tpu.sem_alloc : memref<!tpu.dma_semaphore, #tpu.memory_space<semaphore_mem>>
      %dma_start3A_42 = tpu.memref_slice %arg4[%add3A_8] : memref<323584xi32, #tpu.memory_space<hbm>> -> memref<128xi32, #tpu.memory_space<hbm>>
      %dma_start3A_43 = tpu.memref_slice %arg4[%add3A_8] : memref<323584xi32, #tpu.memory_space<hbm>> -> memref<128xi32, #tpu.memory_space<hbm>>
      tpu.enqueue_dma source(%dma_start3A_43 : memref<128xi32, #tpu.memory_space<hbm>>) target(%arg8 : memref<128xi32, #tpu.memory_space<vmem>>) target_semaphore(%run_scoped3A : memref<!tpu.dma_semaphore, #tpu.memory_space<semaphore_mem>>)
      %dma_wait3A_44 = tpu.memref_slice %arg4[%add3A_8] : memref<323584xi32, #tpu.memory_space<hbm>> -> memref<128xi32, #tpu.memory_space<hbm>>
      %dma_wait3A_45 = tpu.memref_slice %arg4[%add3A_8] : memref<323584xi32, #tpu.memory_space<hbm>> -> memref<128xi32, #tpu.memory_space<hbm>>
      tpu.wait_dma2 semaphore(%run_scoped3A : memref<!tpu.dma_semaphore, #tpu.memory_space<semaphore_mem>>) src(%dma_wait3A_45 : memref<128xi32, #tpu.memory_space<hbm>>) dst(%arg8 : memref<128xi32, #tpu.memory_space<vmem>>)
      tpu.yield
    }) : () -> ()
    %dma_start3A = arith.constant 0 : i32
    %dma_start3A_9 = arith.constant 0 : i32
    %dma_start3A_10 = tpu.memref_slice %arg2[%dma_start3A, %dma_start3A_9] : memref<10240x128xf32, #tpu.memory_space<hbm>> -> memref<10240x128xf32, #tpu.memory_space<hbm>>
    tpu.enqueue_indirect_dma source(%dma_start3A_10 : memref<10240x128xf32, #tpu.memory_space<hbm>>) target(%arg11 : memref<128x128xf32, #tpu.memory_space<vmem>>) offsets(%arg7 : memref<128xi32, #tpu.memory_space<vmem>>) semaphore(%arg14 : memref<!tpu.dma_semaphore, #tpu.memory_space<semaphore_mem>>)
    %add3A_11 = arith.constant 128 : i32
    %add3A_12 = arith.addi %mul3A_2, %add3A_11 : i32
    "tpu.region"() ({
      %run_scoped3A = tpu.sem_alloc : memref<!tpu.dma_semaphore, #tpu.memory_space<semaphore_mem>>
      %dma_start3A_42 = tpu.memref_slice %arg3[%add3A_12] : memref<323584xi32, #tpu.memory_space<hbm>> -> memref<128xi32, #tpu.memory_space<hbm>>
      %dma_start3A_43 = tpu.memref_slice %arg3[%add3A_12] : memref<323584xi32, #tpu.memory_space<hbm>> -> memref<128xi32, #tpu.memory_space<hbm>>
      tpu.enqueue_dma source(%dma_start3A_43 : memref<128xi32, #tpu.memory_space<hbm>>) target(%arg9 : memref<128xi32, #tpu.memory_space<vmem>>) target_semaphore(%run_scoped3A : memref<!tpu.dma_semaphore, #tpu.memory_space<semaphore_mem>>)
      %dma_wait3A_44 = tpu.memref_slice %arg3[%add3A_12] : memref<323584xi32, #tpu.memory_space<hbm>> -> memref<128xi32, #tpu.memory_space<hbm>>
      %dma_wait3A_45 = tpu.memref_slice %arg3[%add3A_12] : memref<323584xi32, #tpu.memory_space<hbm>> -> memref<128xi32, #tpu.memory_space<hbm>>
      tpu.wait_dma2 semaphore(%run_scoped3A : memref<!tpu.dma_semaphore, #tpu.memory_space<semaphore_mem>>) src(%dma_wait3A_45 : memref<128xi32, #tpu.memory_space<hbm>>) dst(%arg9 : memref<128xi32, #tpu.memory_space<vmem>>)
      tpu.yield
    }) : () -> ()
    "tpu.region"() ({
      %run_scoped3A = tpu.sem_alloc : memref<!tpu.dma_semaphore, #tpu.memory_space<semaphore_mem>>
      %dma_start3A_42 = tpu.memref_slice %arg4[%add3A_12] : memref<323584xi32, #tpu.memory_space<hbm>> -> memref<128xi32, #tpu.memory_space<hbm>>
      %dma_start3A_43 = tpu.memref_slice %arg4[%add3A_12] : memref<323584xi32, #tpu.memory_space<hbm>> -> memref<128xi32, #tpu.memory_space<hbm>>
      tpu.enqueue_dma source(%dma_start3A_43 : memref<128xi32, #tpu.memory_space<hbm>>) target(%arg10 : memref<128xi32, #tpu.memory_space<vmem>>) target_semaphore(%run_scoped3A : memref<!tpu.dma_semaphore, #tpu.memory_space<semaphore_mem>>)
      %dma_wait3A_44 = tpu.memref_slice %arg4[%add3A_12] : memref<323584xi32, #tpu.memory_space<hbm>> -> memref<128xi32, #tpu.memory_space<hbm>>
      %dma_wait3A_45 = tpu.memref_slice %arg4[%add3A_12] : memref<323584xi32, #tpu.memory_space<hbm>> -> memref<128xi32, #tpu.memory_space<hbm>>
      tpu.wait_dma2 semaphore(%run_scoped3A : memref<!tpu.dma_semaphore, #tpu.memory_space<semaphore_mem>>) src(%dma_wait3A_45 : memref<128xi32, #tpu.memory_space<hbm>>) dst(%arg10 : memref<128xi32, #tpu.memory_space<vmem>>)
      tpu.yield
    }) : () -> ()
    %dma_start3A_13 = arith.constant 0 : i32
    %dma_start3A_14 = arith.constant 0 : i32
    %dma_start3A_15 = tpu.memref_slice %arg2[%dma_start3A_13, %dma_start3A_14] : memref<10240x128xf32, #tpu.memory_space<hbm>> -> memref<10240x128xf32, #tpu.memory_space<hbm>>
    tpu.enqueue_indirect_dma source(%dma_start3A_15 : memref<10240x128xf32, #tpu.memory_space<hbm>>) target(%arg12 : memref<128x128xf32, #tpu.memory_space<vmem>>) offsets(%arg9 : memref<128xi32, #tpu.memory_space<vmem>>) semaphore(%arg15 : memref<!tpu.dma_semaphore, #tpu.memory_space<semaphore_mem>>)
    %scan3A = arith.constant 0 : i32
    %scan3A_16 = arith.constant 38 : i32
    %scan3A_17 = arith.addi %scan3A, %scan3A_16 : i32
    %scan3A_18 = arith.constant 1 : i32
    scf.for %scan3A_42 = %scan3A to %scan3A_17 step %scan3A_18  : i32 {
      %mul3A_43 = arith.constant 1 : i32
      %mul3A_44 = arith.muli %scan3A_42, %mul3A_43 : i32
      %add3A_45 = arith.constant 0 : i32
      %add3A_46 = arith.addi %add3A_45, %mul3A_44 : i32
      %mul3A_47 = arith.constant 2 : i32
      %mul3A_48 = arith.muli %mul3A_47, %add3A_46 : i32
      %dma_wait3A_49 = arith.constant 0 : i32
      %dma_wait3A_50 = arith.constant 0 : i32
      %dma_wait3A_51 = tpu.memref_slice %arg2[%dma_wait3A_49, %dma_wait3A_50] : memref<10240x128xf32, #tpu.memory_space<hbm>> -> memref<10240x128xf32, #tpu.memory_space<hbm>>
      tpu.wait_indirect_dma semaphore(%arg14 : memref<!tpu.dma_semaphore, #tpu.memory_space<semaphore_mem>>) src(%dma_wait3A_51 : memref<10240x128xf32, #tpu.memory_space<hbm>>) dst(%arg11 : memref<128x128xf32, #tpu.memory_space<vmem>>)
      "tpu.region"() ({
        %run_scoped3A = tpu.sem_alloc : memref<!tpu.dma_semaphore, #tpu.memory_space<semaphore_mem>>
        %dma_start3A_71 = arith.constant 0 : i32
        %dma_start3A_72 = arith.constant 0 : i32
        %dma_start3A_73 = tpu.memref_slice %arg13[%dma_start3A_71, %dma_start3A_72] : memref<10240x128xf32, #tpu.memory_space<vmem_shared>> -> memref<10240x128xf32, #tpu.memory_space<vmem_shared>>
        tpu.enqueue_indirect_dma source(%arg11 : memref<128x128xf32, #tpu.memory_space<vmem>>) target(%dma_start3A_73 : memref<10240x128xf32, #tpu.memory_space<vmem_shared>>) offsets(%arg8 : memref<128xi32, #tpu.memory_space<vmem>>) semaphore(%run_scoped3A : memref<!tpu.dma_semaphore, #tpu.memory_space<semaphore_mem>>) {add = true}
        %dma_wait3A_74 = arith.constant 0 : i32
        %dma_wait3A_75 = arith.constant 0 : i32
        %dma_wait3A_76 = tpu.memref_slice %arg13[%dma_wait3A_74, %dma_wait3A_75] : memref<10240x128xf32, #tpu.memory_space<vmem_shared>> -> memref<10240x128xf32, #tpu.memory_space<vmem_shared>>
        tpu.wait_indirect_dma semaphore(%run_scoped3A : memref<!tpu.dma_semaphore, #tpu.memory_space<semaphore_mem>>) src(%arg11 : memref<128x128xf32, #tpu.memory_space<vmem>>) dst(%dma_wait3A_76 : memref<10240x128xf32, #tpu.memory_space<vmem_shared>>)
        tpu.yield
      }) : () -> ()
      %add3A_52 = arith.constant 2 : i32
      %add3A_53 = arith.addi %mul3A_48, %add3A_52 : i32
      %mul3A_54 = arith.constant 128 : i32
      %mul3A_55 = arith.muli %add3A_53, %mul3A_54 : i32
      %add3A_56 = arith.addi %mul3A_2, %mul3A_55 : i32
      "tpu.region"() ({
        %run_scoped3A = tpu.sem_alloc : memref<!tpu.dma_semaphore, #tpu.memory_space<semaphore_mem>>
        %dma_start3A_71 = tpu.memref_slice %arg3[%add3A_56] : memref<323584xi32, #tpu.memory_space<hbm>> -> memref<128xi32, #tpu.memory_space<hbm>>
        %dma_start3A_72 = tpu.memref_slice %arg3[%add3A_56] : memref<323584xi32, #tpu.memory_space<hbm>> -> memref<128xi32, #tpu.memory_space<hbm>>
        tpu.enqueue_dma source(%dma_start3A_72 : memref<128xi32, #tpu.memory_space<hbm>>) target(%arg7 : memref<128xi32, #tpu.memory_space<vmem>>) target_semaphore(%run_scoped3A : memref<!tpu.dma_semaphore, #tpu.memory_space<semaphore_mem>>)
        %dma_wait3A_73 = tpu.memref_slice %arg3[%add3A_56] : memref<323584xi32, #tpu.memory_space<hbm>> -> memref<128xi32, #tpu.memory_space<hbm>>
        %dma_wait3A_74 = tpu.memref_slice %arg3[%add3A_56] : memref<323584xi32, #tpu.memory_space<hbm>> -> memref<128xi32, #tpu.memory_space<hbm>>
        tpu.wait_dma2 semaphore(%run_scoped3A : memref<!tpu.dma_semaphore, #tpu.memory_space<semaphore_mem>>) src(%dma_wait3A_74 : memref<128xi32, #tpu.memory_space<hbm>>) dst(%arg7 : memref<128xi32, #tpu.memory_space<vmem>>)
        tpu.yield
      }) : () -> ()
      "tpu.region"() ({
        %run_scoped3A = tpu.sem_alloc : memref<!tpu.dma_semaphore, #tpu.memory_space<semaphore_mem>>
        %dma_start3A_71 = tpu.memref_slice %arg4[%add3A_56] : memref<323584xi32, #tpu.memory_space<hbm>> -> memref<128xi32, #tpu.memory_space<hbm>>
        %dma_start3A_72 = tpu.memref_slice %arg4[%add3A_56] : memref<323584xi32, #tpu.memory_space<hbm>> -> memref<128xi32, #tpu.memory_space<hbm>>
        tpu.enqueue_dma source(%dma_start3A_72 : memref<128xi32, #tpu.memory_space<hbm>>) target(%arg8 : memref<128xi32, #tpu.memory_space<vmem>>) target_semaphore(%run_scoped3A : memref<!tpu.dma_semaphore, #tpu.memory_space<semaphore_mem>>)
        %dma_wait3A_73 = tpu.memref_slice %arg4[%add3A_56] : memref<323584xi32, #tpu.memory_space<hbm>> -> memref<128xi32, #tpu.memory_space<hbm>>
        %dma_wait3A_74 = tpu.memref_slice %arg4[%add3A_56] : memref<323584xi32, #tpu.memory_space<hbm>> -> memref<128xi32, #tpu.memory_space<hbm>>
        tpu.wait_dma2 semaphore(%run_scoped3A : memref<!tpu.dma_semaphore, #tpu.memory_space<semaphore_mem>>) src(%dma_wait3A_74 : memref<128xi32, #tpu.memory_space<hbm>>) dst(%arg8 : memref<128xi32, #tpu.memory_space<vmem>>)
        tpu.yield
      }) : () -> ()
      %dma_start3A_57 = arith.constant 0 : i32
      %dma_start3A_58 = arith.constant 0 : i32
      %dma_start3A_59 = tpu.memref_slice %arg2[%dma_start3A_57, %dma_start3A_58] : memref<10240x128xf32, #tpu.memory_space<hbm>> -> memref<10240x128xf32, #tpu.memory_space<hbm>>
      tpu.enqueue_indirect_dma source(%dma_start3A_59 : memref<10240x128xf32, #tpu.memory_space<hbm>>) target(%arg11 : memref<128x128xf32, #tpu.memory_space<vmem>>) offsets(%arg7 : memref<128xi32, #tpu.memory_space<vmem>>) semaphore(%arg14 : memref<!tpu.dma_semaphore, #tpu.memory_space<semaphore_mem>>)
      %dma_wait3A_60 = arith.constant 0 : i32
      %dma_wait3A_61 = arith.constant 0 : i32
      %dma_wait3A_62 = tpu.memref_slice %arg2[%dma_wait3A_60, %dma_wait3A_61] : memref<10240x128xf32, #tpu.memory_space<hbm>> -> memref<10240x128xf32, #tpu.memory_space<hbm>>
      tpu.wait_indirect_dma semaphore(%arg15 : memref<!tpu.dma_semaphore, #tpu.memory_space<semaphore_mem>>) src(%dma_wait3A_62 : memref<10240x128xf32, #tpu.memory_space<hbm>>) dst(%arg12 : memref<128x128xf32, #tpu.memory_space<vmem>>)
      "tpu.region"() ({
        %run_scoped3A = tpu.sem_alloc : memref<!tpu.dma_semaphore, #tpu.memory_space<semaphore_mem>>
        %dma_start3A_71 = arith.constant 0 : i32
        %dma_start3A_72 = arith.constant 0 : i32
        %dma_start3A_73 = tpu.memref_slice %arg13[%dma_start3A_71, %dma_start3A_72] : memref<10240x128xf32, #tpu.memory_space<vmem_shared>> -> memref<10240x128xf32, #tpu.memory_space<vmem_shared>>
        tpu.enqueue_indirect_dma source(%arg12 : memref<128x128xf32, #tpu.memory_space<vmem>>) target(%dma_start3A_73 : memref<10240x128xf32, #tpu.memory_space<vmem_shared>>) offsets(%arg10 : memref<128xi32, #tpu.memory_space<vmem>>) semaphore(%run_scoped3A : memref<!tpu.dma_semaphore, #tpu.memory_space<semaphore_mem>>) {add = true}
        %dma_wait3A_74 = arith.constant 0 : i32
        %dma_wait3A_75 = arith.constant 0 : i32
        %dma_wait3A_76 = tpu.memref_slice %arg13[%dma_wait3A_74, %dma_wait3A_75] : memref<10240x128xf32, #tpu.memory_space<vmem_shared>> -> memref<10240x128xf32, #tpu.memory_space<vmem_shared>>
        tpu.wait_indirect_dma semaphore(%run_scoped3A : memref<!tpu.dma_semaphore, #tpu.memory_space<semaphore_mem>>) src(%arg12 : memref<128x128xf32, #tpu.memory_space<vmem>>) dst(%dma_wait3A_76 : memref<10240x128xf32, #tpu.memory_space<vmem_shared>>)
        tpu.yield
      }) : () -> ()
      %add3A_63 = arith.constant 3 : i32
      %add3A_64 = arith.addi %mul3A_48, %add3A_63 : i32
      %mul3A_65 = arith.constant 128 : i32
      %mul3A_66 = arith.muli %add3A_64, %mul3A_65 : i32
      %add3A_67 = arith.addi %mul3A_2, %mul3A_66 : i32
      "tpu.region"() ({
        %run_scoped3A = tpu.sem_alloc : memref<!tpu.dma_semaphore, #tpu.memory_space<semaphore_mem>>
        %dma_start3A_71 = tpu.memref_slice %arg3[%add3A_67] : memref<323584xi32, #tpu.memory_space<hbm>> -> memref<128xi32, #tpu.memory_space<hbm>>
        %dma_start3A_72 = tpu.memref_slice %arg3[%add3A_67] : memref<323584xi32, #tpu.memory_space<hbm>> -> memref<128xi32, #tpu.memory_space<hbm>>
        tpu.enqueue_dma source(%dma_start3A_72 : memref<128xi32, #tpu.memory_space<hbm>>) target(%arg9 : memref<128xi32, #tpu.memory_space<vmem>>) target_semaphore(%run_scoped3A : memref<!tpu.dma_semaphore, #tpu.memory_space<semaphore_mem>>)
        %dma_wait3A_73 = tpu.memref_slice %arg3[%add3A_67] : memref<323584xi32, #tpu.memory_space<hbm>> -> memref<128xi32, #tpu.memory_space<hbm>>
        %dma_wait3A_74 = tpu.memref_slice %arg3[%add3A_67] : memref<323584xi32, #tpu.memory_space<hbm>> -> memref<128xi32, #tpu.memory_space<hbm>>
        tpu.wait_dma2 semaphore(%run_scoped3A : memref<!tpu.dma_semaphore, #tpu.memory_space<semaphore_mem>>) src(%dma_wait3A_74 : memref<128xi32, #tpu.memory_space<hbm>>) dst(%arg9 : memref<128xi32, #tpu.memory_space<vmem>>)
        tpu.yield
      }) : () -> ()
      "tpu.region"() ({
        %run_scoped3A = tpu.sem_alloc : memref<!tpu.dma_semaphore, #tpu.memory_space<semaphore_mem>>
        %dma_start3A_71 = tpu.memref_slice %arg4[%add3A_67] : memref<323584xi32, #tpu.memory_space<hbm>> -> memref<128xi32, #tpu.memory_space<hbm>>
        %dma_start3A_72 = tpu.memref_slice %arg4[%add3A_67] : memref<323584xi32, #tpu.memory_space<hbm>> -> memref<128xi32, #tpu.memory_space<hbm>>
        tpu.enqueue_dma source(%dma_start3A_72 : memref<128xi32, #tpu.memory_space<hbm>>) target(%arg10 : memref<128xi32, #tpu.memory_space<vmem>>) target_semaphore(%run_scoped3A : memref<!tpu.dma_semaphore, #tpu.memory_space<semaphore_mem>>)
        %dma_wait3A_73 = tpu.memref_slice %arg4[%add3A_67] : memref<323584xi32, #tpu.memory_space<hbm>> -> memref<128xi32, #tpu.memory_space<hbm>>
        %dma_wait3A_74 = tpu.memref_slice %arg4[%add3A_67] : memref<323584xi32, #tpu.memory_space<hbm>> -> memref<128xi32, #tpu.memory_space<hbm>>
        tpu.wait_dma2 semaphore(%run_scoped3A : memref<!tpu.dma_semaphore, #tpu.memory_space<semaphore_mem>>) src(%dma_wait3A_74 : memref<128xi32, #tpu.memory_space<hbm>>) dst(%arg10 : memref<128xi32, #tpu.memory_space<vmem>>)
        tpu.yield
      }) : () -> ()
      %dma_start3A_68 = arith.constant 0 : i32
      %dma_start3A_69 = arith.constant 0 : i32
      %dma_start3A_70 = tpu.memref_slice %arg2[%dma_start3A_68, %dma_start3A_69] : memref<10240x128xf32, #tpu.memory_space<hbm>> -> memref<10240x128xf32, #tpu.memory_space<hbm>>
      tpu.enqueue_indirect_dma source(%dma_start3A_70 : memref<10240x128xf32, #tpu.memory_space<hbm>>) target(%arg12 : memref<128x128xf32, #tpu.memory_space<vmem>>) offsets(%arg9 : memref<128xi32, #tpu.memory_space<vmem>>) semaphore(%arg15 : memref<!tpu.dma_semaphore, #tpu.memory_space<semaphore_mem>>)
    }
    %scan3A_19 = arith.constant 38 : i32
    %dma_wait3A = arith.constant 0 : i32
    %dma_wait3A_20 = arith.constant 0 : i32
    %dma_wait3A_21 = tpu.memref_slice %arg2[%dma_wait3A, %dma_wait3A_20] : memref<10240x128xf32, #tpu.memory_space<hbm>> -> memref<10240x128xf32, #tpu.memory_space<hbm>>
    tpu.wait_indirect_dma semaphore(%arg14 : memref<!tpu.dma_semaphore, #tpu.memory_space<semaphore_mem>>) src(%dma_wait3A_21 : memref<10240x128xf32, #tpu.memory_space<hbm>>) dst(%arg11 : memref<128x128xf32, #tpu.memory_space<vmem>>)
    "tpu.region"() ({
      %run_scoped3A = tpu.sem_alloc : memref<!tpu.dma_semaphore, #tpu.memory_space<semaphore_mem>>
      %dma_start3A_42 = arith.constant 0 : i32
      %dma_start3A_43 = arith.constant 0 : i32
      %dma_start3A_44 = tpu.memref_slice %arg13[%dma_start3A_42, %dma_start3A_43] : memref<10240x128xf32, #tpu.memory_space<vmem_shared>> -> memref<10240x128xf32, #tpu.memory_space<vmem_shared>>
      tpu.enqueue_indirect_dma source(%arg11 : memref<128x128xf32, #tpu.memory_space<vmem>>) target(%dma_start3A_44 : memref<10240x128xf32, #tpu.memory_space<vmem_shared>>) offsets(%arg8 : memref<128xi32, #tpu.memory_space<vmem>>) semaphore(%run_scoped3A : memref<!tpu.dma_semaphore, #tpu.memory_space<semaphore_mem>>) {add = true}
      %dma_wait3A_45 = arith.constant 0 : i32
      %dma_wait3A_46 = arith.constant 0 : i32
      %dma_wait3A_47 = tpu.memref_slice %arg13[%dma_wait3A_45, %dma_wait3A_46] : memref<10240x128xf32, #tpu.memory_space<vmem_shared>> -> memref<10240x128xf32, #tpu.memory_space<vmem_shared>>
      tpu.wait_indirect_dma semaphore(%run_scoped3A : memref<!tpu.dma_semaphore, #tpu.memory_space<semaphore_mem>>) src(%arg11 : memref<128x128xf32, #tpu.memory_space<vmem>>) dst(%dma_wait3A_47 : memref<10240x128xf32, #tpu.memory_space<vmem_shared>>)
      tpu.yield
    }) : () -> ()
    %add3A_22 = arith.constant 9984 : i32
    %add3A_23 = arith.addi %mul3A_2, %add3A_22 : i32
    "tpu.region"() ({
      %run_scoped3A = tpu.sem_alloc : memref<!tpu.dma_semaphore, #tpu.memory_space<semaphore_mem>>
      %dma_start3A_42 = tpu.memref_slice %arg3[%add3A_23] : memref<323584xi32, #tpu.memory_space<hbm>> -> memref<128xi32, #tpu.memory_space<hbm>>
      %dma_start3A_43 = tpu.memref_slice %arg3[%add3A_23] : memref<323584xi32, #tpu.memory_space<hbm>> -> memref<128xi32, #tpu.memory_space<hbm>>
      tpu.enqueue_dma source(%dma_start3A_43 : memref<128xi32, #tpu.memory_space<hbm>>) target(%arg7 : memref<128xi32, #tpu.memory_space<vmem>>) target_semaphore(%run_scoped3A : memref<!tpu.dma_semaphore, #tpu.memory_space<semaphore_mem>>)
      %dma_wait3A_44 = tpu.memref_slice %arg3[%add3A_23] : memref<323584xi32, #tpu.memory_space<hbm>> -> memref<128xi32, #tpu.memory_space<hbm>>
      %dma_wait3A_45 = tpu.memref_slice %arg3[%add3A_23] : memref<323584xi32, #tpu.memory_space<hbm>> -> memref<128xi32, #tpu.memory_space<hbm>>
      tpu.wait_dma2 semaphore(%run_scoped3A : memref<!tpu.dma_semaphore, #tpu.memory_space<semaphore_mem>>) src(%dma_wait3A_45 : memref<128xi32, #tpu.memory_space<hbm>>) dst(%arg7 : memref<128xi32, #tpu.memory_space<vmem>>)
      tpu.yield
    }) : () -> ()
    "tpu.region"() ({
      %run_scoped3A = tpu.sem_alloc : memref<!tpu.dma_semaphore, #tpu.memory_space<semaphore_mem>>
      %dma_start3A_42 = tpu.memref_slice %arg4[%add3A_23] : memref<323584xi32, #tpu.memory_space<hbm>> -> memref<128xi32, #tpu.memory_space<hbm>>
      %dma_start3A_43 = tpu.memref_slice %arg4[%add3A_23] : memref<323584xi32, #tpu.memory_space<hbm>> -> memref<128xi32, #tpu.memory_space<hbm>>
      tpu.enqueue_dma source(%dma_start3A_43 : memref<128xi32, #tpu.memory_space<hbm>>) target(%arg8 : memref<128xi32, #tpu.memory_space<vmem>>) target_semaphore(%run_scoped3A : memref<!tpu.dma_semaphore, #tpu.memory_space<semaphore_mem>>)
      %dma_wait3A_44 = tpu.memref_slice %arg4[%add3A_23] : memref<323584xi32, #tpu.memory_space<hbm>> -> memref<128xi32, #tpu.memory_space<hbm>>
      %dma_wait3A_45 = tpu.memref_slice %arg4[%add3A_23] : memref<323584xi32, #tpu.memory_space<hbm>> -> memref<128xi32, #tpu.memory_space<hbm>>
      tpu.wait_dma2 semaphore(%run_scoped3A : memref<!tpu.dma_semaphore, #tpu.memory_space<semaphore_mem>>) src(%dma_wait3A_45 : memref<128xi32, #tpu.memory_space<hbm>>) dst(%arg8 : memref<128xi32, #tpu.memory_space<vmem>>)
      tpu.yield
    }) : () -> ()
    %dma_start3A_24 = arith.constant 0 : i32
    %dma_start3A_25 = arith.constant 0 : i32
    %dma_start3A_26 = tpu.memref_slice %arg2[%dma_start3A_24, %dma_start3A_25] : memref<10240x128xf32, #tpu.memory_space<hbm>> -> memref<10240x128xf32, #tpu.memory_space<hbm>>
    tpu.enqueue_indirect_dma source(%dma_start3A_26 : memref<10240x128xf32, #tpu.memory_space<hbm>>) target(%arg11 : memref<128x128xf32, #tpu.memory_space<vmem>>) offsets(%arg7 : memref<128xi32, #tpu.memory_space<vmem>>) semaphore(%arg14 : memref<!tpu.dma_semaphore, #tpu.memory_space<semaphore_mem>>)
    %dma_wait3A_27 = arith.constant 0 : i32
    %dma_wait3A_28 = arith.constant 0 : i32
    %dma_wait3A_29 = tpu.memref_slice %arg2[%dma_wait3A_27, %dma_wait3A_28] : memref<10240x128xf32, #tpu.memory_space<hbm>> -> memref<10240x128xf32, #tpu.memory_space<hbm>>
    tpu.wait_indirect_dma semaphore(%arg15 : memref<!tpu.dma_semaphore, #tpu.memory_space<semaphore_mem>>) src(%dma_wait3A_29 : memref<10240x128xf32, #tpu.memory_space<hbm>>) dst(%arg12 : memref<128x128xf32, #tpu.memory_space<vmem>>)
    "tpu.region"() ({
      %run_scoped3A = tpu.sem_alloc : memref<!tpu.dma_semaphore, #tpu.memory_space<semaphore_mem>>
      %dma_start3A_42 = arith.constant 0 : i32
      %dma_start3A_43 = arith.constant 0 : i32
      %dma_start3A_44 = tpu.memref_slice %arg13[%dma_start3A_42, %dma_start3A_43] : memref<10240x128xf32, #tpu.memory_space<vmem_shared>> -> memref<10240x128xf32, #tpu.memory_space<vmem_shared>>
      tpu.enqueue_indirect_dma source(%arg12 : memref<128x128xf32, #tpu.memory_space<vmem>>) target(%dma_start3A_44 : memref<10240x128xf32, #tpu.memory_space<vmem_shared>>) offsets(%arg10 : memref<128xi32, #tpu.memory_space<vmem>>) semaphore(%run_scoped3A : memref<!tpu.dma_semaphore, #tpu.memory_space<semaphore_mem>>) {add = true}
      %dma_wait3A_45 = arith.constant 0 : i32
      %dma_wait3A_46 = arith.constant 0 : i32
      %dma_wait3A_47 = tpu.memref_slice %arg13[%dma_wait3A_45, %dma_wait3A_46] : memref<10240x128xf32, #tpu.memory_space<vmem_shared>> -> memref<10240x128xf32, #tpu.memory_space<vmem_shared>>
      tpu.wait_indirect_dma semaphore(%run_scoped3A : memref<!tpu.dma_semaphore, #tpu.memory_space<semaphore_mem>>) src(%arg12 : memref<128x128xf32, #tpu.memory_space<vmem>>) dst(%dma_wait3A_47 : memref<10240x128xf32, #tpu.memory_space<vmem_shared>>)
      tpu.yield
    }) : () -> ()
    %dma_wait3A_30 = arith.constant 0 : i32
    %dma_wait3A_31 = arith.constant 0 : i32
    %dma_wait3A_32 = tpu.memref_slice %arg2[%dma_wait3A_30, %dma_wait3A_31] : memref<10240x128xf32, #tpu.memory_space<hbm>> -> memref<10240x128xf32, #tpu.memory_space<hbm>>
    tpu.wait_indirect_dma semaphore(%arg14 : memref<!tpu.dma_semaphore, #tpu.memory_space<semaphore_mem>>) src(%dma_wait3A_32 : memref<10240x128xf32, #tpu.memory_space<hbm>>) dst(%arg11 : memref<128x128xf32, #tpu.memory_space<vmem>>)
    "tpu.region"() ({
      %run_scoped3A = tpu.sem_alloc : memref<!tpu.dma_semaphore, #tpu.memory_space<semaphore_mem>>
      %dma_start3A_42 = arith.constant 0 : i32
      %dma_start3A_43 = arith.constant 0 : i32
      %dma_start3A_44 = tpu.memref_slice %arg13[%dma_start3A_42, %dma_start3A_43] : memref<10240x128xf32, #tpu.memory_space<vmem_shared>> -> memref<10240x128xf32, #tpu.memory_space<vmem_shared>>
      tpu.enqueue_indirect_dma source(%arg11 : memref<128x128xf32, #tpu.memory_space<vmem>>) target(%dma_start3A_44 : memref<10240x128xf32, #tpu.memory_space<vmem_shared>>) offsets(%arg8 : memref<128xi32, #tpu.memory_space<vmem>>) semaphore(%run_scoped3A : memref<!tpu.dma_semaphore, #tpu.memory_space<semaphore_mem>>) {add = true}
      %dma_wait3A_45 = arith.constant 0 : i32
      %dma_wait3A_46 = arith.constant 0 : i32
      %dma_wait3A_47 = tpu.memref_slice %arg13[%dma_wait3A_45, %dma_wait3A_46] : memref<10240x128xf32, #tpu.memory_space<vmem_shared>> -> memref<10240x128xf32, #tpu.memory_space<vmem_shared>>
      tpu.wait_indirect_dma semaphore(%run_scoped3A : memref<!tpu.dma_semaphore, #tpu.memory_space<semaphore_mem>>) src(%arg11 : memref<128x128xf32, #tpu.memory_space<vmem>>) dst(%dma_wait3A_47 : memref<10240x128xf32, #tpu.memory_space<vmem_shared>>)
      tpu.yield
    }) : () -> ()
    %barrier3A_33 = arith.constant 0 : index
    tpu.barrier barrier_id(%barrier3A_33)
    %mul3A_34 = arith.constant 640 : i32
    %mul3A_35 = arith.muli %arg1, %mul3A_34 : i32
    %mul3A_36 = arith.constant 640 : i32
    %mul3A_37 = arith.muli %arg1, %mul3A_36 : i32
    "tpu.region"() ({
      %run_scoped3A = tpu.sem_alloc : memref<!tpu.dma_semaphore, #tpu.memory_space<semaphore_mem>>
      %dma_start3A_42 = arith.constant 0 : i32
      %dma_start3A_43 = tpu.memref_slice %arg6[%arg0, %mul3A_37, %dma_start3A_42] : memref<2x10240x128xf32, #tpu.memory_space<hbm>> -> memref<1x640x128xf32, #tpu.memory_space<hbm>>
      %dma_start3A_44 = tpu.memref_squeeze %dma_start3A_43 : memref<1x640x128xf32, #tpu.memory_space<hbm>> -> memref<640x128xf32, #tpu.memory_space<hbm>>
      %dma_start3A_45 = arith.constant 0 : i32
      %dma_start3A_46 = tpu.memref_slice %arg13[%mul3A_35, %dma_start3A_45] : memref<10240x128xf32, #tpu.memory_space<vmem_shared>> -> memref<640x128xf32, #tpu.memory_space<vmem_shared>>
      tpu.enqueue_dma source(%dma_start3A_46 : memref<640x128xf32, #tpu.memory_space<vmem_shared>>) target(%dma_start3A_44 : memref<640x128xf32, #tpu.memory_space<hbm>>) target_semaphore(%run_scoped3A : memref<!tpu.dma_semaphore, #tpu.memory_space<semaphore_mem>>)
      %dma_wait3A_47 = arith.constant 0 : i32
      %dma_wait3A_48 = tpu.memref_slice %arg6[%arg0, %mul3A_37, %dma_wait3A_47] : memref<2x10240x128xf32, #tpu.memory_space<hbm>> -> memref<1x640x128xf32, #tpu.memory_space<hbm>>
      %dma_wait3A_49 = tpu.memref_squeeze %dma_wait3A_48 : memref<1x640x128xf32, #tpu.memory_space<hbm>> -> memref<640x128xf32, #tpu.memory_space<hbm>>
      %dma_wait3A_50 = arith.constant 0 : i32
      %dma_wait3A_51 = tpu.memref_slice %arg13[%mul3A_35, %dma_wait3A_50] : memref<10240x128xf32, #tpu.memory_space<vmem_shared>> -> memref<640x128xf32, #tpu.memory_space<vmem_shared>>
      tpu.wait_dma2 semaphore(%run_scoped3A : memref<!tpu.dma_semaphore, #tpu.memory_space<semaphore_mem>>) src(%dma_wait3A_51 : memref<640x128xf32, #tpu.memory_space<vmem_shared>>) dst(%dma_wait3A_49 : memref<640x128xf32, #tpu.memory_space<hbm>>)
      tpu.yield
    }) : () -> ()
    %mul3A_38 = arith.constant 640 : i32
    %mul3A_39 = arith.muli %arg1, %mul3A_38 : i32
    %mul3A_40 = arith.constant 640 : i32
    %mul3A_41 = arith.muli %arg1, %mul3A_40 : i32
    "tpu.region"() ({
      %run_scoped3A = tpu.sem_alloc : memref<!tpu.dma_semaphore, #tpu.memory_space<semaphore_mem>>
      %dma_start3A_42 = arith.constant 0 : i32
      %dma_start3A_43 = tpu.memref_slice %arg6[%arg0, %mul3A_41, %dma_start3A_42] : memref<2x10240x128xf32, #tpu.memory_space<hbm>> -> memref<1x640x128xf32, #tpu.memory_space<hbm>>
      %dma_start3A_44 = tpu.memref_squeeze %dma_start3A_43 : memref<1x640x128xf32, #tpu.memory_space<hbm>> -> memref<640x128xf32, #tpu.memory_space<hbm>>
      %dma_start3A_45 = arith.constant 0 : i32
      %dma_start3A_46 = tpu.memref_slice %arg13[%mul3A_39, %dma_start3A_45] : memref<10240x128xf32, #tpu.memory_space<vmem_shared>> -> memref<640x128xf32, #tpu.memory_space<vmem_shared>>
      tpu.enqueue_dma source(%dma_start3A_46 : memref<640x128xf32, #tpu.memory_space<vmem_shared>>) target(%dma_start3A_44 : memref<640x128xf32, #tpu.memory_space<hbm>>) target_semaphore(%run_scoped3A : memref<!tpu.dma_semaphore, #tpu.memory_space<semaphore_mem>>)
      %dma_wait3A_47 = arith.constant 0 : i32
      %dma_wait3A_48 = tpu.memref_slice %arg6[%arg0, %mul3A_41, %dma_wait3A_47] : memref<2x10240x128xf32, #tpu.memory_space<hbm>> -> memref<1x640x128xf32, #tpu.memory_space<hbm>>
      %dma_wait3A_49 = tpu.memref_squeeze %dma_wait3A_48 : memref<1x640x128xf32, #tpu.memory_space<hbm>> -> memref<640x128xf32, #tpu.memory_space<hbm>>
      %dma_wait3A_50 = arith.constant 0 : i32
      %dma_wait3A_51 = tpu.memref_slice %arg13[%mul3A_39, %dma_wait3A_50] : memref<10240x128xf32, #tpu.memory_space<vmem_shared>> -> memref<640x128xf32, #tpu.memory_space<vmem_shared>>
      tpu.wait_dma2 semaphore(%run_scoped3A : memref<!tpu.dma_semaphore, #tpu.memory_space<semaphore_mem>>) src(%dma_wait3A_51 : memref<640x128xf32, #tpu.memory_space<vmem_shared>>) dst(%dma_wait3A_49 : memref<640x128xf32, #tpu.memory_space<hbm>>)
      tpu.yield
    }) : () -> ()
    return
  }
}

module attributes {stable_mosaic.version = 14 : i64} {
  func.func @body(%arg0: i32, %arg1: memref<1024x128xf32, #tpu.memory_space<vmem>>, %arg2: memref<128x128xf32, #tpu.memory_space<vmem>>, %arg3: memref<1024x128xf32, #tpu.memory_space<vmem>>) attributes {dimension_semantics = [#tpu.dimension_semantics<arbitrary>], iteration_bounds = array<i64: 10>, scalar_prefetch = 0 : i64, scratch_operands = 0 : i64, tpu.core_type = #tpu.core_type<tc>, window_params = [{transform_indices = @transform_0, window_bounds = array<i64: 1024, 128>}, {pipeline_mode = #tpu.pipeline_mode<synchronous>, transform_indices = @transform_1, window_bounds = array<i64: 128, 128>}, {transform_indices = @transform_2, window_bounds = array<i64: 1024, 128>}]} {
    %get3A = arith.constant 0 : index
    %get3A_0 = arith.constant 0 : index
    %get3A_1 = vector.load %arg1[%get3A, %get3A_0] : memref<1024x128xf32, #tpu.memory_space<vmem>>, vector<1024x128xf32>
    %get3A_2 = arith.constant 0 : index
    %get3A_3 = arith.constant 0 : index
    %get3A_4 = vector.load %arg2[%get3A_2, %get3A_3] : memref<128x128xf32, #tpu.memory_space<vmem>>, vector<128x128xf32>
    %dot_general3A = arith.constant dense<0.000000e+00> : vector<1024x128xf32>
    %dot_general3A_5 = tpu.matmul %get3A_1, %get3A_4, %dot_general3A {dimension_numbers = #tpu.dot_dimension_numbers<[1], [0], [0], [1], [0, 0, 1, 1], [], []>, transpose_lhs_hint = false} : vector<1024x128xf32>, vector<128x128xf32>, vector<1024x128xf32> -> vector<1024x128xf32>
    %swap3A = arith.constant 0 : index
    %swap3A_6 = arith.constant 0 : index
    %swap3A_7 = vector.load %arg3[%swap3A, %swap3A_6] : memref<1024x128xf32, #tpu.memory_space<vmem>>, vector<1024x128xf32>
    tpu.vector_store %arg3[%swap3A, %swap3A_6], %dot_general3A_5 {strides = array<i32>} : memref<1024x128xf32, #tpu.memory_space<vmem>>, vector<1024x128xf32>,
    return
  }
  func.func @transform_0(%arg0: i32) -> (i32, i32) {
    %c0_i32 = arith.constant 0 : i32
    %c0_i32_0 = arith.constant 0 : i32
    return %arg0, %c0_i32 : i32, i32
  }
  func.func @transform_1(%arg0: i32) -> (i32, i32) {
    %c0_i32 = arith.constant 0 : i32
    %c0_i32_0 = arith.constant 0 : i32
    %c0_i32_1 = arith.constant 0 : i32
    return %c0_i32, %c0_i32_0 : i32, i32
  }
  func.func @transform_2(%arg0: i32) -> (i32, i32) {
    %c0_i32 = arith.constant 0 : i32
    %c0_i32_0 = arith.constant 0 : i32
    return %arg0, %c0_i32 : i32, i32
  }
}

module attributes {stable_mosaic.version = 14 : i64} {
  func.func @body(%arg0: i32, %arg1: memref<32x1024xf32, #tpu.memory_space<vmem>>, %arg2: memref<1024x128xf32, #tpu.memory_space<vmem>>, %arg3: memref<1024x128xf32, #tpu.memory_space<vmem>>, %arg4: memref<1024x128xf32, #tpu.memory_space<vmem>>) attributes {dimension_semantics = [#tpu.dimension_semantics<arbitrary>], iteration_bounds = array<i64: 10>, scalar_prefetch = 0 : i64, scratch_operands = 0 : i64, tpu.core_type = #tpu.core_type<tc>, window_params = [{transform_indices = @transform_0, window_bounds = array<i64: 32, 1024>}, {transform_indices = @transform_1, window_bounds = array<i64: 1024, 128>}, {transform_indices = @transform_2, window_bounds = array<i64: 1024, 128>}, {transform_indices = @transform_3, window_bounds = array<i64: 1024, 128>}]} {
    %get3A = arith.constant 0 : index
    %get3A_0 = arith.constant 0 : index
    %get3A_1 = vector.load %arg1[%get3A, %get3A_0] : memref<32x1024xf32, #tpu.memory_space<vmem>>, vector<32x1024xf32>
    %broadcast_in_dim3A = arith.constant 1.000000e+00 : f32
    %broadcast_in_dim3A_2 = vector.broadcast %broadcast_in_dim3A : f32 to vector<32x128xf32>
    %dot_general3A = arith.constant dense<0.000000e+00> : vector<1024x128xf32>
    %dot_general3A_3 = tpu.matmul %get3A_1, %broadcast_in_dim3A_2, %dot_general3A {dimension_numbers = #tpu.dot_dimension_numbers<[0], [0], [1], [1], [0, 1, 1, 1], [], []>, transpose_lhs_hint = false} : vector<32x1024xf32>, vector<32x128xf32>, vector<1024x128xf32> -> vector<1024x128xf32>
    %add3A = arith.constant 1.000000e+00 : f32
    %add3A_4 = vector.broadcast %add3A : f32 to vector<1024x128xf32>
    %add3A_5 = arith.addf %add3A_4, %dot_general3A_3 : vector<1024x128xf32>
    %rsqrt3A = math.rsqrt %add3A_5 : vector<1024x128xf32>
    %swap3A = arith.constant 0 : index
    %swap3A_6 = arith.constant 0 : index
    %swap3A_7 = vector.load %arg3[%swap3A, %swap3A_6] : memref<1024x128xf32, #tpu.memory_space<vmem>>, vector<1024x128xf32>
    tpu.vector_store %arg3[%swap3A, %swap3A_6], %rsqrt3A {strides = array<i32>} : memref<1024x128xf32, #tpu.memory_space<vmem>>, vector<1024x128xf32>,
    %get3A_8 = arith.constant 0 : index
    %get3A_9 = arith.constant 0 : index
    %get3A_10 = vector.load %arg2[%get3A_8, %get3A_9] : memref<1024x128xf32, #tpu.memory_space<vmem>>, vector<1024x128xf32>
    %mul3A = arith.mulf %rsqrt3A, %get3A_10 : vector<1024x128xf32>
    %swap3A_11 = arith.constant 0 : index
    %swap3A_12 = arith.constant 0 : index
    %swap3A_13 = vector.load %arg4[%swap3A_11, %swap3A_12] : memref<1024x128xf32, #tpu.memory_space<vmem>>, vector<1024x128xf32>
    tpu.vector_store %arg4[%swap3A_11, %swap3A_12], %mul3A {strides = array<i32>} : memref<1024x128xf32, #tpu.memory_space<vmem>>, vector<1024x128xf32>,
    return
  }
  func.func @transform_0(%arg0: i32) -> (i32, i32) {
    %c0_i32 = arith.constant 0 : i32
    %c0_i32_0 = arith.constant 0 : i32
    return %c0_i32, %arg0 : i32, i32
  }
  func.func @transform_1(%arg0: i32) -> (i32, i32) {
    %c0_i32 = arith.constant 0 : i32
    %c0_i32_0 = arith.constant 0 : i32
    return %arg0, %c0_i32 : i32, i32
  }
  func.func @transform_2(%arg0: i32) -> (i32, i32) {
    %c0_i32 = arith.constant 0 : i32
    %c0_i32_0 = arith.constant 0 : i32
    return %arg0, %c0_i32 : i32, i32
  }
  func.func @transform_3(%arg0: i32) -> (i32, i32) {
    %c0_i32 = arith.constant 0 : i32
    %c0_i32_0 = arith.constant 0 : i32
    return %arg0, %c0_i32 : i32, i32
  }
}

module attributes {stable_mosaic.version = 14 : i64} {
  func.func @body(%arg0: i32, %arg1: memref<2x1024x128xf32, #tpu.memory_space<vmem>>, %arg2: memref<1024x128xf32, #tpu.memory_space<vmem>>, %arg3: memref<1024x128xf32, #tpu.memory_space<vmem>>, %arg4: memref<1x128xf32, #tpu.memory_space<vmem>>, %arg5: memref<128x128xf32, #tpu.memory_space<vmem>>, %arg6: memref<1024x128xf32, #tpu.memory_space<vmem>>, %arg7: memref<1024x128xf32, #tpu.memory_space<vmem>>) attributes {dimension_semantics = [#tpu.dimension_semantics<arbitrary>], iteration_bounds = array<i64: 10>, scalar_prefetch = 0 : i64, scratch_operands = 0 : i64, tpu.core_type = #tpu.core_type<tc>, window_params = [{transform_indices = @transform_0, window_bounds = array<i64: 2, 1024, 128>}, {transform_indices = @transform_1, window_bounds = array<i64: 1024, 128>}, {transform_indices = @transform_2, window_bounds = array<i64: 1024, 128>}, {pipeline_mode = #tpu.pipeline_mode<synchronous>, transform_indices = @transform_3, window_bounds = array<i64: 1, 128>}, {pipeline_mode = #tpu.pipeline_mode<synchronous>, transform_indices = @transform_4, window_bounds = array<i64: 128, 128>}, {transform_indices = @transform_5, window_bounds = array<i64: 1024, 128>}, {transform_indices = @transform_6, window_bounds = array<i64: 1024, 128>}]} {
    %get3A = arith.constant 0 : index
    %get3A_0 = arith.constant 0 : index
    %get3A_1 = vector.load %arg3[%get3A, %get3A_0] : memref<1024x128xf32, #tpu.memory_space<vmem>>, vector<1024x128xf32>
    %get3A_2 = arith.constant 0 : index
    %get3A_3 = arith.constant 0 : index
    %get3A_4 = arith.constant 0 : index
    %get3A_5 = vector.load %arg1[%get3A_2, %get3A_3, %get3A_4] : memref<2x1024x128xf32, #tpu.memory_space<vmem>>, vector<1x1024x128xf32>
    %get3A_6 = vector.shape_cast %get3A_5 : vector<1x1024x128xf32> to vector<1024x128xf32>
    %get3A_7 = arith.constant 1 : index
    %get3A_8 = arith.constant 0 : index
    %get3A_9 = arith.constant 0 : index
    %get3A_10 = vector.load %arg1[%get3A_7, %get3A_8, %get3A_9] : memref<2x1024x128xf32, #tpu.memory_space<vmem>>, vector<1x1024x128xf32>
    %get3A_11 = vector.shape_cast %get3A_10 : vector<1x1024x128xf32> to vector<1024x128xf32>
    %add3A = arith.addf %get3A_6, %get3A_11 : vector<1024x128xf32>
    %get3A_12 = arith.constant 0 : index
    %get3A_13 = arith.constant 0 : index
    %get3A_14 = vector.load %arg2[%get3A_12, %get3A_13] : memref<1024x128xf32, #tpu.memory_space<vmem>>, vector<1024x128xf32>
    %add3A_15 = arith.addf %add3A, %get3A_14 : vector<1024x128xf32>
    %mul3A = arith.mulf %get3A_1, %add3A_15 : vector<1024x128xf32>
    %get3A_16 = arith.constant 0 : index
    %get3A_17 = arith.constant 0 : index
    %get3A_18 = vector.load %arg4[%get3A_16, %get3A_17] : memref<1x128xf32, #tpu.memory_space<vmem>>, vector<1x128xf32>
    %add3A_19 = vector.broadcast %get3A_18 : vector<1x128xf32> to vector<1024x128xf32>
    %add3A_20 = arith.addf %mul3A, %add3A_19 : vector<1024x128xf32>
    %max3A = arith.constant 0.000000e+00 : f32
    %max3A_21 = vector.broadcast %max3A : f32 to vector<1024x128xf32>
    %max3A_22 = arith.maximumf %add3A_20, %max3A_21 : vector<1024x128xf32>
    %swap3A = arith.constant 0 : index
    %swap3A_23 = arith.constant 0 : index
    %swap3A_24 = vector.load %arg6[%swap3A, %swap3A_23] : memref<1024x128xf32, #tpu.memory_space<vmem>>, vector<1024x128xf32>
    tpu.vector_store %arg6[%swap3A, %swap3A_23], %max3A_22 {strides = array<i32>} : memref<1024x128xf32, #tpu.memory_space<vmem>>, vector<1024x128xf32>,
    %get3A_25 = arith.constant 0 : index
    %get3A_26 = arith.constant 0 : index
    %get3A_27 = vector.load %arg5[%get3A_25, %get3A_26] : memref<128x128xf32, #tpu.memory_space<vmem>>, vector<128x128xf32>
    %dot_general3A = arith.constant dense<0.000000e+00> : vector<1024x128xf32>
    %dot_general3A_28 = tpu.matmul %max3A_22, %get3A_27, %dot_general3A {dimension_numbers = #tpu.dot_dimension_numbers<[1], [0], [0], [1], [0, 0, 1, 1], [], []>, transpose_lhs_hint = false} : vector<1024x128xf32>, vector<128x128xf32>, vector<1024x128xf32> -> vector<1024x128xf32>
    %mul3A_29 = arith.mulf %get3A_1, %dot_general3A_28 : vector<1024x128xf32>
    %swap3A_30 = arith.constant 0 : index
    %swap3A_31 = arith.constant 0 : index
    %swap3A_32 = vector.load %arg7[%swap3A_30, %swap3A_31] : memref<1024x128xf32, #tpu.memory_space<vmem>>, vector<1024x128xf32>
    tpu.vector_store %arg7[%swap3A_30, %swap3A_31], %mul3A_29 {strides = array<i32>} : memref<1024x128xf32, #tpu.memory_space<vmem>>, vector<1024x128xf32>,
    return
  }
  func.func @transform_0(%arg0: i32) -> (i32, i32, i32) {
    %c0_i32 = arith.constant 0 : i32
    %c0_i32_0 = arith.constant 0 : i32
    %c0_i32_1 = arith.constant 0 : i32
    return %c0_i32, %arg0, %c0_i32_0 : i32, i32, i32
  }
  func.func @transform_1(%arg0: i32) -> (i32, i32) {
    %c0_i32 = arith.constant 0 : i32
    %c0_i32_0 = arith.constant 0 : i32
    return %arg0, %c0_i32 : i32, i32
  }
  func.func @transform_2(%arg0: i32) -> (i32, i32) {
    %c0_i32 = arith.constant 0 : i32
    %c0_i32_0 = arith.constant 0 : i32
    return %arg0, %c0_i32 : i32, i32
  }
  func.func @transform_3(%arg0: i32) -> (i32, i32) {
    %c0_i32 = arith.constant 0 : i32
    %c0_i32_0 = arith.constant 0 : i32
    %c0_i32_1 = arith.constant 0 : i32
    return %c0_i32, %c0_i32_0 : i32, i32
  }
  func.func @transform_4(%arg0: i32) -> (i32, i32) {
    %c0_i32 = arith.constant 0 : i32
    %c0_i32_0 = arith.constant 0 : i32
    %c0_i32_1 = arith.constant 0 : i32
    return %c0_i32, %c0_i32_0 : i32, i32
  }
  func.func @transform_5(%arg0: i32) -> (i32, i32) {
    %c0_i32 = arith.constant 0 : i32
    %c0_i32_0 = arith.constant 0 : i32
    return %arg0, %c0_i32 : i32, i32
  }
  func.func @transform_6(%arg0: i32) -> (i32, i32) {
    %c0_i32 = arith.constant 0 : i32
    %c0_i32_0 = arith.constant 0 : i32
    return %arg0, %c0_i32 : i32, i32
  }
}

module attributes {stable_mosaic.version = 14 : i64} {
  func.func @body(%arg0: i32, %arg1: memref<1024x128xf32, #tpu.memory_space<vmem>>, %arg2: memref<128x128xf32, #tpu.memory_space<vmem>>, %arg3: memref<1x128xf32, #tpu.memory_space<vmem>>, %arg4: memref<1024x128xf32, #tpu.memory_space<vmem>>) attributes {dimension_semantics = [#tpu.dimension_semantics<arbitrary>], iteration_bounds = array<i64: 10>, scalar_prefetch = 0 : i64, scratch_operands = 0 : i64, tpu.core_type = #tpu.core_type<tc>, window_params = [{transform_indices = @transform_0, window_bounds = array<i64: 1024, 128>}, {pipeline_mode = #tpu.pipeline_mode<synchronous>, transform_indices = @transform_1, window_bounds = array<i64: 128, 128>}, {pipeline_mode = #tpu.pipeline_mode<synchronous>, transform_indices = @transform_2, window_bounds = array<i64: 1, 128>}, {transform_indices = @transform_3, window_bounds = array<i64: 1024, 128>}]} {
    %get3A = arith.constant 0 : index
    %get3A_0 = arith.constant 0 : index
    %get3A_1 = vector.load %arg1[%get3A, %get3A_0] : memref<1024x128xf32, #tpu.memory_space<vmem>>, vector<1024x128xf32>
    %get3A_2 = arith.constant 0 : index
    %get3A_3 = arith.constant 0 : index
    %get3A_4 = vector.load %arg2[%get3A_2, %get3A_3] : memref<128x128xf32, #tpu.memory_space<vmem>>, vector<128x128xf32>
    %dot_general3A = arith.constant dense<0.000000e+00> : vector<1024x128xf32>
    %dot_general3A_5 = tpu.matmul %get3A_1, %get3A_4, %dot_general3A {dimension_numbers = #tpu.dot_dimension_numbers<[1], [0], [0], [1], [0, 0, 1, 1], [], []>, transpose_lhs_hint = false} : vector<1024x128xf32>, vector<128x128xf32>, vector<1024x128xf32> -> vector<1024x128xf32>
    %get3A_6 = arith.constant 0 : index
    %get3A_7 = arith.constant 0 : index
    %get3A_8 = vector.load %arg3[%get3A_6, %get3A_7] : memref<1x128xf32, #tpu.memory_space<vmem>>, vector<1x128xf32>
    %add3A = vector.broadcast %get3A_8 : vector<1x128xf32> to vector<1024x128xf32>
    %add3A_9 = arith.addf %dot_general3A_5, %add3A : vector<1024x128xf32>
    %swap3A = arith.constant 0 : index
    %swap3A_10 = arith.constant 0 : index
    %swap3A_11 = vector.load %arg4[%swap3A, %swap3A_10] : memref<1024x128xf32, #tpu.memory_space<vmem>>, vector<1024x128xf32>
    tpu.vector_store %arg4[%swap3A, %swap3A_10], %add3A_9 {strides = array<i32>} : memref<1024x128xf32, #tpu.memory_space<vmem>>, vector<1024x128xf32>,
    return
  }
  func.func @transform_0(%arg0: i32) -> (i32, i32) {
    %c0_i32 = arith.constant 0 : i32
    %c0_i32_0 = arith.constant 0 : i32
    return %arg0, %c0_i32 : i32, i32
  }
  func.func @transform_1(%arg0: i32) -> (i32, i32) {
    %c0_i32 = arith.constant 0 : i32
    %c0_i32_0 = arith.constant 0 : i32
    %c0_i32_1 = arith.constant 0 : i32
    return %c0_i32, %c0_i32_0 : i32, i32
  }
  func.func @transform_2(%arg0: i32) -> (i32, i32) {
    %c0_i32 = arith.constant 0 : i32
    %c0_i32_0 = arith.constant 0 : i32
    %c0_i32_1 = arith.constant 0 : i32
    return %c0_i32, %c0_i32_0 : i32, i32
  }
  func.func @transform_3(%arg0: i32) -> (i32, i32) {
    %c0_i32 = arith.constant 0 : i32
    %c0_i32_0 = arith.constant 0 : i32
    return %arg0, %c0_i32 : i32, i32
  }
}

module attributes {stable_mosaic.version = 14 : i64} {
  func.func @body(%arg0: i32, %arg1: memref<2x1024x128xf32, #tpu.memory_space<vmem>>, %arg2: memref<1024x128xf32, #tpu.memory_space<vmem>>, %arg3: memref<1024x128xf32, #tpu.memory_space<vmem>>, %arg4: memref<1x128xf32, #tpu.memory_space<vmem>>, %arg5: memref<1024x128xf32, #tpu.memory_space<vmem>>, %arg6: memref<128x128xf32, #tpu.memory_space<vmem>>, %arg7: memref<1024x128xf32, #tpu.memory_space<vmem>>) attributes {dimension_semantics = [#tpu.dimension_semantics<arbitrary>], iteration_bounds = array<i64: 10>, scalar_prefetch = 0 : i64, scratch_operands = 0 : i64, tpu.core_type = #tpu.core_type<tc>, window_params = [{transform_indices = @transform_0, window_bounds = array<i64: 2, 1024, 128>}, {transform_indices = @transform_1, window_bounds = array<i64: 1024, 128>}, {transform_indices = @transform_2, window_bounds = array<i64: 1024, 128>}, {pipeline_mode = #tpu.pipeline_mode<synchronous>, transform_indices = @transform_3, window_bounds = array<i64: 1, 128>}, {transform_indices = @transform_4, window_bounds = array<i64: 1024, 128>}, {pipeline_mode = #tpu.pipeline_mode<synchronous>, transform_indices = @transform_5, window_bounds = array<i64: 128, 128>}, {transform_indices = @transform_6, window_bounds = array<i64: 1024, 128>}]} {
    %get3A = arith.constant 0 : index
    %get3A_0 = arith.constant 0 : index
    %get3A_1 = vector.load %arg3[%get3A, %get3A_0] : memref<1024x128xf32, #tpu.memory_space<vmem>>, vector<1024x128xf32>
    %get3A_2 = arith.constant 0 : index
    %get3A_3 = arith.constant 0 : index
    %get3A_4 = arith.constant 0 : index
    %get3A_5 = vector.load %arg1[%get3A_2, %get3A_3, %get3A_4] : memref<2x1024x128xf32, #tpu.memory_space<vmem>>, vector<1x1024x128xf32>
    %get3A_6 = vector.shape_cast %get3A_5 : vector<1x1024x128xf32> to vector<1024x128xf32>
    %get3A_7 = arith.constant 1 : index
    %get3A_8 = arith.constant 0 : index
    %get3A_9 = arith.constant 0 : index
    %get3A_10 = vector.load %arg1[%get3A_7, %get3A_8, %get3A_9] : memref<2x1024x128xf32, #tpu.memory_space<vmem>>, vector<1x1024x128xf32>
    %get3A_11 = vector.shape_cast %get3A_10 : vector<1x1024x128xf32> to vector<1024x128xf32>
    %add3A = arith.addf %get3A_6, %get3A_11 : vector<1024x128xf32>
    %get3A_12 = arith.constant 0 : index
    %get3A_13 = arith.constant 0 : index
    %get3A_14 = vector.load %arg2[%get3A_12, %get3A_13] : memref<1024x128xf32, #tpu.memory_space<vmem>>, vector<1024x128xf32>
    %add3A_15 = arith.addf %add3A, %get3A_14 : vector<1024x128xf32>
    %mul3A = arith.mulf %get3A_1, %add3A_15 : vector<1024x128xf32>
    %get3A_16 = arith.constant 0 : index
    %get3A_17 = arith.constant 0 : index
    %get3A_18 = vector.load %arg4[%get3A_16, %get3A_17] : memref<1x128xf32, #tpu.memory_space<vmem>>, vector<1x128xf32>
    %add3A_19 = vector.broadcast %get3A_18 : vector<1x128xf32> to vector<1024x128xf32>
    %add3A_20 = arith.addf %mul3A, %add3A_19 : vector<1024x128xf32>
    %max3A = arith.constant 0.000000e+00 : f32
    %max3A_21 = vector.broadcast %max3A : f32 to vector<1024x128xf32>
    %max3A_22 = arith.maximumf %add3A_20, %max3A_21 : vector<1024x128xf32>
    %get3A_23 = arith.constant 0 : index
    %get3A_24 = arith.constant 0 : index
    %get3A_25 = vector.load %arg5[%get3A_23, %get3A_24] : memref<1024x128xf32, #tpu.memory_space<vmem>>, vector<1024x128xf32>
    %add3A_26 = arith.addf %max3A_22, %get3A_25 : vector<1024x128xf32>
    %get3A_27 = arith.constant 0 : index
    %get3A_28 = arith.constant 0 : index
    %get3A_29 = vector.load %arg6[%get3A_27, %get3A_28] : memref<128x128xf32, #tpu.memory_space<vmem>>, vector<128x128xf32>
    %dot_general3A = arith.constant dense<0.000000e+00> : vector<1024x128xf32>
    %dot_general3A_30 = tpu.matmul %add3A_26, %get3A_29, %dot_general3A {dimension_numbers = #tpu.dot_dimension_numbers<[1], [0], [0], [1], [0, 0, 1, 1], [], []>, transpose_lhs_hint = false} : vector<1024x128xf32>, vector<128x128xf32>, vector<1024x128xf32> -> vector<1024x128xf32>
    %mul3A_31 = arith.mulf %get3A_1, %dot_general3A_30 : vector<1024x128xf32>
    %swap3A = arith.constant 0 : index
    %swap3A_32 = arith.constant 0 : index
    %swap3A_33 = vector.load %arg7[%swap3A, %swap3A_32] : memref<1024x128xf32, #tpu.memory_space<vmem>>, vector<1024x128xf32>
    tpu.vector_store %arg7[%swap3A, %swap3A_32], %mul3A_31 {strides = array<i32>} : memref<1024x128xf32, #tpu.memory_space<vmem>>, vector<1024x128xf32>,
    return
  }
  func.func @transform_0(%arg0: i32) -> (i32, i32, i32) {
    %c0_i32 = arith.constant 0 : i32
    %c0_i32_0 = arith.constant 0 : i32
    %c0_i32_1 = arith.constant 0 : i32
    return %c0_i32, %arg0, %c0_i32_0 : i32, i32, i32
  }
  func.func @transform_1(%arg0: i32) -> (i32, i32) {
    %c0_i32 = arith.constant 0 : i32
    %c0_i32_0 = arith.constant 0 : i32
    return %arg0, %c0_i32 : i32, i32
  }
  func.func @transform_2(%arg0: i32) -> (i32, i32) {
    %c0_i32 = arith.constant 0 : i32
    %c0_i32_0 = arith.constant 0 : i32
    return %arg0, %c0_i32 : i32, i32
  }
  func.func @transform_3(%arg0: i32) -> (i32, i32) {
    %c0_i32 = arith.constant 0 : i32
    %c0_i32_0 = arith.constant 0 : i32
    %c0_i32_1 = arith.constant 0 : i32
    return %c0_i32, %c0_i32_0 : i32, i32
  }
  func.func @transform_4(%arg0: i32) -> (i32, i32) {
    %c0_i32 = arith.constant 0 : i32
    %c0_i32_0 = arith.constant 0 : i32
    return %arg0, %c0_i32 : i32, i32
  }
  func.func @transform_5(%arg0: i32) -> (i32, i32) {
    %c0_i32 = arith.constant 0 : i32
    %c0_i32_0 = arith.constant 0 : i32
    %c0_i32_1 = arith.constant 0 : i32
    return %c0_i32, %c0_i32_0 : i32, i32
  }
  func.func @transform_6(%arg0: i32) -> (i32, i32) {
    %c0_i32 = arith.constant 0 : i32
    %c0_i32_0 = arith.constant 0 : i32
    return %arg0, %c0_i32 : i32, i32
  }
}

module attributes {stable_mosaic.version = 14 : i64} {
  func.func @body(%arg0: i32, %arg1: memref<2x1024x128xf32, #tpu.memory_space<vmem>>, %arg2: memref<1024x128xf32, #tpu.memory_space<vmem>>, %arg3: memref<1024x128xf32, #tpu.memory_space<vmem>>, %arg4: memref<1x128xf32, #tpu.memory_space<vmem>>, %arg5: memref<1024x128xf32, #tpu.memory_space<vmem>>) attributes {dimension_semantics = [#tpu.dimension_semantics<arbitrary>], iteration_bounds = array<i64: 10>, scalar_prefetch = 0 : i64, scratch_operands = 0 : i64, tpu.core_type = #tpu.core_type<tc>, window_params = [{transform_indices = @transform_0, window_bounds = array<i64: 2, 1024, 128>}, {transform_indices = @transform_1, window_bounds = array<i64: 1024, 128>}, {transform_indices = @transform_2, window_bounds = array<i64: 1024, 128>}, {pipeline_mode = #tpu.pipeline_mode<synchronous>, transform_indices = @transform_3, window_bounds = array<i64: 1, 128>}, {transform_indices = @transform_4, window_bounds = array<i64: 1024, 128>}]} {
    %get3A = arith.constant 0 : index
    %get3A_0 = arith.constant 0 : index
    %get3A_1 = vector.load %arg3[%get3A, %get3A_0] : memref<1024x128xf32, #tpu.memory_space<vmem>>, vector<1024x128xf32>
    %get3A_2 = arith.constant 0 : index
    %get3A_3 = arith.constant 0 : index
    %get3A_4 = arith.constant 0 : index
    %get3A_5 = vector.load %arg1[%get3A_2, %get3A_3, %get3A_4] : memref<2x1024x128xf32, #tpu.memory_space<vmem>>, vector<1x1024x128xf32>
    %get3A_6 = vector.shape_cast %get3A_5 : vector<1x1024x128xf32> to vector<1024x128xf32>
    %get3A_7 = arith.constant 1 : index
    %get3A_8 = arith.constant 0 : index
    %get3A_9 = arith.constant 0 : index
    %get3A_10 = vector.load %arg1[%get3A_7, %get3A_8, %get3A_9] : memref<2x1024x128xf32, #tpu.memory_space<vmem>>, vector<1x1024x128xf32>
    %get3A_11 = vector.shape_cast %get3A_10 : vector<1x1024x128xf32> to vector<1024x128xf32>
    %add3A = arith.addf %get3A_6, %get3A_11 : vector<1024x128xf32>
    %get3A_12 = arith.constant 0 : index
    %get3A_13 = arith.constant 0 : index
    %get3A_14 = vector.load %arg2[%get3A_12, %get3A_13] : memref<1024x128xf32, #tpu.memory_space<vmem>>, vector<1024x128xf32>
    %add3A_15 = arith.addf %add3A, %get3A_14 : vector<1024x128xf32>
    %mul3A = arith.mulf %get3A_1, %add3A_15 : vector<1024x128xf32>
    %get3A_16 = arith.constant 0 : index
    %get3A_17 = arith.constant 0 : index
    %get3A_18 = vector.load %arg4[%get3A_16, %get3A_17] : memref<1x128xf32, #tpu.memory_space<vmem>>, vector<1x128xf32>
    %add3A_19 = vector.broadcast %get3A_18 : vector<1x128xf32> to vector<1024x128xf32>
    %add3A_20 = arith.addf %mul3A, %add3A_19 : vector<1024x128xf32>
    %swap3A = arith.constant 0 : index
    %swap3A_21 = arith.constant 0 : index
    %swap3A_22 = vector.load %arg5[%swap3A, %swap3A_21] : memref<1024x128xf32, #tpu.memory_space<vmem>>, vector<1024x128xf32>
    tpu.vector_store %arg5[%swap3A, %swap3A_21], %add3A_20 {strides = array<i32>} : memref<1024x128xf32, #tpu.memory_space<vmem>>, vector<1024x128xf32>,
    return
  }
  func.func @transform_0(%arg0: i32) -> (i32, i32, i32) {
    %c0_i32 = arith.constant 0 : i32
    %c0_i32_0 = arith.constant 0 : i32
    %c0_i32_1 = arith.constant 0 : i32
    return %c0_i32, %arg0, %c0_i32_0 : i32, i32, i32
  }
  func.func @transform_1(%arg0: i32) -> (i32, i32) {
    %c0_i32 = arith.constant 0 : i32
    %c0_i32_0 = arith.constant 0 : i32
    return %arg0, %c0_i32 : i32, i32
  }
  func.func @transform_2(%arg0: i32) -> (i32, i32) {
    %c0_i32 = arith.constant 0 : i32
    %c0_i32_0 = arith.constant 0 : i32
    return %arg0, %c0_i32 : i32, i32
  }
  func.func @transform_3(%arg0: i32) -> (i32, i32) {
    %c0_i32 = arith.constant 0 : i32
    %c0_i32_0 = arith.constant 0 : i32
    %c0_i32_1 = arith.constant 0 : i32
    return %c0_i32, %c0_i32_0 : i32, i32
  }
  func.func @transform_4(%arg0: i32) -> (i32, i32) {
    %c0_i32 = arith.constant 0 : i32
    %c0_i32_0 = arith.constant 0 : i32
    return %arg0, %c0_i32 : i32, i32
  }
}

</mosaic_0001>

<sc_bundles>
// kernel: kernel.12.cloned.1.call-start
scs
__scs_entry_jumppad:
0x0: {  	(pc) =	sbr.rel $0x88, $3  }
0x1: {  	(tag) =	ssettag $0x0;
	lr =	simm.s32 $0x1  }
0x2: {  	[smem:$0x3F97] =	sst lr;
	_ =	strace $0xD0000000  }
0x3: {  	_ = 	snop  }
0x4: {  	_ = 	snop  }
0x5: {  	_ = 	snop  }
0x6: {  	_ = 	snop  }
0x7: {  	_ = 	snop  }
__scs_overlays_trampoline_lowered:
0x8: {  	[smem:$0x3FA6] =	sst s0  }
0x9: {  	[smem:$0x3FA7] =	sst s1  }
0xa: {  	[smem:$0x3FA8] =	sst s2  }
0xb: {  	[smem:$0x3FA9] =	sst s3  }
0xc: {  	[smem:$0x3FAA] =	sst s4  }
0xd: {  	[smem:$0x3FAB] =	sst s5  }
0xe: {  	[smem:$0x3FAC] =	sst s6  }
0xf: {  	[smem:$0x3FAD] =	sst s7  }
0x10: {  	[smem:$0x3FAE] =	sst s8  }
0x11: {  	[smem:$0x3FAF] =	sst s9;
	s0 =	simm.s32 @!p0 $0x0  }
0x12: {  	s1 =	sld [smem:$0x3F95];
	s0 =	simm.s32 @p0 $0x1  }
0x13: {  	[smem:$0x3FB0] =	sst s0;
	s0 =	simm.s32 @!p1 $0x0  }
0x14: {  	s2 =	sld [smem:$0x3F94];
	s0 =	simm.s32 @p1 $0x1  }
0x15: {  	[smem:$0x3FB1] =	sst s0;
	s0 =	simm.s32 @!p2 $0x0  }
0x16: {  	s3 =	sld [smem:$0x3FDB];
	s0 =	simm.s32 @p2 $0x1  }
0x17: {  	s4 =	simm.s32 $0x1BF5;
	[smem:$0x3FB3] =	sst s0  }
0x18: {  	s0 =	sld [smem:$0x3F96];
	_ =	swait.ge [sflag:s4], $0x0  }
0x19: {  	s7 =	sld [smem:$0x3F97]  }
0x1a: {  	s8 =	sadd.s32 $0xFFFFE003, lr  }
0x1b: {  	s9 =	sadd.s32 $0xFFFFFEF7, lr;
	s5 =	simm.s32 $0xFFFFFFFF;
	p2 =	slt.u32 s8, $0xFFFFF086  }
0x1c: {  	p1 =	slt.u32 s9, $0xF7A;
	s5 =	simm.s32 @!p2 $0x0  }
0x1d: {  	s5 =	simm.s32 @p1 $0x1;
	p0 =	seq.s32 s7, s2  }
0x1e: {  	s7 =	smul.u32 @!p0 $0xF7A, s2;
	p2 =	seq.s32 @!p0 s5, $0x0  }
0x1f: {  	s9 =	smul.u32 $0xF7A, s1;
	s8 =	simm.s32 @!p0 $0x1BF5;
	p2 =	por !p2, p0  }
0x20: {  	[sflag:s8] =	ssyncset.s32 @!p0 $0xFFFFF086;
	s6 =	sadd.s32 @!p0 s3, s7;
	s7 =	simm.s32 @!p0 $0x108  }
0x21: {  	s3 =	sadd.s32 s3, s9;
	s6 =	sadd.s32 @!p0 $0x88, s6;
	s7 =	simm.s32 @p2 $0x1082  }
0x22: {  	[simem:s7], [sflag:s8] =	dma.local @!p0 [hbm:s6], $0xF7A  }
0x23: {  	s9 =	sor.u32 $0xD0000000, s2;
	s6 =	simm.s32 $0x108;
	_ =	swait.ge @!p0 [sflag:s8], $0x0  }
0x24: {  	s3 =	sadd.s32 $0x88, s3;
	s6 =	simm.s32 @!p1 $0x1082;
	[sflag:s4] =	ssyncset.s32 $0xFFFFF086  }
0x25: {  	[simem:s6], [sflag:s4] =	dma.local [hbm:s3], $0xF7A  }
0x26: {  	[smem:$0x3F97] =	sst s1;
	(tag) =	ssettag s2;
	_ =	strace s9  }
0x27: {  	s1 =	sld [smem:$0x3FA7]  }
0x28: {  	s2 =	sld [smem:$0x3FA8]  }
0x29: {  	s4 =	sld [smem:$0x3FAA]  }
0x2a: {  	p0 =	seq.s32 s5, $0x0;
	s5 =	sld [smem:$0x3FAB]  }
0x2b: {  	s6 =	sld [smem:$0x3FAC]  }
0x2c: {  	s7 =	sld [smem:$0x3FAD]  }
0x2d: {  	s3 =	simm.s32 $0x108;
	s8 =	sld [smem:$0x3FAE]  }
0x2e: {  	s3 =	simm.s32 @!p0 $0x1082;
	s9 =	sld [smem:$0x3FAF]  }
0x2f: {  	lr =	sadd.s32 s0, s3;
	s0 =	sld [smem:$0x3FA6]  }
0x30: {  	s3 =	sld [smem:$0x3FA9]  }
0x31: {  	[smem:$0x3FB2] =	sst s10  }
0x32: {  	s10 =	sld [smem:$0x3FB0];
	_ =	sdelay $0x3  }
0x33: {  	p0 =	seq.s32 s10, $0x1;
	s10 =	sld [smem:$0x3FB2];
	_ =	sdelay $0x3  }
0x34: {  	[smem:$0x3FB2] =	sst s10  }
0x35: {  	s10 =	sld [smem:$0x3FB1];
	_ =	sdelay $0x3  }
0x36: {  	p1 =	seq.s32 s10, $0x1;
	s10 =	sld [smem:$0x3FB2];
	_ =	sdelay $0x3  }
0x37: {  	[smem:$0x3FB2] =	sst s10  }
0x38: {  	s10 =	sld [smem:$0x3FB3]  }
0x39: {  	_ = 	snop;
	(pc) =	sbr.ind lr, $3  }
0x3a: {  	_ = 	snop  }
0x3b: {  	_ = 	snop  }
0x3c: {  	p2 =	seq.s32 s10, $0x1;
	s10 =	sld [smem:$0x3FB2]  }
0x3d: {  	_ =	shalt  }
0x3e: {  	_ =	shalt  }
0x3f: {  	_ =	shalt  }
0x40: {  	_ =	shalt  }
0x41: {  	_ =	shalt  }
0x42: {  	_ =	shalt  }
0x43: {  	_ =	shalt  }
0x44: {  	_ =	shalt  }
0x45: {  	_ =	shalt  }
0x46: {  	_ =	shalt  }
0x47: {  	_ =	shalt  }
0x48: {  	_ =	shalt  }
0x49: {  	_ =	shalt  }
0x4a: {  	_ =	shalt  }
0x4b: {  	_ =	shalt  }
0x4c: {  	_ =	shalt  }
0x4d: {  	_ =	shalt  }
0x4e: {  	_ =	shalt  }
0x4f: {  	_ =	shalt  }
0x50: {  	_ =	shalt  }
0x51: {  	_ =	shalt  }
0x52: {  	_ =	shalt  }
0x53: {  	_ =	shalt  }
0x54: {  	_ =	shalt  }
0x55: {  	_ =	shalt  }
0x56: {  	_ =	shalt  }
0x57: {  	_ =	shalt  }
0x58: {  	_ =	shalt  }
0x59: {  	_ =	shalt  }
0x5a: {  	_ =	shalt  }
0x5b: {  	_ =	shalt  }
0x5c: {  	_ =	shalt  }
0x5d: {  	_ =	shalt  }
0x5e: {  	_ =	shalt  }
0x5f: {  	_ =	shalt  }
0x60: {  	_ =	shalt  }
0x61: {  	_ =	shalt  }
0x62: {  	_ =	shalt  }
0x63: {  	_ =	shalt  }
0x64: {  	_ =	shalt  }
0x65: {  	_ =	shalt  }
0x66: {  	_ =	shalt  }
0x67: {  	_ =	shalt  }
0x68: {  	_ =	shalt  }
0x69: {  	_ =	shalt  }
0x6a: {  	_ =	shalt  }
0x6b: {  	_ =	shalt  }
0x6c: {  	_ =	shalt  }
0x6d: {  	_ =	shalt  }
0x6e: {  	_ =	shalt  }
0x6f: {  	_ =	shalt  }
0x70: {  	_ =	shalt  }
0x71: {  	_ =	shalt  }
0x72: {  	_ =	shalt  }
0x73: {  	_ =	shalt  }
0x74: {  	_ =	shalt  }
0x75: {  	_ =	shalt  }
0x76: {  	_ =	shalt  }
0x77: {  	_ =	shalt  }
0x78: {  	_ =	shalt  }
0x79: {  	_ =	shalt  }
0x7a: {  	_ =	shalt  }
0x7b: {  	_ =	shalt  }
0x7c: {  	_ =	shalt  }
0x7d: {  	_ =	shalt  }
0x7e: {  	_ =	shalt  }
0x7f: {  	_ =	shalt  }
0x80: {  	_ =	shalt  }
0x81: {  	_ =	shalt  }
0x82: {  	_ =	shalt  }
0x83: {  	_ =	shalt  }
0x84: {  	_ =	shalt  }
0x85: {  	_ =	shalt  }
0x86: {  	_ =	shalt  }
0x87: {  	_ =	shalt  }
.Lfunc_end0:
.L_simem_size_0:
called_computation_lowered:
.L_overlay_start_0:
0x88: {  	s2 =	sld [smem:$0x3FD9]  }
0x89: {  	s3 =	sld [smem:$0x3FFE];
	_ =	sdelay $0x1  }
0x8a: {  	s1 =	srdreg.scid  }
0x8b: {  	s0 =	sand.u32 $0x1, s1  }
0x8c: {  	s17 =	sshll.u32 s0, $0xA;
	s2 =	sadd.s32 s3, s2  }
0x8d: {  	s2 =	sadd.s32 s2, s17  }
0x8e: {  	[smem:$0x3FBE] =	sst s2  }
0x8f: {  	_ = 	snop  }
0x90: {  	s2 =	sld [smem:$0x3FD0];
	(tm) =	ssettm $0x1  }
0x91: {  	s18 =	sld [smem:$0x3FFB];
	_ =	sdelay $0x3  }
0x92: {  	_ =	strace s18  }
0x93: {  	s3 =	sld [smem:$0x3FFC];
	_ =	sdelay $0x3  }
0x94: {  	_ =	strace s3  }
0x95: {  	s3 =	sld [smem:$0x3FFD];
	_ =	sdelay $0x3  }
0x96: {  	_ =	strace s3  }
0x97: {  	_ =	strace $0x8FFFFFFF  }
0x98: {  	s19 =	sld [smem:$0x3FDB];
	_ =	sdelay $0x1  }
0x99: {  	s4 =	simm.s32 $_scs_section_size  }
0x9a: {  	s5 =	simm.s32 $_size__tile_overlayer_lowered;
	s6 =	simm.s32 $_tile_overlayer_lowered  }
0x9b: {  	s22 =	simm.s32 $0x1BFF;
	s21 =	sshll.u32 s6, $0x1;
	s3 =	sadd.s32 s4, s19  }
0x9c: {  	s7 =	simm.s32 $0x0;
	s20 =	sshll.u32 s5, $0x1;
	s5 =	sadd.s32 s21, s3  }
0x9d: {  	[timem:s7], [sflag:s22] =	dma.local [hbm:s5], s20  }
0x9e: {  	_ =	swait.ge [sflag:s22], s20  }
0x9f: {  	s4 =	ssub.s32 $0x0, s20;
	[sflag:s22] =	ssyncset.done $0x0  }
0xa0: {  	[sflag:s22] =	ssyncadd.s32 s4;
	_ =	sdelay $0x1  }
0xa1: {  	s23 =	simm.s32 $0x1B8B  }
0xa2: {  	_ =	swait.ge [sflag:s23], $0x1  }
0xa3: {  	[sflag:s23] =	ssyncset.done $0x0  }
0xa4: {  	s25 =	simm.s32 $0x1B8E;
	s24 =	sld [smem:$0x3FFE];
	[sflag:s23] =	ssyncadd.s32 $0xFFFFFFFF  }
0xa5: {  	s26 =	simm.s32 $execute0_lowered;
	[smem:$0x3FD2] =	sst s25  }
0xa6: {  	s5 =	sshll.u32 s26, $0x1;
	_ =	strace $0x80000046;
	[dreg:$0x1] =	wrdreg $0xFFFFFFFF  }
0xa7: {  	s28 =	simm.s32 $_size_execute0_lowered;
	s3 =	sadd.s32 s3, s5;
	[dreg:$0x0] =	wrdreg $0x0  }
0xa8: {  	s5 =	sshll.u32 s28, $0x1;
	[dreg:$0x2] =	wrdreg s3  }
0xa9: {  	[dreg:$0x3] =	wrdreg s5  }
0xaa: {  	[dreg:$0x4] =	wrdreg $0xC0  }
0xab: {  	_ =	task [dreg:s7], $0x5FFFF  }
0xac: {  	[dreg:$0x1] =	wrdreg $0xFFFFFFFF  }
0xad: {  	[dreg:$0x0] =	wrdreg $0x60  }
0xae: {  	[dreg:$0x2] =	wrdreg s24  }
0xaf: {  	[dreg:$0x3] =	wrdreg s2  }
0xb0: {  	[dreg:$0x4] =	wrdreg $0x9  }
0xb1: {  	_ =	task.clear_ibuf [dreg:s7], $0x5FFFF;
	_ =	strace $0x90000046  }
0xb2: {  	s29 =	simm.s32 $0x9;
	_ =	strace $0x80000048  }
0xb3: {  	_ =	swait.ge [sflag:s29], $0x1  }
0xb4: {  	[sflag:s29] =	ssyncadd.s32 $0xFFFFFFFF  }
0xb5: {  	_ =	strace $0x90000048  }
0xb6: {  	_ =	sfence  }
0xb7: {  	s30 =	sld [smem:$0x0];
	_ =	sdelay $0x2  }
0xb8: {  	s31 =	sshll.u32 s1, $0xD;
	s1 =	sshrl.u32 s1, $0x2  }
0xb9: {  	s3 =	sand.u32 $0x4000, s31;
	s1 =	sadd.s32 s1, s30  }
0xba: {  	s0 =	sor.u32 s3, s0;
	s1 =	sshll.u32 s1, $0x11  }
0xbb: {  	s0 =	sor.u32 s1, s0  }
0xbc: {  	s0 =	sadd.s32 $0x8F2B, s0  }
0xbd: {  	[sflag:s0] =	ssyncadd.remote.s32 $0x1  }
0xbe: {  	_ =	sfence.sel $0xFFFF  }
0xbf: {  	[dreg:$0x0] =	wrdreg $0xFFFFFFFF;
	(pc) =	sbr.abs _section_cstart, $3  }
0xc0: {  	[dreg:$0x1] =	wrdreg $0xFFFFFFFF  }
0xc1: {  	_ =	task.clear_ibuf [dreg:s7], $0x2FFFF;
	_ =	strace $0x9FFFFFFF  }
0xc2: {  	(tm) =	ssettm $0x7FFFFFFF  }
0xc3: {  	_ =	shalt  }
tec
execute0_lowered:
.L_overlay_start_1:
0x0: {  	(tag) =	ssettag $0x1  }
0x1: {  	s0 =	srdreg.scid;
	s3 =	rddreg [dreg:$0x0]  }
0x2: {  	s5 =	rddreg [dreg:$0x1];
	s1 =	stileid.u32;
	s4 =	sand.u32 $0x1, s0  }
0x3: {  	s10 =	simm.s32 $0x0;
	s0 =	rddreg [dreg:$0x2];
	s2 =	sshll.u32 s4, $0x4  }
0x4: {  	s8 =	sshll.u32 s1, $0x7;
	s30 =	smul.u32 $0x4F0, s1;
	s6 =	sor.u32 s1, s2  }
0x5: {  	s7 =	smul.u32 $0x4F00, s4;
	s8 =	sand.u32 $0x380, s8;
	s6 =	sshrl.u32 s6, $0x3  }
0x6: {  	s4 =	ssub.s32 $0x2, s4;
	s2 =	simm.s32 $0x0;
	s6 =	smul.u32 $0x14000, s6  }
0x7: {  	s9 =	sshrl.u32 s4, $0x1;
	[smem:$0x7FF] =	sst s2;
	s7 =	sadd.s32 s7, s3  }
0x8: {  	s3 =	sadd.s32 $0xD000, s3;
	s9 =	ssub.s32 s4, s9;
	s6 =	sor.u32 s8, s6  }
0x9: {  	_ =	strace $0x80000047;
	s31 =	sadd.s32 s30, s7;
	s6 =	sshrl.u32 s6, $0x3  }
0xa: {  	s7 =	simm.s32 $0x80;
	s8 =	simm.s32 $0x1;
	s4 =	sadd.s32 s5, s6  }
0xb: {  	v0 =	vimm.f32 $1.000000000e+00;
	s5 =	smax.u32 s9, $0x1;
	s6 =	sadd.s32 $0x3200, s31;
	s9 =	simm.s32 $0x400  }
.LBB2_1:
0xc: {  	[tilespmem:s7], [sflag:$0x1] =	stream.linear.gather [hbm4b:s3+s2], $0x2800, $0x38;
	[tilespmem:$0x2880] =	vst v63  }
0xd: {  	_ =	swait.ge [sflag:s8], $0x2800  }
0xe: {  	[sflag:s8] =	ssyncset.done $0x0  }
0xf: {  	s11 =	simm.s32 $0x0;
	[sflag:s8] =	ssyncadd.s32 $0xFFFFD800  }
.LBB2_2:
0x10: {  	s12 =	sadd.s32 s11, s6  }
0x11: {  	[tilespmem:s2], [sflag:$0x1] =	stream.linear.gather [hbm4b:s12+s2], $0x80, $0x38;
	[tilespmem:$0x2880] =	vst v63  }
0x12: {  	_ =	swait.ge [sflag:s8], $0x80  }
0x13: {  	[sflag:s8] =	ssyncset.done $0x0  }
0x14: {  	[sflag:s8] =	ssyncadd.s32 $0xFFFFFF80  }
0x15: {  	v1 =	vld [tilespmem:$0x0];
	_ =	sdelay $0x7  }
0x16: {  	[tilespmem:v1+s7+$0x0] =	vst.idx.add.f32.msk $0xffff, v0  }
0x17: {  	v1 =	vld [tilespmem:$0x10];
	_ =	sdelay $0x7  }
0x18: {  	[tilespmem:v1+s7+$0x0] =	vst.idx.add.f32.msk $0xffff, v0  }
0x19: {  	v1 =	vld [tilespmem:$0x20];
	_ =	sdelay $0x7  }
0x1a: {  	[tilespmem:v1+s7+$0x0] =	vst.idx.add.f32.msk $0xffff, v0  }
0x1b: {  	v1 =	vld [tilespmem:$0x30];
	_ =	sdelay $0x7  }
0x1c: {  	[tilespmem:v1+s7+$0x0] =	vst.idx.add.f32.msk $0xffff, v0  }
0x1d: {  	v1 =	vld [tilespmem:$0x40];
	_ =	sdelay $0x7  }
0x1e: {  	[tilespmem:v1+s7+$0x0] =	vst.idx.add.f32.msk $0xffff, v0  }
0x1f: {  	v1 =	vld [tilespmem:$0x50];
	_ =	sdelay $0x7  }
0x20: {  	[tilespmem:v1+s7+$0x0] =	vst.idx.add.f32.msk $0xffff, v0  }
0x21: {  	v1 =	vld [tilespmem:$0x60];
	_ =	sdelay $0x7  }
0x22: {  	[tilespmem:v1+s7+$0x0] =	vst.idx.add.f32.msk $0xffff, v0  }
0x23: {  	v1 =	vld [tilespmem:$0x70];
	_ =	sdelay $0x2  }
0x24: {  	p0 =	sne.s32 s11, $0x4E0  }
.Ltmp0:
0x25: {  	_ = 	snop;
	(pc) =	sbr.rel @p0 .LBB2_2-.Ltmp0, $2  }
0x26: {  	_ =	sdelay $0x2  }
0x27: {  	s11 =	sadd.s32 $0x10, s11;
	[tilespmem:v1+s7+$0x0] =	vst.idx.add.f32.msk $0xffff, v0  }
0x28: {  	s10 =	sadd.s32 $0x1, s10  }
0x29: {  	p0 =	sne.s32 s10, s5  }
.Ltmp1:
0x2a: {  	_ = 	snop;
	(pc) =	sbr.rel @p0 .LBB2_1-.Ltmp1, $4  }
0x2b: {  	[hbm4b:s4+s7] =	stream.strided.scatter [tilespmem:s7], [sflag:$0x1], $0x2800, s9, s7, $0x38;
	[tilespmem:$0x2880] =	vst v63  }
0x2c: {  	_ =	swait.ge [sflag:s8], $0x2800  }
0x2d: {  	[sflag:s8] =	ssyncset.done $0x0  }
0x2e: {  	[sflag:s8] =	ssyncadd.s32 $0xFFFFD800  }
0x2f: {  	_ =	sfence.sel $0x180000  }
0x30: {  	[bflag:$0x0] =	sbarrier.arrive $0xFFFF  }
0x31: {  	p0 =	sne.s32 s1, $0x0;
	_ =	strace $0x90000047  }
0x32: {  	s0 =	sadd.s32 @!p0 $0x100000, s0;
	[bflag:$0x2] =	sbarrier.arrive $0xFFFF  }
0x33: {  	[sflag:s0] =	ssyncadd.tile.s32 @!p0 $0x1;
	_ =	shalt  }
.Lfunc_end2:
_tile_overlayer_lowered:
.L_overlay_start_2:
0x34: {  	(tag) =	ssettag $0x2  }
0x35: {  	s0 =	rddreg [dreg:$0x0];
	s2 =	stileid.u32  }
0x36: {  	s1 =	rddreg [dreg:$0x1];
	p0 =	sne.s32 s2, $0x0  }
0x37: {  	s3 =	rddreg [dreg:$0x2];
	[bflag:$0x3] =	sbarrier.arrive $0xFFFF;
	s2 =	simm.s32 @!p0 $0x1C01  }
0x38: {  	[timem:s3], [sflag:s2] =	dma.local @!p0 [hbm:s0], s1  }
0x39: {  	s0 =	simm.s32 @!p0 $0x1  }
0x3a: {  	_ =	swait.ge @!p0 [sflag:s0], s1  }
0x3b: {  	s1 =	ssub.s32 @!p0 $0x0, s1;
	[sflag:s0] =	ssyncset.done @!p0 $0x0  }
0x3c: {  	[sflag:s0] =	ssyncadd.s32 @!p0 s1  }
0x3d: {  	[bflag:$0x3] =	sbarrier.arrive $0xFFFF  }
0x3e: {  	_ =	shalt  }

// kernel: kernel.15.cloned.1.call-start
scs
__scs_entry_jumppad:
0x0: {  	(pc) =	sbr.rel $0x88, $3  }
0x1: {  	(tag) =	ssettag $0x0;
	lr =	simm.s32 $0x1  }
0x2: {  	[smem:$0x3F97] =	sst lr;
	_ =	strace $0xD0000000  }
0x3: {  	_ = 	snop  }
0x4: {  	_ = 	snop  }
0x5: {  	_ = 	snop  }
0x6: {  	_ = 	snop  }
0x7: {  	_ = 	snop  }
__scs_overlays_trampoline_lowered:
0x8: {  	[smem:$0x3FA6] =	sst s0  }
0x9: {  	[smem:$0x3FA7] =	sst s1  }
0xa: {  	[smem:$0x3FA8] =	sst s2  }
0xb: {  	[smem:$0x3FA9] =	sst s3  }
0xc: {  	[smem:$0x3FAA] =	sst s4  }
0xd: {  	[smem:$0x3FAB] =	sst s5  }
0xe: {  	[smem:$0x3FAC] =	sst s6  }
0xf: {  	[smem:$0x3FAD] =	sst s7  }
0x10: {  	[smem:$0x3FAE] =	sst s8  }
0x11: {  	[smem:$0x3FAF] =	sst s9;
	s0 =	simm.s32 @!p0 $0x0  }
0x12: {  	s1 =	sld [smem:$0x3F95];
	s0 =	simm.s32 @p0 $0x1  }
0x13: {  	[smem:$0x3FB0] =	sst s0;
	s0 =	simm.s32 @!p1 $0x0  }
0x14: {  	s2 =	sld [smem:$0x3F94];
	s0 =	simm.s32 @p1 $0x1  }
0x15: {  	[smem:$0x3FB1] =	sst s0;
	s0 =	simm.s32 @!p2 $0x0  }
0x16: {  	s3 =	sld [smem:$0x3FDB];
	s0 =	simm.s32 @p2 $0x1  }
0x17: {  	s4 =	simm.s32 $0x1BF5;
	[smem:$0x3FB3] =	sst s0  }
0x18: {  	s0 =	sld [smem:$0x3F96];
	_ =	swait.ge [sflag:s4], $0x0  }
0x19: {  	s7 =	sld [smem:$0x3F97]  }
0x1a: {  	s8 =	sadd.s32 $0xFFFFE003, lr  }
0x1b: {  	s9 =	sadd.s32 $0xFFFFFEF7, lr;
	s5 =	simm.s32 $0xFFFFFFFF;
	p2 =	slt.u32 s8, $0xFFFFF086  }
0x1c: {  	p1 =	slt.u32 s9, $0xF7A;
	s5 =	simm.s32 @!p2 $0x0  }
0x1d: {  	s5 =	simm.s32 @p1 $0x1;
	p0 =	seq.s32 s7, s2  }
0x1e: {  	s7 =	smul.u32 @!p0 $0xF7A, s2;
	p2 =	seq.s32 @!p0 s5, $0x0  }
0x1f: {  	s9 =	smul.u32 $0xF7A, s1;
	s8 =	simm.s32 @!p0 $0x1BF5;
	p2 =	por !p2, p0  }
0x20: {  	[sflag:s8] =	ssyncset.s32 @!p0 $0xFFFFF086;
	s6 =	sadd.s32 @!p0 s3, s7;
	s7 =	simm.s32 @!p0 $0x108  }
0x21: {  	s3 =	sadd.s32 s3, s9;
	s6 =	sadd.s32 @!p0 $0x88, s6;
	s7 =	simm.s32 @p2 $0x1082  }
0x22: {  	[simem:s7], [sflag:s8] =	dma.local @!p0 [hbm:s6], $0xF7A  }
0x23: {  	s9 =	sor.u32 $0xD0000000, s2;
	s6 =	simm.s32 $0x108;
	_ =	swait.ge @!p0 [sflag:s8], $0x0  }
0x24: {  	s3 =	sadd.s32 $0x88, s3;
	s6 =	simm.s32 @!p1 $0x1082;
	[sflag:s4] =	ssyncset.s32 $0xFFFFF086  }
0x25: {  	[simem:s6], [sflag:s4] =	dma.local [hbm:s3], $0xF7A  }
0x26: {  	[smem:$0x3F97] =	sst s1;
	(tag) =	ssettag s2;
	_ =	strace s9  }
0x27: {  	s1 =	sld [smem:$0x3FA7]  }
0x28: {  	s2 =	sld [smem:$0x3FA8]  }
0x29: {  	s4 =	sld [smem:$0x3FAA]  }
0x2a: {  	p0 =	seq.s32 s5, $0x0;
	s5 =	sld [smem:$0x3FAB]  }
0x2b: {  	s6 =	sld [smem:$0x3FAC]  }
0x2c: {  	s7 =	sld [smem:$0x3FAD]  }
0x2d: {  	s3 =	simm.s32 $0x108;
	s8 =	sld [smem:$0x3FAE]  }
0x2e: {  	s3 =	simm.s32 @!p0 $0x1082;
	s9 =	sld [smem:$0x3FAF]  }
0x2f: {  	lr =	sadd.s32 s0, s3;
	s0 =	sld [smem:$0x3FA6]  }
0x30: {  	s3 =	sld [smem:$0x3FA9]  }
0x31: {  	[smem:$0x3FB2] =	sst s10  }
0x32: {  	s10 =	sld [smem:$0x3FB0];
	_ =	sdelay $0x3  }
0x33: {  	p0 =	seq.s32 s10, $0x1;
	s10 =	sld [smem:$0x3FB2];
	_ =	sdelay $0x3  }
0x34: {  	[smem:$0x3FB2] =	sst s10  }
0x35: {  	s10 =	sld [smem:$0x3FB1];
	_ =	sdelay $0x3  }
0x36: {  	p1 =	seq.s32 s10, $0x1;
	s10 =	sld [smem:$0x3FB2];
	_ =	sdelay $0x3  }
0x37: {  	[smem:$0x3FB2] =	sst s10  }
0x38: {  	s10 =	sld [smem:$0x3FB3]  }
0x39: {  	_ = 	snop;
	(pc) =	sbr.ind lr, $3  }
0x3a: {  	_ = 	snop  }
0x3b: {  	_ = 	snop  }
0x3c: {  	p2 =	seq.s32 s10, $0x1;
	s10 =	sld [smem:$0x3FB2]  }
0x3d: {  	_ =	shalt  }
0x3e: {  	_ =	shalt  }
0x3f: {  	_ =	shalt  }
0x40: {  	_ =	shalt  }
0x41: {  	_ =	shalt  }
0x42: {  	_ =	shalt  }
0x43: {  	_ =	shalt  }
0x44: {  	_ =	shalt  }
0x45: {  	_ =	shalt  }
0x46: {  	_ =	shalt  }
0x47: {  	_ =	shalt  }
0x48: {  	_ =	shalt  }
0x49: {  	_ =	shalt  }
0x4a: {  	_ =	shalt  }
0x4b: {  	_ =	shalt  }
0x4c: {  	_ =	shalt  }
0x4d: {  	_ =	shalt  }
0x4e: {  	_ =	shalt  }
0x4f: {  	_ =	shalt  }
0x50: {  	_ =	shalt  }
0x51: {  	_ =	shalt  }
0x52: {  	_ =	shalt  }
0x53: {  	_ =	shalt  }
0x54: {  	_ =	shalt  }
0x55: {  	_ =	shalt  }
0x56: {  	_ =	shalt  }
0x57: {  	_ =	shalt  }
0x58: {  	_ =	shalt  }
0x59: {  	_ =	shalt  }
0x5a: {  	_ =	shalt  }
0x5b: {  	_ =	shalt  }
0x5c: {  	_ =	shalt  }
0x5d: {  	_ =	shalt  }
0x5e: {  	_ =	shalt  }
0x5f: {  	_ =	shalt  }
0x60: {  	_ =	shalt  }
0x61: {  	_ =	shalt  }
0x62: {  	_ =	shalt  }
0x63: {  	_ =	shalt  }
0x64: {  	_ =	shalt  }
0x65: {  	_ =	shalt  }
0x66: {  	_ =	shalt  }
0x67: {  	_ =	shalt  }
0x68: {  	_ =	shalt  }
0x69: {  	_ =	shalt  }
0x6a: {  	_ =	shalt  }
0x6b: {  	_ =	shalt  }
0x6c: {  	_ =	shalt  }
0x6d: {  	_ =	shalt  }
0x6e: {  	_ =	shalt  }
0x6f: {  	_ =	shalt  }
0x70: {  	_ =	shalt  }
0x71: {  	_ =	shalt  }
0x72: {  	_ =	shalt  }
0x73: {  	_ =	shalt  }
0x74: {  	_ =	shalt  }
0x75: {  	_ =	shalt  }
0x76: {  	_ =	shalt  }
0x77: {  	_ =	shalt  }
0x78: {  	_ =	shalt  }
0x79: {  	_ =	shalt  }
0x7a: {  	_ =	shalt  }
0x7b: {  	_ =	shalt  }
0x7c: {  	_ =	shalt  }
0x7d: {  	_ =	shalt  }
0x7e: {  	_ =	shalt  }
0x7f: {  	_ =	shalt  }
0x80: {  	_ =	shalt  }
0x81: {  	_ =	shalt  }
0x82: {  	_ =	shalt  }
0x83: {  	_ =	shalt  }
0x84: {  	_ =	shalt  }
0x85: {  	_ =	shalt  }
0x86: {  	_ =	shalt  }
0x87: {  	_ =	shalt  }
.Lfunc_end0:
.L_simem_size_0:
called_computation.1_lowered:
.L_overlay_start_0:
0x88: {  	s2 =	sld [smem:$0x3FD9]  }
0x89: {  	s3 =	sld [smem:$0x3FFE];
	_ =	sdelay $0x1  }
0x8a: {  	s1 =	srdreg.scid  }
0x8b: {  	s0 =	sand.u32 $0x1, s1  }
0x8c: {  	s16 =	sshll.u32 s0, $0xA;
	s2 =	sadd.s32 s3, s2  }
0x8d: {  	s2 =	sadd.s32 s2, s16  }
0x8e: {  	[smem:$0x3FBE] =	sst s2  }
0x8f: {  	_ = 	snop  }
0x90: {  	(tm) =	ssettm $0x1  }
0x91: {  	s17 =	sld [smem:$0x3FFB];
	_ =	sdelay $0x3  }
0x92: {  	_ =	strace s17  }
0x93: {  	s2 =	sld [smem:$0x3FFC];
	_ =	sdelay $0x3  }
0x94: {  	_ =	strace s2  }
0x95: {  	s2 =	sld [smem:$0x3FFD];
	_ =	sdelay $0x3  }
0x96: {  	_ =	strace s2  }
0x97: {  	_ =	strace $0x8FFFFFFF  }
0x98: {  	s18 =	sld [smem:$0x3FDB];
	_ =	sdelay $0x1  }
0x99: {  	s19 =	simm.s32 $_scs_section_size  }
0x9a: {  	s4 =	simm.s32 $_size__tile_overlayer_lowered;
	s5 =	simm.s32 $_tile_overlayer_lowered  }
0x9b: {  	s22 =	simm.s32 $0x1BFF;
	s21 =	sshll.u32 s5, $0x1;
	s2 =	sadd.s32 s19, s18  }
0x9c: {  	s6 =	simm.s32 $0x0;
	s20 =	sshll.u32 s4, $0x1;
	s4 =	sadd.s32 s21, s2  }
0x9d: {  	[timem:s6], [sflag:s22] =	dma.local [hbm:s4], s20  }
0x9e: {  	_ =	swait.ge [sflag:s22], s20  }
0x9f: {  	s3 =	ssub.s32 $0x0, s20;
	[sflag:s22] =	ssyncset.done $0x0  }
0xa0: {  	[sflag:s22] =	ssyncadd.s32 s3;
	_ =	sdelay $0x1  }
0xa1: {  	s23 =	simm.s32 $0x1B8B  }
0xa2: {  	_ =	swait.ge [sflag:s23], $0x1  }
0xa3: {  	[sflag:s23] =	ssyncset.done $0x0  }
0xa4: {  	s25 =	simm.s32 $0x1B8E;
	s24 =	sld [smem:$0x3FFE];
	[sflag:s23] =	ssyncadd.s32 $0xFFFFFFFF  }
0xa5: {  	s26 =	simm.s32 $execute0_lowered;
	[smem:$0x3FD2] =	sst s25  }
0xa6: {  	s4 =	sshll.u32 s26, $0x1;
	_ =	strace $0x80000049;
	[dreg:$0x1] =	wrdreg $0xFFFFFFFF  }
0xa7: {  	s28 =	simm.s32 $_size_execute0_lowered;
	s2 =	sadd.s32 s2, s4;
	[dreg:$0x0] =	wrdreg $0x0  }
0xa8: {  	s4 =	sshll.u32 s28, $0x1;
	[dreg:$0x2] =	wrdreg s2  }
0xa9: {  	[dreg:$0x3] =	wrdreg s4  }
0xaa: {  	[dreg:$0x4] =	wrdreg $0xC0  }
0xab: {  	_ =	task [dreg:s6], $0x5FFFF  }
0xac: {  	[dreg:$0x1] =	wrdreg $0xFFFFFFFF  }
0xad: {  	[dreg:$0x0] =	wrdreg $0x60  }
0xae: {  	[dreg:$0x2] =	wrdreg s24  }
0xaf: {  	[dreg:$0x3] =	wrdreg $0x82000  }
0xb0: {  	[dreg:$0x4] =	wrdreg $0x9  }
0xb1: {  	_ =	task.clear_ibuf [dreg:s6], $0x5FFFF;
	_ =	strace $0x90000049  }
0xb2: {  	s29 =	simm.s32 $0x9;
	_ =	strace $0x8000004B  }
0xb3: {  	_ =	swait.ge [sflag:s29], $0x1  }
0xb4: {  	[sflag:s29] =	ssyncadd.s32 $0xFFFFFFFF  }
0xb5: {  	_ =	strace $0x9000004B  }
0xb6: {  	_ =	sfence  }
0xb7: {  	s30 =	sld [smem:$0x0];
	_ =	sdelay $0x2  }
0xb8: {  	s31 =	sshll.u32 s1, $0xD;
	s1 =	sshrl.u32 s1, $0x2  }
0xb9: {  	s3 =	sand.u32 $0x4000, s31;
	s1 =	sadd.s32 s1, s30  }
0xba: {  	s0 =	sor.u32 s3, s0;
	s1 =	sshll.u32 s1, $0x11  }
0xbb: {  	s0 =	sor.u32 s1, s0  }
0xbc: {  	s0 =	sadd.s32 $0x8F2B, s0  }
0xbd: {  	[sflag:s0] =	ssyncadd.remote.s32 $0x1  }
0xbe: {  	_ =	sfence.sel $0xFFFF  }
0xbf: {  	[dreg:$0x0] =	wrdreg $0xFFFFFFFF;
	(pc) =	sbr.abs _section_cstart, $3  }
0xc0: {  	[dreg:$0x1] =	wrdreg $0xFFFFFFFF  }
0xc1: {  	_ =	task.clear_ibuf [dreg:s6], $0x2FFFF;
	_ =	strace $0x9FFFFFFF  }
0xc2: {  	(tm) =	ssettm $0x7FFFFFFF  }
0xc3: {  	_ =	shalt  }
tec
execute0_lowered:
.L_overlay_start_1:
0x0: {  	(tag) =	ssettag $0x1  }
0x1: {  	s0 =	rddreg [dreg:$0x0]  }
0x2: {  	s2 =	rddreg [dreg:$0x1]  }
0x3: {  	s1 =	stileid.u32;
	s4 =	srdreg.scid  }
0x4: {  	s3 =	simm.s32 $0x0;
	s28 =	simm.s32 $0x1;
	s29 =	simm.s32 $0x2  }
0x5: {  	s30 =	simm.s32 $0x0;
	s6 =	smul.u32 $0x14000, s1;
	s8 =	sand.u32 $0x1, s4  }
0x6: {  	[smem:$0x7FF] =	sst s3;
	s4 =	sadd.s32 $0x17400, s0;
	s12 =	smul.u32 $0x50000, s1  }
0x7: {  	s5 =	sadd.s32 $0xD600, s0;
	s24 =	sshll.u32 s1, $0x6;
	s14 =	smul.u32 $0x2780, s1  }
0x8: {  	s7 =	smul.u32 $0x140000, s8;
	_ =	strace $0x8000004A;
	s10 =	ssub.s32 $0x2, s8  }
0x9: {  	s11 =	sshll.u32 s8, $0x4;
	s23 =	smul.u32 $0x27800, s8;
	s8 =	sor.u32 $0x1C03, s24  }
0xa: {  	s24 =	simm.s32 $0x100;
	s9 =	sshrl.u32 s6, $0x3;
	s18 =	sshrl.u32 s10, $0x1  }
0xb: {  	s11 =	sor.u32 s1, s11;
	s21 =	sshrl.u32 s12, $0x2;
	s7 =	sadd.s32 s6, s7  }
0xc: {  	s6 =	sadd.s32 $0x3200, s0;
	s9 =	sadd.s32 s9, s0;
	s16 =	ssub.s32 s10, s18  }
0xd: {  	s19 =	smul.u32 $0x2780, s11;
	s20 =	sadd.s32 s21, s2;
	s21 =	simm.s32 $0x3  }
0xe: {  	s7 =	sshrl.u32 s7, $0x3;
	s22 =	sadd.s32 $0x3F400, s9;
	s16 =	smax.u32 s16, $0x1  }
0xf: {  	s20 =	sshrl.u32 s20, $0x3;
	s0 =	sadd.s32 s7, s0;
	[dreg:$0x3] =	wrdreg s22  }
0x10: {  	s13 =	sshrl.u32 s19, $0x3;
	s19 =	sadd.s32 s14, s23;
	s22 =	simm.s32 $0x80  }
0x11: {  	s23 =	simm.s32 $0x200;
	s25 =	sadd.s32 s5, s13;
	s15 =	sadd.s32 $0x10, s13  }
0x12: {  	s10 =	sadd.s32 s6, s13;
	s26 =	sadd.s32 $0x4E0, s13;
	s31 =	sadd.s32 $0x180, s19  }
0x13: {  	s19 =	sadd.s32 $0x100, s19;
	[dreg:$0x4] =	wrdreg s25;
	s11 =	sadd.s32 s5, s15  }
0x14: {  	s12 =	sadd.s32 s6, s15;
	s13 =	sadd.s32 s5, s26;
	s14 =	sadd.s32 s6, s26  }
0x15: {  	s18 =	sshrl.u32 s31, $0x3;
	s15 =	sadd.s32 $0x67400, s0;
	s25 =	simm.s32 $0x180  }
0x16: {  	s26 =	simm.s32 $0x4200;
	s17 =	sadd.s32 s18, s6;
	s18 =	sadd.s32 s18, s5  }
.LBB2_1:
0x17: {  	s0 =	rddreg [dreg:$0x3]  }
0x18: {  	[spmem:s20], [sflag:s8] =	dma.local [hbm:s0], $0x2800  }
0x19: {  	_ =	swait.ge [sflag:s21], $0x2800  }
0x1a: {  	[sflag:s21] =	ssyncset.done $0x0  }
0x1b: {  	[sflag:s21] =	ssyncadd.s32 $0xFFFFD800  }
0x1c: {  	[bflag:$0x0] =	sbarrier.arrive $0xFFFF  }
0x1d: {  	s9 =	rddreg [dreg:$0x4]  }
0x1e: {  	[tilespmem:s3], [sflag:$0x3] =	stream.linear.gather [hbm4b:s9+s3], $0x80, $0x38;
	[tilespmem:$0x1C200] =	vst v63  }
0x1f: {  	_ =	swait.ge [sflag:s21], $0x80  }
0x20: {  	[sflag:s21] =	ssyncset.done $0x0  }
0x21: {  	[sflag:s21] =	ssyncadd.s32 $0xFFFFFF80  }
0x22: {  	[tilespmem:s22], [sflag:$0x3] =	stream.linear.gather [hbm4b:s10+s3], $0x80, $0x38;
	[tilespmem:$0x1C200] =	vst v63  }
0x23: {  	_ =	swait.ge [sflag:s21], $0x80  }
0x24: {  	[sflag:s21] =	ssyncset.done $0x0  }
0x25: {  	[sflag:s21] =	ssyncadd.s32 $0xFFFFFF80  }
0x26: {  	[tilespmem:s23], [sflag:$0x1] =	stream.indirect.gather [hbm4b:s4+s22], $0x80, s3, s22, $0xb8;
	[tilespmem:$0x1C200] =	vst v63  }
0x27: {  	_ = 	snop  }
0x28: {  	[tilespmem:s24], [sflag:$0x3] =	stream.linear.gather [hbm4b:s11+s3], $0x80, $0x38;
	[tilespmem:$0x1C200] =	vst v63  }
0x29: {  	_ =	swait.ge [sflag:s21], $0x80  }
0x2a: {  	[sflag:s21] =	ssyncset.done $0x0  }
0x2b: {  	[sflag:s21] =	ssyncadd.s32 $0xFFFFFF80  }
0x2c: {  	[tilespmem:s25], [sflag:$0x3] =	stream.linear.gather [hbm4b:s12+s3], $0x80, $0x38;
	[tilespmem:$0x1C200] =	vst v63  }
0x2d: {  	_ =	swait.ge [sflag:s21], $0x80  }
0x2e: {  	[sflag:s21] =	ssyncset.done $0x0  }
0x2f: {  	[sflag:s21] =	ssyncadd.s32 $0xFFFFFF80  }
0x30: {  	[tilespmem:s26], [sflag:$0x2] =	stream.indirect.gather [hbm4b:s4+s22], $0x80, s24, s22, $0xb8;
	[tilespmem:$0x1C200] =	vst v63  }
0x31: {  	_ =	swait.ge [sflag:s28], $0x4000  }
0x32: {  	[sflag:s28] =	ssyncset.done $0x0  }
0x33: {  	[sflag:s28] =	ssyncadd.s32 $0xFFFFC000  }
0x34: {  	[spmem:s2] =	stream.indirect.scatter.add.f32 [tilespmem:s23], [sflag:$0x3], $0x80, s22, s22, $0xb8;
	[tilespmem:$0x1C200] =	vst v63  }
0x35: {  	_ =	swait.ge [sflag:s21], $0x4000  }
0x36: {  	s1 =	sshrl.u32 s19, $0x3;
	[sflag:s21] =	ssyncset.done $0x0  }
0x37: {  	s31 =	sadd.s32 s5, s1;
	[sflag:s21] =	ssyncadd.s32 $0xFFFFC000  }
0x38: {  	[tilespmem:s3], [sflag:$0x3] =	stream.linear.gather [hbm4b:s31+s3], $0x80, $0x38;
	[tilespmem:$0x1C200] =	vst v63  }
0x39: {  	_ =	swait.ge [sflag:s21], $0x80  }
0x3a: {  	[sflag:s21] =	ssyncset.done $0x0  }
0x3b: {  	s0 =	sadd.s32 s6, s1;
	[sflag:s21] =	ssyncadd.s32 $0xFFFFFF80  }
0x3c: {  	[tilespmem:s22], [sflag:$0x3] =	stream.linear.gather [hbm4b:s0+s3], $0x80, $0x38;
	[tilespmem:$0x1C200] =	vst v63  }
0x3d: {  	_ =	swait.ge [sflag:s21], $0x80  }
0x3e: {  	[sflag:s21] =	ssyncset.done $0x0  }
0x3f: {  	[sflag:s21] =	ssyncadd.s32 $0xFFFFFF80  }
0x40: {  	[tilespmem:s23], [sflag:$0x1] =	stream.indirect.gather [hbm4b:s4+s22], $0x80, s3, s22, $0xb8;
	[tilespmem:$0x1C200] =	vst v63  }
0x41: {  	_ =	swait.ge [sflag:s29], $0x4000  }
0x42: {  	[sflag:s29] =	ssyncset.done $0x0  }
0x43: {  	[sflag:s29] =	ssyncadd.s32 $0xFFFFC000  }
0x44: {  	[spmem:s2] =	stream.indirect.scatter.add.f32 [tilespmem:s26], [sflag:$0x3], $0x80, s25, s22, $0xb8;
	[tilespmem:$0x1C200] =	vst v63  }
0x45: {  	_ =	swait.ge [sflag:s21], $0x4000  }
0x46: {  	[sflag:s21] =	ssyncset.done $0x0  }
0x47: {  	s7 =	sadd.s32 $0x0, s18;
	[sflag:s21] =	ssyncadd.s32 $0xFFFFC000  }
0x48: {  	[tilespmem:s24], [sflag:$0x3] =	stream.linear.gather [hbm4b:s7+s3], $0x80, $0x38;
	[tilespmem:$0x1C200] =	vst v63  }
0x49: {  	_ =	swait.ge [sflag:s21], $0x80  }
0x4a: {  	[sflag:s21] =	ssyncset.done $0x0  }
0x4b: {  	s9 =	sadd.s32 $0x0, s17;
	[sflag:s21] =	ssyncadd.s32 $0xFFFFFF80  }
0x4c: {  	[tilespmem:s25], [sflag:$0x3] =	stream.linear.gather [hbm4b:s9+s3], $0x80, $0x38;
	[tilespmem:$0x1C200] =	vst v63  }
0x4d: {  	_ =	swait.ge [sflag:s21], $0x80  }
0x4e: {  	[sflag:s21] =	ssyncset.done $0x0  }
0x4f: {  	s31 =	simm.s32 $0x20;
	s0 =	sadd.s32 $0x100, s19;
	[sflag:s21] =	ssyncadd.s32 $0xFFFFFF80  }
.LBB2_2:
0x50: {  	[tilespmem:s26], [sflag:$0x2] =	stream.indirect.gather [hbm4b:s4+s22], $0x80, s24, s22, $0xb8;
	[tilespmem:$0x1C200] =	vst v63  }
0x51: {  	s1 =	smov.u32 s31  }
0x52: {  	p0 =	sne.s32 s31, $0x4A0;
	s31 =	sadd.s32 $0x20, s31;
	_ =	swait.ge [sflag:s28], $0x4000  }
0x53: {  	[sflag:s28] =	ssyncset.done $0x0  }
0x54: {  	[sflag:s28] =	ssyncadd.s32 $0xFFFFC000  }
0x55: {  	[spmem:s2] =	stream.indirect.scatter.add.f32 [tilespmem:s23], [sflag:$0x3], $0x80, s22, s22, $0xb8;
	[tilespmem:$0x1C200] =	vst v63  }
0x56: {  	_ =	swait.ge [sflag:s21], $0x4000  }
0x57: {  	s7 =	sshrl.u32 s0, $0x3;
	[sflag:s21] =	ssyncset.done $0x0  }
0x58: {  	s9 =	sadd.s32 s5, s7;
	[sflag:s21] =	ssyncadd.s32 $0xFFFFC000  }
0x59: {  	[tilespmem:s3], [sflag:$0x3] =	stream.linear.gather [hbm4b:s9+s3], $0x80, $0x38;
	[tilespmem:$0x1C200] =	vst v63  }
0x5a: {  	_ =	swait.ge [sflag:s21], $0x80  }
0x5b: {  	[sflag:s21] =	ssyncset.done $0x0  }
0x5c: {  	s7 =	sadd.s32 s6, s7;
	[sflag:s21] =	ssyncadd.s32 $0xFFFFFF80  }
0x5d: {  	[tilespmem:s22], [sflag:$0x3] =	stream.linear.gather [hbm4b:s7+s3], $0x80, $0x38;
	[tilespmem:$0x1C200] =	vst v63  }
0x5e: {  	_ =	swait.ge [sflag:s21], $0x80  }
0x5f: {  	[sflag:s21] =	ssyncset.done $0x0  }
0x60: {  	[sflag:s21] =	ssyncadd.s32 $0xFFFFFF80  }
0x61: {  	[tilespmem:s23], [sflag:$0x1] =	stream.indirect.gather [hbm4b:s4+s22], $0x80, s3, s22, $0xb8;
	[tilespmem:$0x1C200] =	vst v63  }
0x62: {  	_ =	swait.ge [sflag:s29], $0x4000  }
0x63: {  	[sflag:s29] =	ssyncset.done $0x0  }
0x64: {  	[sflag:s29] =	ssyncadd.s32 $0xFFFFC000  }
0x65: {  	[spmem:s2] =	stream.indirect.scatter.add.f32 [tilespmem:s26], [sflag:$0x3], $0x80, s25, s22, $0xb8;
	[tilespmem:$0x1C200] =	vst v63  }
0x66: {  	_ =	swait.ge [sflag:s21], $0x4000  }
0x67: {  	[sflag:s21] =	ssyncset.done $0x0  }
0x68: {  	s7 =	sadd.s32 s1, s18;
	[sflag:s21] =	ssyncadd.s32 $0xFFFFC000  }
0x69: {  	[tilespmem:s24], [sflag:$0x3] =	stream.linear.gather [hbm4b:s7+s3], $0x80, $0x38;
	[tilespmem:$0x1C200] =	vst v63  }
0x6a: {  	_ =	swait.ge [sflag:s21], $0x80  }
0x6b: {  	[sflag:s21] =	ssyncset.done $0x0  }
.Ltmp0:
0x6c: {  	s1 =	sadd.s32 s1, s17;
	[sflag:s21] =	ssyncadd.s32 $0xFFFFFF80;
	(pc) =	sbr.rel @p0 .LBB2_2-.Ltmp0, $4  }
0x6d: {  	[tilespmem:s25], [sflag:$0x3] =	stream.linear.gather [hbm4b:s1+s3], $0x80, $0x38;
	[tilespmem:$0x1C200] =	vst v63  }
0x6e: {  	_ =	swait.ge [sflag:s21], $0x80  }
0x6f: {  	[sflag:s21] =	ssyncset.done $0x0  }
0x70: {  	s0 =	sadd.s32 $0x100, s0;
	[sflag:s21] =	ssyncadd.s32 $0xFFFFFF80  }
0x71: {  	[tilespmem:s26], [sflag:$0x2] =	stream.indirect.gather [hbm4b:s4+s22], $0x80, s24, s22, $0xb8;
	[tilespmem:$0x1C200] =	vst v63  }
0x72: {  	_ =	swait.ge [sflag:s28], $0x4000  }
0x73: {  	[sflag:s28] =	ssyncset.done $0x0  }
0x74: {  	[sflag:s28] =	ssyncadd.s32 $0xFFFFC000  }
0x75: {  	[spmem:s2] =	stream.indirect.scatter.add.f32 [tilespmem:s23], [sflag:$0x3], $0x80, s22, s22, $0xb8;
	[tilespmem:$0x1C200] =	vst v63  }
0x76: {  	_ =	swait.ge [sflag:s21], $0x4000  }
0x77: {  	[sflag:s21] =	ssyncset.done $0x0  }
0x78: {  	[sflag:s21] =	ssyncadd.s32 $0xFFFFC000  }
0x79: {  	[tilespmem:s3], [sflag:$0x3] =	stream.linear.gather [hbm4b:s13+s3], $0x80, $0x38;
	[tilespmem:$0x1C200] =	vst v63  }
0x7a: {  	_ =	swait.ge [sflag:s21], $0x80  }
0x7b: {  	[sflag:s21] =	ssyncset.done $0x0  }
0x7c: {  	[sflag:s21] =	ssyncadd.s32 $0xFFFFFF80  }
0x7d: {  	[tilespmem:s22], [sflag:$0x3] =	stream.linear.gather [hbm4b:s14+s3], $0x80, $0x38;
	[tilespmem:$0x1C200] =	vst v63  }
0x7e: {  	_ =	swait.ge [sflag:s21], $0x80  }
0x7f: {  	[sflag:s21] =	ssyncset.done $0x0  }
0x80: {  	[sflag:s21] =	ssyncadd.s32 $0xFFFFFF80  }
0x81: {  	[tilespmem:s23], [sflag:$0x1] =	stream.indirect.gather [hbm4b:s4+s22], $0x80, s3, s22, $0xb8;
	[tilespmem:$0x1C200] =	vst v63  }
0x82: {  	_ =	swait.ge [sflag:s29], $0x4000  }
0x83: {  	[sflag:s29] =	ssyncset.done $0x0  }
0x84: {  	[sflag:s29] =	ssyncadd.s32 $0xFFFFC000  }
0x85: {  	[spmem:s2] =	stream.indirect.scatter.add.f32 [tilespmem:s26], [sflag:$0x3], $0x80, s25, s22, $0xb8;
	[tilespmem:$0x1C200] =	vst v63  }
0x86: {  	_ =	swait.ge [sflag:s21], $0x4000  }
0x87: {  	[sflag:s21] =	ssyncset.done $0x0  }
0x88: {  	[sflag:s21] =	ssyncadd.s32 $0xFFFFC000  }
0x89: {  	_ =	swait.ge [sflag:s28], $0x4000  }
0x8a: {  	[sflag:s28] =	ssyncset.done $0x0  }
0x8b: {  	[sflag:s28] =	ssyncadd.s32 $0xFFFFC000  }
0x8c: {  	[spmem:s2] =	stream.indirect.scatter.add.f32 [tilespmem:s23], [sflag:$0x3], $0x80, s22, s22, $0xb8;
	[tilespmem:$0x1C200] =	vst v63  }
0x8d: {  	_ =	swait.ge [sflag:s21], $0x4000  }
0x8e: {  	[sflag:s21] =	ssyncset.done $0x0  }
0x8f: {  	[sflag:s21] =	ssyncadd.s32 $0xFFFFC000  }
0x90: {  	[bflag:$0x0] =	sbarrier.arrive $0xFFFF  }
0x91: {  	[hbm:s15], [sflag:s8] =	dma.local [spmem:s20], $0x2800  }
0x92: {  	s30 =	sadd.s32 $0x1, s30;
	_ =	swait.ge [sflag:s21], $0x2800  }
0x93: {  	p0 =	sne.s32 s30, s16;
	[sflag:s21] =	ssyncset.done $0x0  }
.Ltmp1:
0x94: {  	[sflag:s21] =	ssyncadd.s32 $0xFFFFD800;
	(pc) =	sbr.rel @p0 .LBB2_1-.Ltmp1, $4  }
0x95: {  	[hbm:s15], [sflag:s8] =	dma.local [spmem:s20], $0x2800  }
0x96: {  	_ =	swait.ge [sflag:s21], $0x2800  }
0x97: {  	[sflag:s21] =	ssyncset.done $0x0  }
0x98: {  	[sflag:s21] =	ssyncadd.s32 $0xFFFFD800  }
0x99: {  	_ =	sfence.sel $0x180000  }
0x9a: {  	[bflag:$0x0] =	sbarrier.arrive $0xFFFF  }
0x9b: {  	_ =	strace $0x9000004A  }
0x9c: {  	s0 =	stileid.u32;
	[bflag:$0x2] =	sbarrier.arrive $0xFFFF  }
0x9d: {  	p0 =	sne.s32 s0, $0x0;
	s0 =	rddreg [dreg:$0x2]  }
0x9e: {  	s0 =	sadd.s32 @!p0 $0x100000, s0  }
0x9f: {  	[sflag:s0] =	ssyncadd.tile.s32 @!p0 $0x1;
	_ =	shalt  }
.Lfunc_end2:
_tile_overlayer_lowered:
.L_overlay_start_2:
0xa0: {  	(tag) =	ssettag $0x2  }
0xa1: {  	s0 =	rddreg [dreg:$0x0];
	s2 =	stileid.u32  }
0xa2: {  	s1 =	rddreg [dreg:$0x1];
	p0 =	sne.s32 s2, $0x0  }
0xa3: {  	s3 =	rddreg [dreg:$0x2];
	[bflag:$0x3] =	sbarrier.arrive $0xFFFF;
	s2 =	simm.s32 @!p0 $0x1C03  }
0xa4: {  	[timem:s3], [sflag:s2] =	dma.local @!p0 [hbm:s0], s1  }
0xa5: {  	s0 =	simm.s32 @!p0 $0x3  }
0xa6: {  	_ =	swait.ge @!p0 [sflag:s0], s1  }
0xa7: {  	s1 =	ssub.s32 @!p0 $0x0, s1;
	[sflag:s0] =	ssyncset.done @!p0 $0x0  }
0xa8: {  	[sflag:s0] =	ssyncadd.s32 @!p0 s1  }
0xa9: {  	[bflag:$0x3] =	sbarrier.arrive $0xFFFF  }
0xaa: {  	_ =	shalt  }

// kernel: kernel.18.cloned.1.call-start
scs
__scs_entry_jumppad:
0x0: {  	(pc) =	sbr.rel $0x88, $3  }
0x1: {  	(tag) =	ssettag $0x0;
	lr =	simm.s32 $0x1  }
0x2: {  	[smem:$0x3F97] =	sst lr;
	_ =	strace $0xD0000000  }
0x3: {  	_ = 	snop  }
0x4: {  	_ = 	snop  }
0x5: {  	_ = 	snop  }
0x6: {  	_ = 	snop  }
0x7: {  	_ = 	snop  }
__scs_overlays_trampoline_lowered:
0x8: {  	[smem:$0x3FA6] =	sst s0  }
0x9: {  	[smem:$0x3FA7] =	sst s1  }
0xa: {  	[smem:$0x3FA8] =	sst s2  }
0xb: {  	[smem:$0x3FA9] =	sst s3  }
0xc: {  	[smem:$0x3FAA] =	sst s4  }
0xd: {  	[smem:$0x3FAB] =	sst s5  }
0xe: {  	[smem:$0x3FAC] =	sst s6  }
0xf: {  	[smem:$0x3FAD] =	sst s7  }
0x10: {  	[smem:$0x3FAE] =	sst s8  }
0x11: {  	[smem:$0x3FAF] =	sst s9;
	s0 =	simm.s32 @!p0 $0x0  }
0x12: {  	s1 =	sld [smem:$0x3F95];
	s0 =	simm.s32 @p0 $0x1  }
0x13: {  	[smem:$0x3FB0] =	sst s0;
	s0 =	simm.s32 @!p1 $0x0  }
0x14: {  	s2 =	sld [smem:$0x3F94];
	s0 =	simm.s32 @p1 $0x1  }
0x15: {  	[smem:$0x3FB1] =	sst s0;
	s0 =	simm.s32 @!p2 $0x0  }
0x16: {  	s3 =	sld [smem:$0x3FDB];
	s0 =	simm.s32 @p2 $0x1  }
0x17: {  	s4 =	simm.s32 $0x1BF5;
	[smem:$0x3FB3] =	sst s0  }
0x18: {  	s0 =	sld [smem:$0x3F96];
	_ =	swait.ge [sflag:s4], $0x0  }
0x19: {  	s7 =	sld [smem:$0x3F97]  }
0x1a: {  	s8 =	sadd.s32 $0xFFFFE003, lr  }
0x1b: {  	s9 =	sadd.s32 $0xFFFFFEF7, lr;
	s5 =	simm.s32 $0xFFFFFFFF;
	p2 =	slt.u32 s8, $0xFFFFF086  }
0x1c: {  	p1 =	slt.u32 s9, $0xF7A;
	s5 =	simm.s32 @!p2 $0x0  }
0x1d: {  	s5 =	simm.s32 @p1 $0x1;
	p0 =	seq.s32 s7, s2  }
0x1e: {  	s7 =	smul.u32 @!p0 $0xF7A, s2;
	p2 =	seq.s32 @!p0 s5, $0x0  }
0x1f: {  	s9 =	smul.u32 $0xF7A, s1;
	s8 =	simm.s32 @!p0 $0x1BF5;
	p2 =	por !p2, p0  }
0x20: {  	[sflag:s8] =	ssyncset.s32 @!p0 $0xFFFFF086;
	s6 =	sadd.s32 @!p0 s3, s7;
	s7 =	simm.s32 @!p0 $0x108  }
0x21: {  	s3 =	sadd.s32 s3, s9;
	s6 =	sadd.s32 @!p0 $0x88, s6;
	s7 =	simm.s32 @p2 $0x1082  }
0x22: {  	[simem:s7], [sflag:s8] =	dma.local @!p0 [hbm:s6], $0xF7A  }
0x23: {  	s9 =	sor.u32 $0xD0000000, s2;
	s6 =	simm.s32 $0x108;
	_ =	swait.ge @!p0 [sflag:s8], $0x0  }
0x24: {  	s3 =	sadd.s32 $0x88, s3;
	s6 =	simm.s32 @!p1 $0x1082;
	[sflag:s4] =	ssyncset.s32 $0xFFFFF086  }
0x25: {  	[simem:s6], [sflag:s4] =	dma.local [hbm:s3], $0xF7A  }
0x26: {  	[smem:$0x3F97] =	sst s1;
	(tag) =	ssettag s2;
	_ =	strace s9  }
0x27: {  	s1 =	sld [smem:$0x3FA7]  }
0x28: {  	s2 =	sld [smem:$0x3FA8]  }
0x29: {  	s4 =	sld [smem:$0x3FAA]  }
0x2a: {  	p0 =	seq.s32 s5, $0x0;
	s5 =	sld [smem:$0x3FAB]  }
0x2b: {  	s6 =	sld [smem:$0x3FAC]  }
0x2c: {  	s7 =	sld [smem:$0x3FAD]  }
0x2d: {  	s3 =	simm.s32 $0x108;
	s8 =	sld [smem:$0x3FAE]  }
0x2e: {  	s3 =	simm.s32 @!p0 $0x1082;
	s9 =	sld [smem:$0x3FAF]  }
0x2f: {  	lr =	sadd.s32 s0, s3;
	s0 =	sld [smem:$0x3FA6]  }
0x30: {  	s3 =	sld [smem:$0x3FA9]  }
0x31: {  	[smem:$0x3FB2] =	sst s10  }
0x32: {  	s10 =	sld [smem:$0x3FB0];
	_ =	sdelay $0x3  }
0x33: {  	p0 =	seq.s32 s10, $0x1;
	s10 =	sld [smem:$0x3FB2];
	_ =	sdelay $0x3  }
0x34: {  	[smem:$0x3FB2] =	sst s10  }
0x35: {  	s10 =	sld [smem:$0x3FB1];
	_ =	sdelay $0x3  }
0x36: {  	p1 =	seq.s32 s10, $0x1;
	s10 =	sld [smem:$0x3FB2];
	_ =	sdelay $0x3  }
0x37: {  	[smem:$0x3FB2] =	sst s10  }
0x38: {  	s10 =	sld [smem:$0x3FB3]  }
0x39: {  	_ = 	snop;
	(pc) =	sbr.ind lr, $3  }
0x3a: {  	_ = 	snop  }
0x3b: {  	_ = 	snop  }
0x3c: {  	p2 =	seq.s32 s10, $0x1;
	s10 =	sld [smem:$0x3FB2]  }
0x3d: {  	_ =	shalt  }
0x3e: {  	_ =	shalt  }
0x3f: {  	_ =	shalt  }
0x40: {  	_ =	shalt  }
0x41: {  	_ =	shalt  }
0x42: {  	_ =	shalt  }
0x43: {  	_ =	shalt  }
0x44: {  	_ =	shalt  }
0x45: {  	_ =	shalt  }
0x46: {  	_ =	shalt  }
0x47: {  	_ =	shalt  }
0x48: {  	_ =	shalt  }
0x49: {  	_ =	shalt  }
0x4a: {  	_ =	shalt  }
0x4b: {  	_ =	shalt  }
0x4c: {  	_ =	shalt  }
0x4d: {  	_ =	shalt  }
0x4e: {  	_ =	shalt  }
0x4f: {  	_ =	shalt  }
0x50: {  	_ =	shalt  }
0x51: {  	_ =	shalt  }
0x52: {  	_ =	shalt  }
0x53: {  	_ =	shalt  }
0x54: {  	_ =	shalt  }
0x55: {  	_ =	shalt  }
0x56: {  	_ =	shalt  }
0x57: {  	_ =	shalt  }
0x58: {  	_ =	shalt  }
0x59: {  	_ =	shalt  }
0x5a: {  	_ =	shalt  }
0x5b: {  	_ =	shalt  }
0x5c: {  	_ =	shalt  }
0x5d: {  	_ =	shalt  }
0x5e: {  	_ =	shalt  }
0x5f: {  	_ =	shalt  }
0x60: {  	_ =	shalt  }
0x61: {  	_ =	shalt  }
0x62: {  	_ =	shalt  }
0x63: {  	_ =	shalt  }
0x64: {  	_ =	shalt  }
0x65: {  	_ =	shalt  }
0x66: {  	_ =	shalt  }
0x67: {  	_ =	shalt  }
0x68: {  	_ =	shalt  }
0x69: {  	_ =	shalt  }
0x6a: {  	_ =	shalt  }
0x6b: {  	_ =	shalt  }
0x6c: {  	_ =	shalt  }
0x6d: {  	_ =	shalt  }
0x6e: {  	_ =	shalt  }
0x6f: {  	_ =	shalt  }
0x70: {  	_ =	shalt  }
0x71: {  	_ =	shalt  }
0x72: {  	_ =	shalt  }
0x73: {  	_ =	shalt  }
0x74: {  	_ =	shalt  }
0x75: {  	_ =	shalt  }
0x76: {  	_ =	shalt  }
0x77: {  	_ =	shalt  }
0x78: {  	_ =	shalt  }
0x79: {  	_ =	shalt  }
0x7a: {  	_ =	shalt  }
0x7b: {  	_ =	shalt  }
0x7c: {  	_ =	shalt  }
0x7d: {  	_ =	shalt  }
0x7e: {  	_ =	shalt  }
0x7f: {  	_ =	shalt  }
0x80: {  	_ =	shalt  }
0x81: {  	_ =	shalt  }
0x82: {  	_ =	shalt  }
0x83: {  	_ =	shalt  }
0x84: {  	_ =	shalt  }
0x85: {  	_ =	shalt  }
0x86: {  	_ =	shalt  }
0x87: {  	_ =	shalt  }
.Lfunc_end0:
.L_simem_size_0:
called_computation.2_lowered:
.L_overlay_start_0:
0x88: {  	s2 =	sld [smem:$0x3FD9]  }
0x89: {  	s3 =	sld [smem:$0x3FFE];
	_ =	sdelay $0x1  }
0x8a: {  	s1 =	srdreg.scid  }
0x8b: {  	s0 =	sand.u32 $0x1, s1  }
0x8c: {  	s16 =	sshll.u32 s0, $0xA;
	s2 =	sadd.s32 s3, s2  }
0x8d: {  	s2 =	sadd.s32 s2, s16  }
0x8e: {  	[smem:$0x3FBE] =	sst s2  }
0x8f: {  	_ = 	snop  }
0x90: {  	(tm) =	ssettm $0x1  }
0x91: {  	s17 =	sld [smem:$0x3FFB];
	_ =	sdelay $0x3  }
0x92: {  	_ =	strace s17  }
0x93: {  	s2 =	sld [smem:$0x3FFC];
	_ =	sdelay $0x3  }
0x94: {  	_ =	strace s2  }
0x95: {  	s2 =	sld [smem:$0x3FFD];
	_ =	sdelay $0x3  }
0x96: {  	_ =	strace s2  }
0x97: {  	_ =	strace $0x8FFFFFFF  }
0x98: {  	s18 =	sld [smem:$0x3FDB];
	_ =	sdelay $0x1  }
0x99: {  	s19 =	simm.s32 $_scs_section_size  }
0x9a: {  	s4 =	simm.s32 $_size__tile_overlayer_lowered;
	s5 =	simm.s32 $_tile_overlayer_lowered  }
0x9b: {  	s22 =	simm.s32 $0x1BFF;
	s21 =	sshll.u32 s5, $0x1;
	s2 =	sadd.s32 s19, s18  }
0x9c: {  	s6 =	simm.s32 $0x0;
	s20 =	sshll.u32 s4, $0x1;
	s4 =	sadd.s32 s21, s2  }
0x9d: {  	[timem:s6], [sflag:s22] =	dma.local [hbm:s4], s20  }
0x9e: {  	_ =	swait.ge [sflag:s22], s20  }
0x9f: {  	s3 =	ssub.s32 $0x0, s20;
	[sflag:s22] =	ssyncset.done $0x0  }
0xa0: {  	[sflag:s22] =	ssyncadd.s32 s3;
	_ =	sdelay $0x1  }
0xa1: {  	s23 =	simm.s32 $0x1B8B  }
0xa2: {  	_ =	swait.ge [sflag:s23], $0x1  }
0xa3: {  	[sflag:s23] =	ssyncset.done $0x0  }
0xa4: {  	s25 =	simm.s32 $0x1B8E;
	s24 =	sld [smem:$0x3FFE];
	[sflag:s23] =	ssyncadd.s32 $0xFFFFFFFF  }
0xa5: {  	s26 =	simm.s32 $execute0_lowered;
	[smem:$0x3FD2] =	sst s25  }
0xa6: {  	s4 =	sshll.u32 s26, $0x1;
	_ =	strace $0x8000004C;
	[dreg:$0x1] =	wrdreg $0xFFFFFFFF  }
0xa7: {  	s28 =	simm.s32 $_size_execute0_lowered;
	s2 =	sadd.s32 s2, s4;
	[dreg:$0x0] =	wrdreg $0x0  }
0xa8: {  	s4 =	sshll.u32 s28, $0x1;
	[dreg:$0x2] =	wrdreg s2  }
0xa9: {  	[dreg:$0x3] =	wrdreg s4  }
0xaa: {  	[dreg:$0x4] =	wrdreg $0xC0  }
0xab: {  	_ =	task [dreg:s6], $0x5FFFF  }
0xac: {  	[dreg:$0x1] =	wrdreg $0xFFFFFFFF  }
0xad: {  	[dreg:$0x0] =	wrdreg $0x60  }
0xae: {  	[dreg:$0x2] =	wrdreg s24  }
0xaf: {  	[dreg:$0x3] =	wrdreg $0x82000  }
0xb0: {  	[dreg:$0x4] =	wrdreg $0x9  }
0xb1: {  	_ =	task.clear_ibuf [dreg:s6], $0x5FFFF;
	_ =	strace $0x9000004C  }
0xb2: {  	s29 =	simm.s32 $0x9;
	_ =	strace $0x8000004E  }
0xb3: {  	_ =	swait.ge [sflag:s29], $0x1  }
0xb4: {  	[sflag:s29] =	ssyncadd.s32 $0xFFFFFFFF  }
0xb5: {  	_ =	strace $0x9000004E  }
0xb6: {  	_ =	sfence  }
0xb7: {  	s30 =	sld [smem:$0x0];
	_ =	sdelay $0x2  }
0xb8: {  	s31 =	sshll.u32 s1, $0xD;
	s1 =	sshrl.u32 s1, $0x2  }
0xb9: {  	s3 =	sand.u32 $0x4000, s31;
	s1 =	sadd.s32 s1, s30  }
0xba: {  	s0 =	sor.u32 s3, s0;
	s1 =	sshll.u32 s1, $0x11  }
0xbb: {  	s0 =	sor.u32 s1, s0  }
0xbc: {  	s0 =	sadd.s32 $0x8F2B, s0  }
0xbd: {  	[sflag:s0] =	ssyncadd.remote.s32 $0x1  }
0xbe: {  	_ =	sfence.sel $0xFFFF  }
0xbf: {  	[dreg:$0x0] =	wrdreg $0xFFFFFFFF;
	(pc) =	sbr.abs _section_cstart, $3  }
0xc0: {  	[dreg:$0x1] =	wrdreg $0xFFFFFFFF  }
0xc1: {  	_ =	task.clear_ibuf [dreg:s6], $0x2FFFF;
	_ =	strace $0x9FFFFFFF  }
0xc2: {  	(tm) =	ssettm $0x7FFFFFFF  }
0xc3: {  	_ =	shalt  }
tec
execute0_lowered:
.L_overlay_start_1:
0x0: {  	(tag) =	ssettag $0x1  }
0x1: {  	s0 =	rddreg [dreg:$0x0]  }
0x2: {  	s2 =	rddreg [dreg:$0x1]  }
0x3: {  	s1 =	stileid.u32;
	s4 =	srdreg.scid  }
0x4: {  	s3 =	simm.s32 $0x0;
	s28 =	simm.s32 $0x1;
	s29 =	simm.s32 $0x2  }
0x5: {  	s30 =	simm.s32 $0x0;
	s6 =	smul.u32 $0x14000, s1;
	s8 =	sand.u32 $0x1, s4  }
0x6: {  	[smem:$0x7FF] =	sst s3;
	s4 =	sadd.s32 $0x17400, s0;
	s12 =	smul.u32 $0x50000, s1  }
0x7: {  	s5 =	sadd.s32 $0xD600, s0;
	s24 =	sshll.u32 s1, $0x6;
	s14 =	smul.u32 $0x2780, s1  }
0x8: {  	s7 =	smul.u32 $0x140000, s8;
	_ =	strace $0x8000004D;
	s10 =	ssub.s32 $0x2, s8  }
0x9: {  	s11 =	sshll.u32 s8, $0x4;
	s23 =	smul.u32 $0x27800, s8;
	s8 =	sor.u32 $0x1C03, s24  }
0xa: {  	s24 =	simm.s32 $0x100;
	s9 =	sshrl.u32 s6, $0x3;
	s18 =	sshrl.u32 s10, $0x1  }
0xb: {  	s11 =	sor.u32 s1, s11;
	s21 =	sshrl.u32 s12, $0x2;
	s7 =	sadd.s32 s6, s7  }
0xc: {  	s6 =	sadd.s32 $0x3200, s0;
	s9 =	sadd.s32 s9, s0;
	s16 =	ssub.s32 s10, s18  }
0xd: {  	s19 =	smul.u32 $0x2780, s11;
	s20 =	sadd.s32 s21, s2;
	s21 =	simm.s32 $0x3  }
0xe: {  	s7 =	sshrl.u32 s7, $0x3;
	s22 =	sadd.s32 $0x3F400, s9;
	s16 =	smax.u32 s16, $0x1  }
0xf: {  	s20 =	sshrl.u32 s20, $0x3;
	s0 =	sadd.s32 s7, s0;
	[dreg:$0x3] =	wrdreg s22  }
0x10: {  	s13 =	sshrl.u32 s19, $0x3;
	s19 =	sadd.s32 s14, s23;
	s22 =	simm.s32 $0x80  }
0x11: {  	s23 =	simm.s32 $0x200;
	s25 =	sadd.s32 s5, s13;
	s15 =	sadd.s32 $0x10, s13  }
0x12: {  	s10 =	sadd.s32 s6, s13;
	s26 =	sadd.s32 $0x4E0, s13;
	s31 =	sadd.s32 $0x180, s19  }
0x13: {  	s19 =	sadd.s32 $0x100, s19;
	[dreg:$0x4] =	wrdreg s25;
	s11 =	sadd.s32 s5, s15  }
0x14: {  	s12 =	sadd.s32 s6, s15;
	s13 =	sadd.s32 s5, s26;
	s14 =	sadd.s32 s6, s26  }
0x15: {  	s18 =	sshrl.u32 s31, $0x3;
	s15 =	sadd.s32 $0x67400, s0;
	s25 =	simm.s32 $0x180  }
0x16: {  	s26 =	simm.s32 $0x4200;
	s17 =	sadd.s32 s18, s6;
	s18 =	sadd.s32 s18, s5  }
.LBB2_1:
0x17: {  	s0 =	rddreg [dreg:$0x3]  }
0x18: {  	[spmem:s20], [sflag:s8] =	dma.local [hbm:s0], $0x2800  }
0x19: {  	_ =	swait.ge [sflag:s21], $0x2800  }
0x1a: {  	[sflag:s21] =	ssyncset.done $0x0  }
0x1b: {  	[sflag:s21] =	ssyncadd.s32 $0xFFFFD800  }
0x1c: {  	[bflag:$0x0] =	sbarrier.arrive $0xFFFF  }
0x1d: {  	s9 =	rddreg [dreg:$0x4]  }
0x1e: {  	[tilespmem:s3], [sflag:$0x3] =	stream.linear.gather [hbm4b:s9+s3], $0x80, $0x38;
	[tilespmem:$0x1C200] =	vst v63  }
0x1f: {  	_ =	swait.ge [sflag:s21], $0x80  }
0x20: {  	[sflag:s21] =	ssyncset.done $0x0  }
0x21: {  	[sflag:s21] =	ssyncadd.s32 $0xFFFFFF80  }
0x22: {  	[tilespmem:s22], [sflag:$0x3] =	stream.linear.gather [hbm4b:s10+s3], $0x80, $0x38;
	[tilespmem:$0x1C200] =	vst v63  }
0x23: {  	_ =	swait.ge [sflag:s21], $0x80  }
0x24: {  	[sflag:s21] =	ssyncset.done $0x0  }
0x25: {  	[sflag:s21] =	ssyncadd.s32 $0xFFFFFF80  }
0x26: {  	[tilespmem:s23], [sflag:$0x1] =	stream.indirect.gather [hbm4b:s4+s22], $0x80, s3, s22, $0xb8;
	[tilespmem:$0x1C200] =	vst v63  }
0x27: {  	_ = 	snop  }
0x28: {  	[tilespmem:s24], [sflag:$0x3] =	stream.linear.gather [hbm4b:s11+s3], $0x80, $0x38;
	[tilespmem:$0x1C200] =	vst v63  }
0x29: {  	_ =	swait.ge [sflag:s21], $0x80  }
0x2a: {  	[sflag:s21] =	ssyncset.done $0x0  }
0x2b: {  	[sflag:s21] =	ssyncadd.s32 $0xFFFFFF80  }
0x2c: {  	[tilespmem:s25], [sflag:$0x3] =	stream.linear.gather [hbm4b:s12+s3], $0x80, $0x38;
	[tilespmem:$0x1C200] =	vst v63  }
0x2d: {  	_ =	swait.ge [sflag:s21], $0x80  }
0x2e: {  	[sflag:s21] =	ssyncset.done $0x0  }
0x2f: {  	[sflag:s21] =	ssyncadd.s32 $0xFFFFFF80  }
0x30: {  	[tilespmem:s26], [sflag:$0x2] =	stream.indirect.gather [hbm4b:s4+s22], $0x80, s24, s22, $0xb8;
	[tilespmem:$0x1C200] =	vst v63  }
0x31: {  	_ =	swait.ge [sflag:s28], $0x4000  }
0x32: {  	[sflag:s28] =	ssyncset.done $0x0  }
0x33: {  	[sflag:s28] =	ssyncadd.s32 $0xFFFFC000  }
0x34: {  	[spmem:s2] =	stream.indirect.scatter.add.f32 [tilespmem:s23], [sflag:$0x3], $0x80, s22, s22, $0xb8;
	[tilespmem:$0x1C200] =	vst v63  }
0x35: {  	_ =	swait.ge [sflag:s21], $0x4000  }
0x36: {  	s1 =	sshrl.u32 s19, $0x3;
	[sflag:s21] =	ssyncset.done $0x0  }
0x37: {  	s31 =	sadd.s32 s5, s1;
	[sflag:s21] =	ssyncadd.s32 $0xFFFFC000  }
0x38: {  	[tilespmem:s3], [sflag:$0x3] =	stream.linear.gather [hbm4b:s31+s3], $0x80, $0x38;
	[tilespmem:$0x1C200] =	vst v63  }
0x39: {  	_ =	swait.ge [sflag:s21], $0x80  }
0x3a: {  	[sflag:s21] =	ssyncset.done $0x0  }
0x3b: {  	s0 =	sadd.s32 s6, s1;
	[sflag:s21] =	ssyncadd.s32 $0xFFFFFF80  }
0x3c: {  	[tilespmem:s22], [sflag:$0x3] =	stream.linear.gather [hbm4b:s0+s3], $0x80, $0x38;
	[tilespmem:$0x1C200] =	vst v63  }
0x3d: {  	_ =	swait.ge [sflag:s21], $0x80  }
0x3e: {  	[sflag:s21] =	ssyncset.done $0x0  }
0x3f: {  	[sflag:s21] =	ssyncadd.s32 $0xFFFFFF80  }
0x40: {  	[tilespmem:s23], [sflag:$0x1] =	stream.indirect.gather [hbm4b:s4+s22], $0x80, s3, s22, $0xb8;
	[tilespmem:$0x1C200] =	vst v63  }
0x41: {  	_ =	swait.ge [sflag:s29], $0x4000  }
0x42: {  	[sflag:s29] =	ssyncset.done $0x0  }
0x43: {  	[sflag:s29] =	ssyncadd.s32 $0xFFFFC000  }
0x44: {  	[spmem:s2] =	stream.indirect.scatter.add.f32 [tilespmem:s26], [sflag:$0x3], $0x80, s25, s22, $0xb8;
	[tilespmem:$0x1C200] =	vst v63  }
0x45: {  	_ =	swait.ge [sflag:s21], $0x4000  }
0x46: {  	[sflag:s21] =	ssyncset.done $0x0  }
0x47: {  	s7 =	sadd.s32 $0x0, s18;
	[sflag:s21] =	ssyncadd.s32 $0xFFFFC000  }
0x48: {  	[tilespmem:s24], [sflag:$0x3] =	stream.linear.gather [hbm4b:s7+s3], $0x80, $0x38;
	[tilespmem:$0x1C200] =	vst v63  }
0x49: {  	_ =	swait.ge [sflag:s21], $0x80  }
0x4a: {  	[sflag:s21] =	ssyncset.done $0x0  }
0x4b: {  	s9 =	sadd.s32 $0x0, s17;
	[sflag:s21] =	ssyncadd.s32 $0xFFFFFF80  }
0x4c: {  	[tilespmem:s25], [sflag:$0x3] =	stream.linear.gather [hbm4b:s9+s3], $0x80, $0x38;
	[tilespmem:$0x1C200] =	vst v63  }
0x4d: {  	_ =	swait.ge [sflag:s21], $0x80  }
0x4e: {  	[sflag:s21] =	ssyncset.done $0x0  }
0x4f: {  	s31 =	simm.s32 $0x20;
	s0 =	sadd.s32 $0x100, s19;
	[sflag:s21] =	ssyncadd.s32 $0xFFFFFF80  }
.LBB2_2:
0x50: {  	[tilespmem:s26], [sflag:$0x2] =	stream.indirect.gather [hbm4b:s4+s22], $0x80, s24, s22, $0xb8;
	[tilespmem:$0x1C200] =	vst v63  }
0x51: {  	s1 =	smov.u32 s31  }
0x52: {  	p0 =	sne.s32 s31, $0x4A0;
	s31 =	sadd.s32 $0x20, s31;
	_ =	swait.ge [sflag:s28], $0x4000  }
0x53: {  	[sflag:s28] =	ssyncset.done $0x0  }
0x54: {  	[sflag:s28] =	ssyncadd.s32 $0xFFFFC000  }
0x55: {  	[spmem:s2] =	stream.indirect.scatter.add.f32 [tilespmem:s23], [sflag:$0x3], $0x80, s22, s22, $0xb8;
	[tilespmem:$0x1C200] =	vst v63  }
0x56: {  	_ =	swait.ge [sflag:s21], $0x4000  }
0x57: {  	s7 =	sshrl.u32 s0, $0x3;
	[sflag:s21] =	ssyncset.done $0x0  }
0x58: {  	s9 =	sadd.s32 s5, s7;
	[sflag:s21] =	ssyncadd.s32 $0xFFFFC000  }
0x59: {  	[tilespmem:s3], [sflag:$0x3] =	stream.linear.gather [hbm4b:s9+s3], $0x80, $0x38;
	[tilespmem:$0x1C200] =	vst v63  }
0x5a: {  	_ =	swait.ge [sflag:s21], $0x80  }
0x5b: {  	[sflag:s21] =	ssyncset.done $0x0  }
0x5c: {  	s7 =	sadd.s32 s6, s7;
	[sflag:s21] =	ssyncadd.s32 $0xFFFFFF80  }
0x5d: {  	[tilespmem:s22], [sflag:$0x3] =	stream.linear.gather [hbm4b:s7+s3], $0x80, $0x38;
	[tilespmem:$0x1C200] =	vst v63  }
0x5e: {  	_ =	swait.ge [sflag:s21], $0x80  }
0x5f: {  	[sflag:s21] =	ssyncset.done $0x0  }
0x60: {  	[sflag:s21] =	ssyncadd.s32 $0xFFFFFF80  }
0x61: {  	[tilespmem:s23], [sflag:$0x1] =	stream.indirect.gather [hbm4b:s4+s22], $0x80, s3, s22, $0xb8;
	[tilespmem:$0x1C200] =	vst v63  }
0x62: {  	_ =	swait.ge [sflag:s29], $0x4000  }
0x63: {  	[sflag:s29] =	ssyncset.done $0x0  }
0x64: {  	[sflag:s29] =	ssyncadd.s32 $0xFFFFC000  }
0x65: {  	[spmem:s2] =	stream.indirect.scatter.add.f32 [tilespmem:s26], [sflag:$0x3], $0x80, s25, s22, $0xb8;
	[tilespmem:$0x1C200] =	vst v63  }
0x66: {  	_ =	swait.ge [sflag:s21], $0x4000  }
0x67: {  	[sflag:s21] =	ssyncset.done $0x0  }
0x68: {  	s7 =	sadd.s32 s1, s18;
	[sflag:s21] =	ssyncadd.s32 $0xFFFFC000  }
0x69: {  	[tilespmem:s24], [sflag:$0x3] =	stream.linear.gather [hbm4b:s7+s3], $0x80, $0x38;
	[tilespmem:$0x1C200] =	vst v63  }
0x6a: {  	_ =	swait.ge [sflag:s21], $0x80  }
0x6b: {  	[sflag:s21] =	ssyncset.done $0x0  }
.Ltmp0:
0x6c: {  	s1 =	sadd.s32 s1, s17;
	[sflag:s21] =	ssyncadd.s32 $0xFFFFFF80;
	(pc) =	sbr.rel @p0 .LBB2_2-.Ltmp0, $4  }
0x6d: {  	[tilespmem:s25], [sflag:$0x3] =	stream.linear.gather [hbm4b:s1+s3], $0x80, $0x38;
	[tilespmem:$0x1C200] =	vst v63  }
0x6e: {  	_ =	swait.ge [sflag:s21], $0x80  }
0x6f: {  	[sflag:s21] =	ssyncset.done $0x0  }
0x70: {  	s0 =	sadd.s32 $0x100, s0;
	[sflag:s21] =	ssyncadd.s32 $0xFFFFFF80  }
0x71: {  	[tilespmem:s26], [sflag:$0x2] =	stream.indirect.gather [hbm4b:s4+s22], $0x80, s24, s22, $0xb8;
	[tilespmem:$0x1C200] =	vst v63  }
0x72: {  	_ =	swait.ge [sflag:s28], $0x4000  }
0x73: {  	[sflag:s28] =	ssyncset.done $0x0  }
0x74: {  	[sflag:s28] =	ssyncadd.s32 $0xFFFFC000  }
0x75: {  	[spmem:s2] =	stream.indirect.scatter.add.f32 [tilespmem:s23], [sflag:$0x3], $0x80, s22, s22, $0xb8;
	[tilespmem:$0x1C200] =	vst v63  }
0x76: {  	_ =	swait.ge [sflag:s21], $0x4000  }
0x77: {  	[sflag:s21] =	ssyncset.done $0x0  }
0x78: {  	[sflag:s21] =	ssyncadd.s32 $0xFFFFC000  }
0x79: {  	[tilespmem:s3], [sflag:$0x3] =	stream.linear.gather [hbm4b:s13+s3], $0x80, $0x38;
	[tilespmem:$0x1C200] =	vst v63  }
0x7a: {  	_ =	swait.ge [sflag:s21], $0x80  }
0x7b: {  	[sflag:s21] =	ssyncset.done $0x0  }
0x7c: {  	[sflag:s21] =	ssyncadd.s32 $0xFFFFFF80  }
0x7d: {  	[tilespmem:s22], [sflag:$0x3] =	stream.linear.gather [hbm4b:s14+s3], $0x80, $0x38;
	[tilespmem:$0x1C200] =	vst v63  }
0x7e: {  	_ =	swait.ge [sflag:s21], $0x80  }
0x7f: {  	[sflag:s21] =	ssyncset.done $0x0  }
0x80: {  	[sflag:s21] =	ssyncadd.s32 $0xFFFFFF80  }
0x81: {  	[tilespmem:s23], [sflag:$0x1] =	stream.indirect.gather [hbm4b:s4+s22], $0x80, s3, s22, $0xb8;
	[tilespmem:$0x1C200] =	vst v63  }
0x82: {  	_ =	swait.ge [sflag:s29], $0x4000  }
0x83: {  	[sflag:s29] =	ssyncset.done $0x0  }
0x84: {  	[sflag:s29] =	ssyncadd.s32 $0xFFFFC000  }
0x85: {  	[spmem:s2] =	stream.indirect.scatter.add.f32 [tilespmem:s26], [sflag:$0x3], $0x80, s25, s22, $0xb8;
	[tilespmem:$0x1C200] =	vst v63  }
0x86: {  	_ =	swait.ge [sflag:s21], $0x4000  }
0x87: {  	[sflag:s21] =	ssyncset.done $0x0  }
0x88: {  	[sflag:s21] =	ssyncadd.s32 $0xFFFFC000  }
0x89: {  	_ =	swait.ge [sflag:s28], $0x4000  }
0x8a: {  	[sflag:s28] =	ssyncset.done $0x0  }
0x8b: {  	[sflag:s28] =	ssyncadd.s32 $0xFFFFC000  }
0x8c: {  	[spmem:s2] =	stream.indirect.scatter.add.f32 [tilespmem:s23], [sflag:$0x3], $0x80, s22, s22, $0xb8;
	[tilespmem:$0x1C200] =	vst v63  }
0x8d: {  	_ =	swait.ge [sflag:s21], $0x4000  }
0x8e: {  	[sflag:s21] =	ssyncset.done $0x0  }
0x8f: {  	[sflag:s21] =	ssyncadd.s32 $0xFFFFC000  }
0x90: {  	[bflag:$0x0] =	sbarrier.arrive $0xFFFF  }
0x91: {  	[hbm:s15], [sflag:s8] =	dma.local [spmem:s20], $0x2800  }
0x92: {  	s30 =	sadd.s32 $0x1, s30;
	_ =	swait.ge [sflag:s21], $0x2800  }
0x93: {  	p0 =	sne.s32 s30, s16;
	[sflag:s21] =	ssyncset.done $0x0  }
.Ltmp1:
0x94: {  	[sflag:s21] =	ssyncadd.s32 $0xFFFFD800;
	(pc) =	sbr.rel @p0 .LBB2_1-.Ltmp1, $4  }
0x95: {  	[hbm:s15], [sflag:s8] =	dma.local [spmem:s20], $0x2800  }
0x96: {  	_ =	swait.ge [sflag:s21], $0x2800  }
0x97: {  	[sflag:s21] =	ssyncset.done $0x0  }
0x98: {  	[sflag:s21] =	ssyncadd.s32 $0xFFFFD800  }
0x99: {  	_ =	sfence.sel $0x180000  }
0x9a: {  	[bflag:$0x0] =	sbarrier.arrive $0xFFFF  }
0x9b: {  	_ =	strace $0x9000004D  }
0x9c: {  	s0 =	stileid.u32;
	[bflag:$0x2] =	sbarrier.arrive $0xFFFF  }
0x9d: {  	p0 =	sne.s32 s0, $0x0;
	s0 =	rddreg [dreg:$0x2]  }
0x9e: {  	s0 =	sadd.s32 @!p0 $0x100000, s0  }
0x9f: {  	[sflag:s0] =	ssyncadd.tile.s32 @!p0 $0x1;
	_ =	shalt  }
.Lfunc_end2:
_tile_overlayer_lowered:
.L_overlay_start_2:
0xa0: {  	(tag) =	ssettag $0x2  }
0xa1: {  	s0 =	rddreg [dreg:$0x0];
	s2 =	stileid.u32  }
0xa2: {  	s1 =	rddreg [dreg:$0x1];
	p0 =	sne.s32 s2, $0x0  }
0xa3: {  	s3 =	rddreg [dreg:$0x2];
	[bflag:$0x3] =	sbarrier.arrive $0xFFFF;
	s2 =	simm.s32 @!p0 $0x1C03  }
0xa4: {  	[timem:s3], [sflag:s2] =	dma.local @!p0 [hbm:s0], s1  }
0xa5: {  	s0 =	simm.s32 @!p0 $0x3  }
0xa6: {  	_ =	swait.ge @!p0 [sflag:s0], s1  }
0xa7: {  	s1 =	ssub.s32 @!p0 $0x0, s1;
	[sflag:s0] =	ssyncset.done @!p0 $0x0  }
0xa8: {  	[sflag:s0] =	ssyncadd.s32 @!p0 s1  }
0xa9: {  	[bflag:$0x3] =	sbarrier.arrive $0xFFFF  }
0xaa: {  	_ =	shalt  }

// kernel: kernel.21.cloned.1.call-start
scs
__scs_entry_jumppad:
0x0: {  	(pc) =	sbr.rel $0x88, $3  }
0x1: {  	(tag) =	ssettag $0x0;
	lr =	simm.s32 $0x1  }
0x2: {  	[smem:$0x3F97] =	sst lr;
	_ =	strace $0xD0000000  }
0x3: {  	_ = 	snop  }
0x4: {  	_ = 	snop  }
0x5: {  	_ = 	snop  }
0x6: {  	_ = 	snop  }
0x7: {  	_ = 	snop  }
__scs_overlays_trampoline_lowered:
0x8: {  	[smem:$0x3FA6] =	sst s0  }
0x9: {  	[smem:$0x3FA7] =	sst s1  }
0xa: {  	[smem:$0x3FA8] =	sst s2  }
0xb: {  	[smem:$0x3FA9] =	sst s3  }
0xc: {  	[smem:$0x3FAA] =	sst s4  }
0xd: {  	[smem:$0x3FAB] =	sst s5  }
0xe: {  	[smem:$0x3FAC] =	sst s6  }
0xf: {  	[smem:$0x3FAD] =	sst s7  }
0x10: {  	[smem:$0x3FAE] =	sst s8  }
0x11: {  	[smem:$0x3FAF] =	sst s9;
	s0 =	simm.s32 @!p0 $0x0  }
0x12: {  	s1 =	sld [smem:$0x3F95];
	s0 =	simm.s32 @p0 $0x1  }
0x13: {  	[smem:$0x3FB0] =	sst s0;
	s0 =	simm.s32 @!p1 $0x0  }
0x14: {  	s2 =	sld [smem:$0x3F94];
	s0 =	simm.s32 @p1 $0x1  }
0x15: {  	[smem:$0x3FB1] =	sst s0;
	s0 =	simm.s32 @!p2 $0x0  }
0x16: {  	s3 =	sld [smem:$0x3FDB];
	s0 =	simm.s32 @p2 $0x1  }
0x17: {  	s4 =	simm.s32 $0x1BF5;
	[smem:$0x3FB3] =	sst s0  }
0x18: {  	s0 =	sld [smem:$0x3F96];
	_ =	swait.ge [sflag:s4], $0x0  }
0x19: {  	s7 =	sld [smem:$0x3F97]  }
0x1a: {  	s8 =	sadd.s32 $0xFFFFE003, lr  }
0x1b: {  	s9 =	sadd.s32 $0xFFFFFEF7, lr;
	s5 =	simm.s32 $0xFFFFFFFF;
	p2 =	slt.u32 s8, $0xFFFFF086  }
0x1c: {  	p1 =	slt.u32 s9, $0xF7A;
	s5 =	simm.s32 @!p2 $0x0  }
0x1d: {  	s5 =	simm.s32 @p1 $0x1;
	p0 =	seq.s32 s7, s2  }
0x1e: {  	s7 =	smul.u32 @!p0 $0xF7A, s2;
	p2 =	seq.s32 @!p0 s5, $0x0  }
0x1f: {  	s9 =	smul.u32 $0xF7A, s1;
	s8 =	simm.s32 @!p0 $0x1BF5;
	p2 =	por !p2, p0  }
0x20: {  	[sflag:s8] =	ssyncset.s32 @!p0 $0xFFFFF086;
	s6 =	sadd.s32 @!p0 s3, s7;
	s7 =	simm.s32 @!p0 $0x108  }
0x21: {  	s3 =	sadd.s32 s3, s9;
	s6 =	sadd.s32 @!p0 $0x88, s6;
	s7 =	simm.s32 @p2 $0x1082  }
0x22: {  	[simem:s7], [sflag:s8] =	dma.local @!p0 [hbm:s6], $0xF7A  }
0x23: {  	s9 =	sor.u32 $0xD0000000, s2;
	s6 =	simm.s32 $0x108;
	_ =	swait.ge @!p0 [sflag:s8], $0x0  }
0x24: {  	s3 =	sadd.s32 $0x88, s3;
	s6 =	simm.s32 @!p1 $0x1082;
	[sflag:s4] =	ssyncset.s32 $0xFFFFF086  }
0x25: {  	[simem:s6], [sflag:s4] =	dma.local [hbm:s3], $0xF7A  }
0x26: {  	[smem:$0x3F97] =	sst s1;
	(tag) =	ssettag s2;
	_ =	strace s9  }
0x27: {  	s1 =	sld [smem:$0x3FA7]  }
0x28: {  	s2 =	sld [smem:$0x3FA8]  }
0x29: {  	s4 =	sld [smem:$0x3FAA]  }
0x2a: {  	p0 =	seq.s32 s5, $0x0;
	s5 =	sld [smem:$0x3FAB]  }
0x2b: {  	s6 =	sld [smem:$0x3FAC]  }
0x2c: {  	s7 =	sld [smem:$0x3FAD]  }
0x2d: {  	s3 =	simm.s32 $0x108;
	s8 =	sld [smem:$0x3FAE]  }
0x2e: {  	s3 =	simm.s32 @!p0 $0x1082;
	s9 =	sld [smem:$0x3FAF]  }
0x2f: {  	lr =	sadd.s32 s0, s3;
	s0 =	sld [smem:$0x3FA6]  }
0x30: {  	s3 =	sld [smem:$0x3FA9]  }
0x31: {  	[smem:$0x3FB2] =	sst s10  }
0x32: {  	s10 =	sld [smem:$0x3FB0];
	_ =	sdelay $0x3  }
0x33: {  	p0 =	seq.s32 s10, $0x1;
	s10 =	sld [smem:$0x3FB2];
	_ =	sdelay $0x3  }
0x34: {  	[smem:$0x3FB2] =	sst s10  }
0x35: {  	s10 =	sld [smem:$0x3FB1];
	_ =	sdelay $0x3  }
0x36: {  	p1 =	seq.s32 s10, $0x1;
	s10 =	sld [smem:$0x3FB2];
	_ =	sdelay $0x3  }
0x37: {  	[smem:$0x3FB2] =	sst s10  }
0x38: {  	s10 =	sld [smem:$0x3FB3]  }
0x39: {  	_ = 	snop;
	(pc) =	sbr.ind lr, $3  }
0x3a: {  	_ = 	snop  }
0x3b: {  	_ = 	snop  }
0x3c: {  	p2 =	seq.s32 s10, $0x1;
	s10 =	sld [smem:$0x3FB2]  }
0x3d: {  	_ =	shalt  }
0x3e: {  	_ =	shalt  }
0x3f: {  	_ =	shalt  }
0x40: {  	_ =	shalt  }
0x41: {  	_ =	shalt  }
0x42: {  	_ =	shalt  }
0x43: {  	_ =	shalt  }
0x44: {  	_ =	shalt  }
0x45: {  	_ =	shalt  }
0x46: {  	_ =	shalt  }
0x47: {  	_ =	shalt  }
0x48: {  	_ =	shalt  }
0x49: {  	_ =	shalt  }
0x4a: {  	_ =	shalt  }
0x4b: {  	_ =	shalt  }
0x4c: {  	_ =	shalt  }
0x4d: {  	_ =	shalt  }
0x4e: {  	_ =	shalt  }
0x4f: {  	_ =	shalt  }
0x50: {  	_ =	shalt  }
0x51: {  	_ =	shalt  }
0x52: {  	_ =	shalt  }
0x53: {  	_ =	shalt  }
0x54: {  	_ =	shalt  }
0x55: {  	_ =	shalt  }
0x56: {  	_ =	shalt  }
0x57: {  	_ =	shalt  }
0x58: {  	_ =	shalt  }
0x59: {  	_ =	shalt  }
0x5a: {  	_ =	shalt  }
0x5b: {  	_ =	shalt  }
0x5c: {  	_ =	shalt  }
0x5d: {  	_ =	shalt  }
0x5e: {  	_ =	shalt  }
0x5f: {  	_ =	shalt  }
0x60: {  	_ =	shalt  }
0x61: {  	_ =	shalt  }
0x62: {  	_ =	shalt  }
0x63: {  	_ =	shalt  }
0x64: {  	_ =	shalt  }
0x65: {  	_ =	shalt  }
0x66: {  	_ =	shalt  }
0x67: {  	_ =	shalt  }
0x68: {  	_ =	shalt  }
0x69: {  	_ =	shalt  }
0x6a: {  	_ =	shalt  }
0x6b: {  	_ =	shalt  }
0x6c: {  	_ =	shalt  }
0x6d: {  	_ =	shalt  }
0x6e: {  	_ =	shalt  }
0x6f: {  	_ =	shalt  }
0x70: {  	_ =	shalt  }
0x71: {  	_ =	shalt  }
0x72: {  	_ =	shalt  }
0x73: {  	_ =	shalt  }
0x74: {  	_ =	shalt  }
0x75: {  	_ =	shalt  }
0x76: {  	_ =	shalt  }
0x77: {  	_ =	shalt  }
0x78: {  	_ =	shalt  }
0x79: {  	_ =	shalt  }
0x7a: {  	_ =	shalt  }
0x7b: {  	_ =	shalt  }
0x7c: {  	_ =	shalt  }
0x7d: {  	_ =	shalt  }
0x7e: {  	_ =	shalt  }
0x7f: {  	_ =	shalt  }
0x80: {  	_ =	shalt  }
0x81: {  	_ =	shalt  }
0x82: {  	_ =	shalt  }
0x83: {  	_ =	shalt  }
0x84: {  	_ =	shalt  }
0x85: {  	_ =	shalt  }
0x86: {  	_ =	shalt  }
0x87: {  	_ =	shalt  }
.Lfunc_end0:
.L_simem_size_0:
called_computation.3_lowered:
.L_overlay_start_0:
0x88: {  	s2 =	sld [smem:$0x3FD9]  }
0x89: {  	s3 =	sld [smem:$0x3FFE];
	_ =	sdelay $0x1  }
0x8a: {  	s1 =	srdreg.scid  }
0x8b: {  	s0 =	sand.u32 $0x1, s1  }
0x8c: {  	s16 =	sshll.u32 s0, $0xA;
	s2 =	sadd.s32 s3, s2  }
0x8d: {  	s2 =	sadd.s32 s2, s16  }
0x8e: {  	[smem:$0x3FBE] =	sst s2  }
0x8f: {  	_ = 	snop  }
0x90: {  	(tm) =	ssettm $0x1  }
0x91: {  	s17 =	sld [smem:$0x3FFB];
	_ =	sdelay $0x3  }
0x92: {  	_ =	strace s17  }
0x93: {  	s2 =	sld [smem:$0x3FFC];
	_ =	sdelay $0x3  }
0x94: {  	_ =	strace s2  }
0x95: {  	s2 =	sld [smem:$0x3FFD];
	_ =	sdelay $0x3  }
0x96: {  	_ =	strace s2  }
0x97: {  	_ =	strace $0x8FFFFFFF  }
0x98: {  	s18 =	sld [smem:$0x3FDB];
	_ =	sdelay $0x1  }
0x99: {  	s19 =	simm.s32 $_scs_section_size  }
0x9a: {  	s4 =	simm.s32 $_size__tile_overlayer_lowered;
	s5 =	simm.s32 $_tile_overlayer_lowered  }
0x9b: {  	s22 =	simm.s32 $0x1BFF;
	s21 =	sshll.u32 s5, $0x1;
	s2 =	sadd.s32 s19, s18  }
0x9c: {  	s6 =	simm.s32 $0x0;
	s20 =	sshll.u32 s4, $0x1;
	s4 =	sadd.s32 s21, s2  }
0x9d: {  	[timem:s6], [sflag:s22] =	dma.local [hbm:s4], s20  }
0x9e: {  	_ =	swait.ge [sflag:s22], s20  }
0x9f: {  	s3 =	ssub.s32 $0x0, s20;
	[sflag:s22] =	ssyncset.done $0x0  }
0xa0: {  	[sflag:s22] =	ssyncadd.s32 s3;
	_ =	sdelay $0x1  }
0xa1: {  	s23 =	simm.s32 $0x1B8B  }
0xa2: {  	_ =	swait.ge [sflag:s23], $0x1  }
0xa3: {  	[sflag:s23] =	ssyncset.done $0x0  }
0xa4: {  	s25 =	simm.s32 $0x1B8E;
	s24 =	sld [smem:$0x3FFE];
	[sflag:s23] =	ssyncadd.s32 $0xFFFFFFFF  }
0xa5: {  	s26 =	simm.s32 $execute0_lowered;
	[smem:$0x3FD2] =	sst s25  }
0xa6: {  	s4 =	sshll.u32 s26, $0x1;
	_ =	strace $0x8000004F;
	[dreg:$0x1] =	wrdreg $0xFFFFFFFF  }
0xa7: {  	s28 =	simm.s32 $_size_execute0_lowered;
	s2 =	sadd.s32 s2, s4;
	[dreg:$0x0] =	wrdreg $0x0  }
0xa8: {  	s4 =	sshll.u32 s28, $0x1;
	[dreg:$0x2] =	wrdreg s2  }
0xa9: {  	[dreg:$0x3] =	wrdreg s4  }
0xaa: {  	[dreg:$0x4] =	wrdreg $0xC0  }
0xab: {  	_ =	task [dreg:s6], $0x5FFFF  }
0xac: {  	[dreg:$0x1] =	wrdreg $0xFFFFFFFF  }
0xad: {  	[dreg:$0x0] =	wrdreg $0x60  }
0xae: {  	[dreg:$0x2] =	wrdreg s24  }
0xaf: {  	[dreg:$0x3] =	wrdreg $0x82000  }
0xb0: {  	[dreg:$0x4] =	wrdreg $0x9  }
0xb1: {  	_ =	task.clear_ibuf [dreg:s6], $0x5FFFF;
	_ =	strace $0x9000004F  }
0xb2: {  	s29 =	simm.s32 $0x9;
	_ =	strace $0x80000051  }
0xb3: {  	_ =	swait.ge [sflag:s29], $0x1  }
0xb4: {  	[sflag:s29] =	ssyncadd.s32 $0xFFFFFFFF  }
0xb5: {  	_ =	strace $0x90000051  }
0xb6: {  	_ =	sfence  }
0xb7: {  	s30 =	sld [smem:$0x0];
	_ =	sdelay $0x2  }
0xb8: {  	s31 =	sshll.u32 s1, $0xD;
	s1 =	sshrl.u32 s1, $0x2  }
0xb9: {  	s3 =	sand.u32 $0x4000, s31;
	s1 =	sadd.s32 s1, s30  }
0xba: {  	s0 =	sor.u32 s3, s0;
	s1 =	sshll.u32 s1, $0x11  }
0xbb: {  	s0 =	sor.u32 s1, s0  }
0xbc: {  	s0 =	sadd.s32 $0x8F2B, s0  }
0xbd: {  	[sflag:s0] =	ssyncadd.remote.s32 $0x1  }
0xbe: {  	_ =	sfence.sel $0xFFFF  }
0xbf: {  	[dreg:$0x0] =	wrdreg $0xFFFFFFFF;
	(pc) =	sbr.abs _section_cstart, $3  }
0xc0: {  	[dreg:$0x1] =	wrdreg $0xFFFFFFFF  }
0xc1: {  	_ =	task.clear_ibuf [dreg:s6], $0x2FFFF;
	_ =	strace $0x9FFFFFFF  }
0xc2: {  	(tm) =	ssettm $0x7FFFFFFF  }
0xc3: {  	_ =	shalt  }
tec
execute0_lowered:
.L_overlay_start_1:
0x0: {  	(tag) =	ssettag $0x1  }
0x1: {  	s0 =	rddreg [dreg:$0x0]  }
0x2: {  	s2 =	rddreg [dreg:$0x1]  }
0x3: {  	s1 =	stileid.u32;
	s4 =	srdreg.scid  }
0x4: {  	s3 =	simm.s32 $0x0;
	s28 =	simm.s32 $0x1;
	s29 =	simm.s32 $0x2  }
0x5: {  	s30 =	simm.s32 $0x0;
	s6 =	smul.u32 $0x14000, s1;
	s8 =	sand.u32 $0x1, s4  }
0x6: {  	[smem:$0x7FF] =	sst s3;
	s4 =	sadd.s32 $0x17400, s0;
	s12 =	smul.u32 $0x50000, s1  }
0x7: {  	s5 =	sadd.s32 $0xD600, s0;
	s24 =	sshll.u32 s1, $0x6;
	s14 =	smul.u32 $0x2780, s1  }
0x8: {  	s7 =	smul.u32 $0x140000, s8;
	_ =	strace $0x80000050;
	s10 =	ssub.s32 $0x2, s8  }
0x9: {  	s11 =	sshll.u32 s8, $0x4;
	s23 =	smul.u32 $0x27800, s8;
	s8 =	sor.u32 $0x1C03, s24  }
0xa: {  	s24 =	simm.s32 $0x100;
	s9 =	sshrl.u32 s6, $0x3;
	s18 =	sshrl.u32 s10, $0x1  }
0xb: {  	s11 =	sor.u32 s1, s11;
	s21 =	sshrl.u32 s12, $0x2;
	s7 =	sadd.s32 s6, s7  }
0xc: {  	s6 =	sadd.s32 $0x3200, s0;
	s9 =	sadd.s32 s9, s0;
	s16 =	ssub.s32 s10, s18  }
0xd: {  	s19 =	smul.u32 $0x2780, s11;
	s20 =	sadd.s32 s21, s2;
	s21 =	simm.s32 $0x3  }
0xe: {  	s7 =	sshrl.u32 s7, $0x3;
	s22 =	sadd.s32 $0x3F400, s9;
	s16 =	smax.u32 s16, $0x1  }
0xf: {  	s20 =	sshrl.u32 s20, $0x3;
	s0 =	sadd.s32 s7, s0;
	[dreg:$0x3] =	wrdreg s22  }
0x10: {  	s13 =	sshrl.u32 s19, $0x3;
	s19 =	sadd.s32 s14, s23;
	s22 =	simm.s32 $0x80  }
0x11: {  	s23 =	simm.s32 $0x200;
	s25 =	sadd.s32 s5, s13;
	s15 =	sadd.s32 $0x10, s13  }
0x12: {  	s10 =	sadd.s32 s6, s13;
	s26 =	sadd.s32 $0x4E0, s13;
	s31 =	sadd.s32 $0x180, s19  }
0x13: {  	s19 =	sadd.s32 $0x100, s19;
	[dreg:$0x4] =	wrdreg s25;
	s11 =	sadd.s32 s5, s15  }
0x14: {  	s12 =	sadd.s32 s6, s15;
	s13 =	sadd.s32 s5, s26;
	s14 =	sadd.s32 s6, s26  }
0x15: {  	s18 =	sshrl.u32 s31, $0x3;
	s15 =	sadd.s32 $0x67400, s0;
	s25 =	simm.s32 $0x180  }
0x16: {  	s26 =	simm.s32 $0x4200;
	s17 =	sadd.s32 s18, s6;
	s18 =	sadd.s32 s18, s5  }
.LBB2_1:
0x17: {  	s0 =	rddreg [dreg:$0x3]  }
0x18: {  	[spmem:s20], [sflag:s8] =	dma.local [hbm:s0], $0x2800  }
0x19: {  	_ =	swait.ge [sflag:s21], $0x2800  }
0x1a: {  	[sflag:s21] =	ssyncset.done $0x0  }
0x1b: {  	[sflag:s21] =	ssyncadd.s32 $0xFFFFD800  }
0x1c: {  	[bflag:$0x0] =	sbarrier.arrive $0xFFFF  }
0x1d: {  	s9 =	rddreg [dreg:$0x4]  }
0x1e: {  	[tilespmem:s3], [sflag:$0x3] =	stream.linear.gather [hbm4b:s9+s3], $0x80, $0x38;
	[tilespmem:$0x1C200] =	vst v63  }
0x1f: {  	_ =	swait.ge [sflag:s21], $0x80  }
0x20: {  	[sflag:s21] =	ssyncset.done $0x0  }
0x21: {  	[sflag:s21] =	ssyncadd.s32 $0xFFFFFF80  }
0x22: {  	[tilespmem:s22], [sflag:$0x3] =	stream.linear.gather [hbm4b:s10+s3], $0x80, $0x38;
	[tilespmem:$0x1C200] =	vst v63  }
0x23: {  	_ =	swait.ge [sflag:s21], $0x80  }
0x24: {  	[sflag:s21] =	ssyncset.done $0x0  }
0x25: {  	[sflag:s21] =	ssyncadd.s32 $0xFFFFFF80  }
0x26: {  	[tilespmem:s23], [sflag:$0x1] =	stream.indirect.gather [hbm4b:s4+s22], $0x80, s3, s22, $0xb8;
	[tilespmem:$0x1C200] =	vst v63  }
0x27: {  	_ = 	snop  }
0x28: {  	[tilespmem:s24], [sflag:$0x3] =	stream.linear.gather [hbm4b:s11+s3], $0x80, $0x38;
	[tilespmem:$0x1C200] =	vst v63  }
0x29: {  	_ =	swait.ge [sflag:s21], $0x80  }
0x2a: {  	[sflag:s21] =	ssyncset.done $0x0  }
0x2b: {  	[sflag:s21] =	ssyncadd.s32 $0xFFFFFF80  }
0x2c: {  	[tilespmem:s25], [sflag:$0x3] =	stream.linear.gather [hbm4b:s12+s3], $0x80, $0x38;
	[tilespmem:$0x1C200] =	vst v63  }
0x2d: {  	_ =	swait.ge [sflag:s21], $0x80  }
0x2e: {  	[sflag:s21] =	ssyncset.done $0x0  }
0x2f: {  	[sflag:s21] =	ssyncadd.s32 $0xFFFFFF80  }
0x30: {  	[tilespmem:s26], [sflag:$0x2] =	stream.indirect.gather [hbm4b:s4+s22], $0x80, s24, s22, $0xb8;
	[tilespmem:$0x1C200] =	vst v63  }
0x31: {  	_ =	swait.ge [sflag:s28], $0x4000  }
0x32: {  	[sflag:s28] =	ssyncset.done $0x0  }
0x33: {  	[sflag:s28] =	ssyncadd.s32 $0xFFFFC000  }
0x34: {  	[spmem:s2] =	stream.indirect.scatter.add.f32 [tilespmem:s23], [sflag:$0x3], $0x80, s22, s22, $0xb8;
	[tilespmem:$0x1C200] =	vst v63  }
0x35: {  	_ =	swait.ge [sflag:s21], $0x4000  }
0x36: {  	s1 =	sshrl.u32 s19, $0x3;
	[sflag:s21] =	ssyncset.done $0x0  }
0x37: {  	s31 =	sadd.s32 s5, s1;
	[sflag:s21] =	ssyncadd.s32 $0xFFFFC000  }
0x38: {  	[tilespmem:s3], [sflag:$0x3] =	stream.linear.gather [hbm4b:s31+s3], $0x80, $0x38;
	[tilespmem:$0x1C200] =	vst v63  }
0x39: {  	_ =	swait.ge [sflag:s21], $0x80  }
0x3a: {  	[sflag:s21] =	ssyncset.done $0x0  }
0x3b: {  	s0 =	sadd.s32 s6, s1;
	[sflag:s21] =	ssyncadd.s32 $0xFFFFFF80  }
0x3c: {  	[tilespmem:s22], [sflag:$0x3] =	stream.linear.gather [hbm4b:s0+s3], $0x80, $0x38;
	[tilespmem:$0x1C200] =	vst v63  }
0x3d: {  	_ =	swait.ge [sflag:s21], $0x80  }
0x3e: {  	[sflag:s21] =	ssyncset.done $0x0  }
0x3f: {  	[sflag:s21] =	ssyncadd.s32 $0xFFFFFF80  }
0x40: {  	[tilespmem:s23], [sflag:$0x1] =	stream.indirect.gather [hbm4b:s4+s22], $0x80, s3, s22, $0xb8;
	[tilespmem:$0x1C200] =	vst v63  }
0x41: {  	_ =	swait.ge [sflag:s29], $0x4000  }
0x42: {  	[sflag:s29] =	ssyncset.done $0x0  }
0x43: {  	[sflag:s29] =	ssyncadd.s32 $0xFFFFC000  }
0x44: {  	[spmem:s2] =	stream.indirect.scatter.add.f32 [tilespmem:s26], [sflag:$0x3], $0x80, s25, s22, $0xb8;
	[tilespmem:$0x1C200] =	vst v63  }
0x45: {  	_ =	swait.ge [sflag:s21], $0x4000  }
0x46: {  	[sflag:s21] =	ssyncset.done $0x0  }
0x47: {  	s7 =	sadd.s32 $0x0, s18;
	[sflag:s21] =	ssyncadd.s32 $0xFFFFC000  }
0x48: {  	[tilespmem:s24], [sflag:$0x3] =	stream.linear.gather [hbm4b:s7+s3], $0x80, $0x38;
	[tilespmem:$0x1C200] =	vst v63  }
0x49: {  	_ =	swait.ge [sflag:s21], $0x80  }
0x4a: {  	[sflag:s21] =	ssyncset.done $0x0  }
0x4b: {  	s9 =	sadd.s32 $0x0, s17;
	[sflag:s21] =	ssyncadd.s32 $0xFFFFFF80  }
0x4c: {  	[tilespmem:s25], [sflag:$0x3] =	stream.linear.gather [hbm4b:s9+s3], $0x80, $0x38;
	[tilespmem:$0x1C200] =	vst v63  }
0x4d: {  	_ =	swait.ge [sflag:s21], $0x80  }
0x4e: {  	[sflag:s21] =	ssyncset.done $0x0  }
0x4f: {  	s31 =	simm.s32 $0x20;
	s0 =	sadd.s32 $0x100, s19;
	[sflag:s21] =	ssyncadd.s32 $0xFFFFFF80  }
.LBB2_2:
0x50: {  	[tilespmem:s26], [sflag:$0x2] =	stream.indirect.gather [hbm4b:s4+s22], $0x80, s24, s22, $0xb8;
	[tilespmem:$0x1C200] =	vst v63  }
0x51: {  	s1 =	smov.u32 s31  }
0x52: {  	p0 =	sne.s32 s31, $0x4A0;
	s31 =	sadd.s32 $0x20, s31;
	_ =	swait.ge [sflag:s28], $0x4000  }
0x53: {  	[sflag:s28] =	ssyncset.done $0x0  }
0x54: {  	[sflag:s28] =	ssyncadd.s32 $0xFFFFC000  }
0x55: {  	[spmem:s2] =	stream.indirect.scatter.add.f32 [tilespmem:s23], [sflag:$0x3], $0x80, s22, s22, $0xb8;
	[tilespmem:$0x1C200] =	vst v63  }
0x56: {  	_ =	swait.ge [sflag:s21], $0x4000  }
0x57: {  	s7 =	sshrl.u32 s0, $0x3;
	[sflag:s21] =	ssyncset.done $0x0  }
0x58: {  	s9 =	sadd.s32 s5, s7;
	[sflag:s21] =	ssyncadd.s32 $0xFFFFC000  }
0x59: {  	[tilespmem:s3], [sflag:$0x3] =	stream.linear.gather [hbm4b:s9+s3], $0x80, $0x38;
	[tilespmem:$0x1C200] =	vst v63  }
0x5a: {  	_ =	swait.ge [sflag:s21], $0x80  }
0x5b: {  	[sflag:s21] =	ssyncset.done $0x0  }
0x5c: {  	s7 =	sadd.s32 s6, s7;
	[sflag:s21] =	ssyncadd.s32 $0xFFFFFF80  }
0x5d: {  	[tilespmem:s22], [sflag:$0x3] =	stream.linear.gather [hbm4b:s7+s3], $0x80, $0x38;
	[tilespmem:$0x1C200] =	vst v63  }
0x5e: {  	_ =	swait.ge [sflag:s21], $0x80  }
0x5f: {  	[sflag:s21] =	ssyncset.done $0x0  }
0x60: {  	[sflag:s21] =	ssyncadd.s32 $0xFFFFFF80  }
0x61: {  	[tilespmem:s23], [sflag:$0x1] =	stream.indirect.gather [hbm4b:s4+s22], $0x80, s3, s22, $0xb8;
	[tilespmem:$0x1C200] =	vst v63  }
0x62: {  	_ =	swait.ge [sflag:s29], $0x4000  }
0x63: {  	[sflag:s29] =	ssyncset.done $0x0  }
0x64: {  	[sflag:s29] =	ssyncadd.s32 $0xFFFFC000  }
0x65: {  	[spmem:s2] =	stream.indirect.scatter.add.f32 [tilespmem:s26], [sflag:$0x3], $0x80, s25, s22, $0xb8;
	[tilespmem:$0x1C200] =	vst v63  }
0x66: {  	_ =	swait.ge [sflag:s21], $0x4000  }
0x67: {  	[sflag:s21] =	ssyncset.done $0x0  }
0x68: {  	s7 =	sadd.s32 s1, s18;
	[sflag:s21] =	ssyncadd.s32 $0xFFFFC000  }
0x69: {  	[tilespmem:s24], [sflag:$0x3] =	stream.linear.gather [hbm4b:s7+s3], $0x80, $0x38;
	[tilespmem:$0x1C200] =	vst v63  }
0x6a: {  	_ =	swait.ge [sflag:s21], $0x80  }
0x6b: {  	[sflag:s21] =	ssyncset.done $0x0  }
.Ltmp0:
0x6c: {  	s1 =	sadd.s32 s1, s17;
	[sflag:s21] =	ssyncadd.s32 $0xFFFFFF80;
	(pc) =	sbr.rel @p0 .LBB2_2-.Ltmp0, $4  }
0x6d: {  	[tilespmem:s25], [sflag:$0x3] =	stream.linear.gather [hbm4b:s1+s3], $0x80, $0x38;
	[tilespmem:$0x1C200] =	vst v63  }
0x6e: {  	_ =	swait.ge [sflag:s21], $0x80  }
0x6f: {  	[sflag:s21] =	ssyncset.done $0x0  }
0x70: {  	s0 =	sadd.s32 $0x100, s0;
	[sflag:s21] =	ssyncadd.s32 $0xFFFFFF80  }
0x71: {  	[tilespmem:s26], [sflag:$0x2] =	stream.indirect.gather [hbm4b:s4+s22], $0x80, s24, s22, $0xb8;
	[tilespmem:$0x1C200] =	vst v63  }
0x72: {  	_ =	swait.ge [sflag:s28], $0x4000  }
0x73: {  	[sflag:s28] =	ssyncset.done $0x0  }
0x74: {  	[sflag:s28] =	ssyncadd.s32 $0xFFFFC000  }
0x75: {  	[spmem:s2] =	stream.indirect.scatter.add.f32 [tilespmem:s23], [sflag:$0x3], $0x80, s22, s22, $0xb8;
	[tilespmem:$0x1C200] =	vst v63  }
0x76: {  	_ =	swait.ge [sflag:s21], $0x4000  }
0x77: {  	[sflag:s21] =	ssyncset.done $0x0  }
0x78: {  	[sflag:s21] =	ssyncadd.s32 $0xFFFFC000  }
0x79: {  	[tilespmem:s3], [sflag:$0x3] =	stream.linear.gather [hbm4b:s13+s3], $0x80, $0x38;
	[tilespmem:$0x1C200] =	vst v63  }
0x7a: {  	_ =	swait.ge [sflag:s21], $0x80  }
0x7b: {  	[sflag:s21] =	ssyncset.done $0x0  }
0x7c: {  	[sflag:s21] =	ssyncadd.s32 $0xFFFFFF80  }
0x7d: {  	[tilespmem:s22], [sflag:$0x3] =	stream.linear.gather [hbm4b:s14+s3], $0x80, $0x38;
	[tilespmem:$0x1C200] =	vst v63  }
0x7e: {  	_ =	swait.ge [sflag:s21], $0x80  }
0x7f: {  	[sflag:s21] =	ssyncset.done $0x0  }
0x80: {  	[sflag:s21] =	ssyncadd.s32 $0xFFFFFF80  }
0x81: {  	[tilespmem:s23], [sflag:$0x1] =	stream.indirect.gather [hbm4b:s4+s22], $0x80, s3, s22, $0xb8;
	[tilespmem:$0x1C200] =	vst v63  }
0x82: {  	_ =	swait.ge [sflag:s29], $0x4000  }
0x83: {  	[sflag:s29] =	ssyncset.done $0x0  }
0x84: {  	[sflag:s29] =	ssyncadd.s32 $0xFFFFC000  }
0x85: {  	[spmem:s2] =	stream.indirect.scatter.add.f32 [tilespmem:s26], [sflag:$0x3], $0x80, s25, s22, $0xb8;
	[tilespmem:$0x1C200] =	vst v63  }
0x86: {  	_ =	swait.ge [sflag:s21], $0x4000  }
0x87: {  	[sflag:s21] =	ssyncset.done $0x0  }
0x88: {  	[sflag:s21] =	ssyncadd.s32 $0xFFFFC000  }
0x89: {  	_ =	swait.ge [sflag:s28], $0x4000  }
0x8a: {  	[sflag:s28] =	ssyncset.done $0x0  }
0x8b: {  	[sflag:s28] =	ssyncadd.s32 $0xFFFFC000  }
0x8c: {  	[spmem:s2] =	stream.indirect.scatter.add.f32 [tilespmem:s23], [sflag:$0x3], $0x80, s22, s22, $0xb8;
	[tilespmem:$0x1C200] =	vst v63  }
0x8d: {  	_ =	swait.ge [sflag:s21], $0x4000  }
0x8e: {  	[sflag:s21] =	ssyncset.done $0x0  }
0x8f: {  	[sflag:s21] =	ssyncadd.s32 $0xFFFFC000  }
0x90: {  	[bflag:$0x0] =	sbarrier.arrive $0xFFFF  }
0x91: {  	[hbm:s15], [sflag:s8] =	dma.local [spmem:s20], $0x2800  }
0x92: {  	s30 =	sadd.s32 $0x1, s30;
	_ =	swait.ge [sflag:s21], $0x2800  }
0x93: {  	p0 =	sne.s32 s30, s16;
	[sflag:s21] =	ssyncset.done $0x0  }
.Ltmp1:
0x94: {  	[sflag:s21] =	ssyncadd.s32 $0xFFFFD800;
	(pc) =	sbr.rel @p0 .LBB2_1-.Ltmp1, $4  }
0x95: {  	[hbm:s15], [sflag:s8] =	dma.local [spmem:s20], $0x2800  }
0x96: {  	_ =	swait.ge [sflag:s21], $0x2800  }
0x97: {  	[sflag:s21] =	ssyncset.done $0x0  }
0x98: {  	[sflag:s21] =	ssyncadd.s32 $0xFFFFD800  }
0x99: {  	_ =	sfence.sel $0x180000  }
0x9a: {  	[bflag:$0x0] =	sbarrier.arrive $0xFFFF  }
0x9b: {  	_ =	strace $0x90000050  }
0x9c: {  	s0 =	stileid.u32;
	[bflag:$0x2] =	sbarrier.arrive $0xFFFF  }
0x9d: {  	p0 =	sne.s32 s0, $0x0;
	s0 =	rddreg [dreg:$0x2]  }
0x9e: {  	s0 =	sadd.s32 @!p0 $0x100000, s0  }
0x9f: {  	[sflag:s0] =	ssyncadd.tile.s32 @!p0 $0x1;
	_ =	shalt  }
.Lfunc_end2:
_tile_overlayer_lowered:
.L_overlay_start_2:
0xa0: {  	(tag) =	ssettag $0x2  }
0xa1: {  	s0 =	rddreg [dreg:$0x0];
	s2 =	stileid.u32  }
0xa2: {  	s1 =	rddreg [dreg:$0x1];
	p0 =	sne.s32 s2, $0x0  }
0xa3: {  	s3 =	rddreg [dreg:$0x2];
	[bflag:$0x3] =	sbarrier.arrive $0xFFFF;
	s2 =	simm.s32 @!p0 $0x1C03  }
0xa4: {  	[timem:s3], [sflag:s2] =	dma.local @!p0 [hbm:s0], s1  }
0xa5: {  	s0 =	simm.s32 @!p0 $0x3  }
0xa6: {  	_ =	swait.ge @!p0 [sflag:s0], s1  }
0xa7: {  	s1 =	ssub.s32 @!p0 $0x0, s1;
	[sflag:s0] =	ssyncset.done @!p0 $0x0  }
0xa8: {  	[sflag:s0] =	ssyncadd.s32 @!p0 s1  }
0xa9: {  	[bflag:$0x3] =	sbarrier.arrive $0xFFFF  }
0xaa: {  	_ =	shalt  }

</sc_bundles>
